<compile_context>
chip_gen: v7x
topology: tpu7x:2x2x1
jax: 0.10.2.dev20260603
libtpu: 0.0.44.dev20260713+nightly
codegen_flags: <defaults>
</compile_context>

<pallas_src>
import functools

import jax
import jax.numpy as jnp
from jax import lax
from jax.experimental import pallas as pl
from jax.experimental.pallas import tpu as pltpu
from jax.experimental.pallas import tpu_sc as plsc

N = 10000
E = 320000
D_IN = 128
H = 16

NC = 2
NS = 16
NW = NC * NS
CHUNK = 128
NB_TOT = E // CHUNK
NB0 = NB_TOT // NW
NX = NB_TOT - NW * NB0

_f32 = jnp.float32


def _make_edge_pass(D):
    mesh = plsc.VectorSubcoreMesh(core_axis_name="c", subcore_axis_name="s")
    rows_per_sub = N // NS

    @functools.partial(
        pl.kernel,
        mesh=mesh,
        out_type=jax.ShapeDtypeStruct((NC, N, D), _f32),
        compiler_params=pltpu.CompilerParams(use_tc_tiling_on_sc=False),
        scratch_types=[
            pltpu.VMEM((NB0, CHUNK), jnp.int32),
            pltpu.VMEM((NB0, CHUNK), jnp.int32),
            pltpu.VMEM((1, CHUNK), jnp.int32),
            pltpu.VMEM((1, CHUNK), jnp.int32),
            pltpu.VMEM((CHUNK, D), _f32),
            pltpu.VMEM((CHUNK, D), _f32),
            pltpu.VMEM_SHARED((N, D), _f32),
            pltpu.SemaphoreType.DMA,
            pltpu.SemaphoreType.DMA,
            pltpu.SemaphoreType.DMA,
            pltpu.SemaphoreType.DMA,
        ],
    )
    def edge_pass(table_hbm, edge_hbm, zero_hbm, out_hbm,
                  src_v, dst_v, src_x, dst_x, rows0, rows1, acc_sh,
                  sem_g0, sem_g1, sem_s0, sem_s1):
        c = lax.axis_index("c")
        s = lax.axis_index("s")
        w = c * NS + s
        r0 = s * rows_per_sub
        pltpu.sync_copy(zero_hbm.at[pl.ds(r0, rows_per_sub)],
                        acc_sh.at[pl.ds(r0, rows_per_sub)])
        pltpu.sync_copy(edge_hbm.at[0, pl.ds(w * NB0, NB0)], src_v)
        pltpu.sync_copy(edge_hbm.at[1, pl.ds(w * NB0, NB0)], dst_v)

        @pl.when(w < NX)
        def _():
            pltpu.sync_copy(edge_hbm.at[0, pl.ds(NW * NB0 + w, 1)], src_x)
            pltpu.sync_copy(edge_hbm.at[1, pl.ds(NW * NB0 + w, 1)], dst_x)

        pltpu.async_copy(table_hbm.at[src_v.at[0]], rows0, sem_g0)
        plsc.subcore_barrier()

        @pl.loop(0, NB0 // 2)
        def _(jj):
            j = 2 * jj
            pltpu.make_async_copy(table_hbm.at[src_v.at[j]], rows0,
                                  sem_g0).wait()

            @pl.when(jj > 0)
            def _():
                pltpu.make_async_copy(rows1, acc_sh.at[dst_v.at[j]],
                                      sem_s1).wait()

            pltpu.async_copy(table_hbm.at[src_v.at[j + 1]], rows1, sem_g1)
            pltpu.async_copy(rows0, acc_sh.at[dst_v.at[j]], sem_s0, add=True)
            pltpu.make_async_copy(table_hbm.at[src_v.at[j + 1]], rows1,
                                  sem_g1).wait()
            pltpu.make_async_copy(rows0, acc_sh.at[dst_v.at[j]],
                                  sem_s0).wait()

            @pl.when(jj < NB0 // 2 - 1)
            def _():
                pltpu.async_copy(table_hbm.at[src_v.at[j + 2]], rows0, sem_g0)

            pltpu.async_copy(rows1, acc_sh.at[dst_v.at[j + 1]], sem_s1,
                             add=True)

        pltpu.make_async_copy(rows1, acc_sh.at[dst_v.at[NB0 - 1]],
                              sem_s1).wait()

        @pl.when(w < NX)
        def _():
            pltpu.sync_copy(table_hbm.at[src_x.at[0]], rows0)
            pltpu.sync_copy(rows0, acc_sh.at[dst_x.at[0]], add=True)

        plsc.subcore_barrier()
        pltpu.sync_copy(acc_sh.at[pl.ds(r0, rows_per_sub)],
                        out_hbm.at[c, pl.ds(r0, rows_per_sub)])

    return edge_pass


_edge_pass_64 = _make_edge_pass(64)
_edge_pass_80 = _make_edge_pass(80)
_edge_pass_16 = _make_edge_pass(H)


def _mid0_body(a0_ref, a1_ref, b0_ref, b1_ref, x_ref, wl_ref, wr_ref, b_ref,
               h_ref, cm_ref):
    pA = a0_ref[...] + a1_ref[...]
    pB = b0_ref[...] + b1_ref[...]
    cm = jnp.maximum(pB[:, 64:], 1.0)
    p = jnp.concatenate([pA, pB[:, :64]], axis=1)
    agg = p / jnp.concatenate([cm] * (D_IN // H), axis=1)
    h_ref[...] = (jnp.dot(agg, wl_ref[...], preferred_element_type=_f32)
                  + b_ref[...]
                  + jnp.dot(x_ref[...], wr_ref[...],
                            preferred_element_type=_f32))
    cm_ref[...] = cm


_RB = 1000

_mid0 = pl.pallas_call(
    _mid0_body,
    grid=(N // _RB,),
    in_specs=[
        pl.BlockSpec((_RB, 64), lambda i: (i, 0)),
        pl.BlockSpec((_RB, 64), lambda i: (i, 0)),
        pl.BlockSpec((_RB, 80), lambda i: (i, 0)),
        pl.BlockSpec((_RB, 80), lambda i: (i, 0)),
        pl.BlockSpec((_RB, D_IN), lambda i: (i, 0)),
        pl.BlockSpec((D_IN, H), lambda i: (0, 0)),
        pl.BlockSpec((D_IN, H), lambda i: (0, 0)),
        pl.BlockSpec((1, H), lambda i: (0, 0)),
    ],
    out_specs=(pl.BlockSpec((_RB, H), lambda i: (i, 0)),
               pl.BlockSpec((_RB, H), lambda i: (i, 0))),
    out_shape=(jax.ShapeDtypeStruct((N, H), _f32),
               jax.ShapeDtypeStruct((N, H), _f32)),
)


def _mid_body(p0_ref, p1_ref, cm_ref, h_ref, wl_ref, wr_ref, b_ref, hn_ref):
    agg = (p0_ref[...] + p1_ref[...]) / cm_ref[...]
    hn_ref[...] = (jnp.dot(agg, wl_ref[...], preferred_element_type=_f32)
                   + b_ref[...]
                   + jnp.dot(h_ref[...], wr_ref[...],
                             preferred_element_type=_f32))


_mid = pl.pallas_call(
    _mid_body,
    out_shape=jax.ShapeDtypeStruct((N, H), _f32),
)


def _final_body(h_ref, wlin_ref, blin_ref, o_ref):
    pooled = jnp.sum(h_ref[...], axis=0, keepdims=True) / N
    o_ref[...] = jnp.dot(pooled, wlin_ref[...], preferred_element_type=_f32) \
        + blin_ref[...]


_final = pl.pallas_call(
    _final_body,
    out_shape=jax.ShapeDtypeStruct((1, 1), _f32),
)


def kernel(x, edge_index, Wl0, Wr0, b0, Wl1, Wr1, b1, Wl2, Wr2, b2, Wlin, blin):
    edge3 = edge_index.reshape(2, NB_TOT, CHUNK)
    zero64 = jnp.zeros((N, 64), _f32)
    zero80 = jnp.zeros((N, 80), _f32)
    zero16 = jnp.zeros((N, H), _f32)
    tableA = x[:, :64]
    tableB = jnp.concatenate([x[:, 64:], jnp.ones((N, H), _f32)], axis=1)

    paa = _edge_pass_64(tableA, edge3, zero64)
    pab = _edge_pass_80(tableB, edge3, zero80)
    h1, cm = _mid0(paa[0], paa[1], pab[0], pab[1], x, Wl0, Wr0,
                   b0.reshape(1, H))
    pb = _edge_pass_16(h1, edge3, zero16)
    h2 = _mid(pb[0], pb[1], cm, h1, Wl1, Wr1, b1.reshape(1, H))
    pc = _edge_pass_16(h2, edge3, zero16)
    h3 = _mid(pc[0], pc[1], cm, h2, Wl2, Wr2, b2.reshape(1, H))
    return _final(h3, Wlin, blin.reshape(1, 1))

# --- scband reference (transcript-rebuilt; emitter-appended) ---
"""Pipeline reference for scband-sage-5454608466092 (READ-ONLY COPY).

The authoritative reference and input builder live on the scoring server;
editing this copy changes nothing except your own understanding.
"""

import jax, jax.numpy as jnp
import numpy as np

N = 10000
E = 320000
D_IN = 128
H = 16

def _glorot(key, shape):
    fan_in = shape[0]
    return jax.random.normal(key, shape, dtype=jnp.float32) / np.sqrt(fan_in)

def setup_inputs(seed: int = 0):
    key = jax.random.key(seed)
    ks = jax.random.split(key, 16)
    x = jax.random.normal(ks[0], (N, D_IN), dtype=jnp.float32)
    edge_index = jax.random.randint(ks[1], (2, E), 0, N, dtype=jnp.int32)
    inp = {"x": x, "edge_index": edge_index}
    dims = [(D_IN, H), (H, H), (H, H)]
    k = 2
    for i, (din, dout) in enumerate(dims):
        inp[f"Wl{i}"] = _glorot(ks[k], (din, dout)); k += 1
        inp[f"Wr{i}"] = _glorot(ks[k], (din, dout)); k += 1
        inp[f"b{i}"] = jnp.zeros((dout,), dtype=jnp.float32)
    inp["Wlin"] = _glorot(ks[k], (H, 1)); k += 1
    inp["blin"] = jnp.zeros((1,), dtype=jnp.float32)
    return inp

def _sage_conv(x, src, dst, Wl, Wr, b):
    # mean aggregation of source messages onto destination nodes (PyG SAGEConv, aggr='mean')
    msgs = x[src]  # gather [E, d]
    agg = jax.ops.segment_sum(msgs, dst, num_segments=N)  # scatter-add
    cnt = jax.ops.segment_sum(jnp.ones((src.shape[0], 1), x.dtype), dst, num_segments=N)
    agg = agg / jnp.maximum(cnt, 1.0)
    return agg @ Wl + b + x @ Wr

def reference(x, edge_index, Wl0, Wr0, b0, Wl1, Wr1, b1, Wl2, Wr2, b2, Wlin, blin):
    src = edge_index[0]
    dst = edge_index[1]
    h = _sage_conv(x, src, dst, Wl0, Wr0, b0)
    h = _sage_conv(h, src, dst, Wl1, Wr1, b1)
    h = _sage_conv(h, src, dst, Wl2, Wr2, b2)
    pooled = jnp.mean(h, axis=0, keepdims=True)  # global_mean_pool with batch=None -> single graph
    out = pooled @ Wlin + blin
    return out

if __name__ == "__main__":
    import jax
    _d = setup_inputs()
    print(jax.jit(kernel)(*tuple(_d.values())))

</pallas_src>

<mosaic_0001>
#map = affine_map<(d0, d1) -> (0, 0)>
#map1 = affine_map<(d0, d1) -> (0, 0, 0)>
module attributes {stable_mosaic.version = 14 : i64} {
  func.func @edge_pass(%arg0: i32, %arg1: i32, %arg2: memref<10000x16xf32, #tpu.memory_space<hbm>>, %arg3: memref<2x2500x128xi32, #tpu.memory_space<hbm>>, %arg4: memref<10000x16xf32, #tpu.memory_space<hbm>>, %arg5: memref<2x10000x16xf32, #tpu.memory_space<hbm>>, %arg6: memref<78x128xi32, #tpu.memory_space<vmem>>, %arg7: memref<78x128xi32, #tpu.memory_space<vmem>>, %arg8: memref<1x128xi32, #tpu.memory_space<vmem>>, %arg9: memref<1x128xi32, #tpu.memory_space<vmem>>, %arg10: memref<128x16xf32, #tpu.memory_space<vmem>>, %arg11: memref<128x16xf32, #tpu.memory_space<vmem>>, %arg12: memref<10000x16xf32, #tpu.memory_space<vmem_shared>>, %arg13: memref<!tpu.dma_semaphore, #tpu.memory_space<semaphore_mem>>, %arg14: memref<!tpu.dma_semaphore, #tpu.memory_space<semaphore_mem>>, %arg15: memref<!tpu.dma_semaphore, #tpu.memory_space<semaphore_mem>>, %arg16: memref<!tpu.dma_semaphore, #tpu.memory_space<semaphore_mem>>) attributes {dimension_semantics = [#tpu.dimension_semantics<core_parallel>, #tpu.dimension_semantics<subcore_parallel>], iteration_bounds = array<i64: 2, 16>, scalar_prefetch = 0 : i64, scratch_operands = 11 : i64, tpu.core_type = #tpu.core_type<sc_vector_subcore>, window_params = [{transform_indices = #map}, {transform_indices = #map1}, {transform_indices = #map}, {transform_indices = #map1}]} {
    %mul3A = arith.constant 16 : i32
    %mul3A_0 = arith.muli %arg0, %mul3A : i32
    %add3A = arith.addi %mul3A_0, %arg1 : i32
    %mul3A_1 = arith.constant 625 : i32
    %mul3A_2 = arith.muli %arg1, %mul3A_1 : i32
    "tpu.region"() ({
      %run_scoped3A_32 = tpu.sem_alloc : memref<!tpu.dma_semaphore, #tpu.memory_space<semaphore_mem>>
      %dma_start3A_33 = arith.constant 0 : i32
      %dma_start3A_34 = tpu.memref_slice %arg12[%mul3A_2, %dma_start3A_33] : memref<10000x16xf32, #tpu.memory_space<vmem_shared>> -> memref<625x16xf32, #tpu.memory_space<vmem_shared>>
      %dma_start3A_35 = arith.constant 0 : i32
      %dma_start3A_36 = tpu.memref_slice %arg4[%mul3A_2, %dma_start3A_35] : memref<10000x16xf32, #tpu.memory_space<hbm>> -> memref<625x16xf32, #tpu.memory_space<hbm>>
      tpu.enqueue_dma source(%dma_start3A_36 : memref<625x16xf32, #tpu.memory_space<hbm>>) target(%dma_start3A_34 : memref<625x16xf32, #tpu.memory_space<vmem_shared>>) target_semaphore(%run_scoped3A_32 : memref<!tpu.dma_semaphore, #tpu.memory_space<semaphore_mem>>)
      %dma_wait3A_37 = arith.constant 0 : i32
      %dma_wait3A_38 = tpu.memref_slice %arg12[%mul3A_2, %dma_wait3A_37] : memref<10000x16xf32, #tpu.memory_space<vmem_shared>> -> memref<625x16xf32, #tpu.memory_space<vmem_shared>>
      %dma_wait3A_39 = arith.constant 0 : i32
      %dma_wait3A_40 = tpu.memref_slice %arg4[%mul3A_2, %dma_wait3A_39] : memref<10000x16xf32, #tpu.memory_space<hbm>> -> memref<625x16xf32, #tpu.memory_space<hbm>>
      tpu.wait_dma2 semaphore(%run_scoped3A_32 : memref<!tpu.dma_semaphore, #tpu.memory_space<semaphore_mem>>) src(%dma_wait3A_40 : memref<625x16xf32, #tpu.memory_space<hbm>>) dst(%dma_wait3A_38 : memref<625x16xf32, #tpu.memory_space<vmem_shared>>)
      tpu.yield
    }) : () -> ()
    %mul3A_3 = arith.constant 78 : i32
    %mul3A_4 = arith.muli %add3A, %mul3A_3 : i32
    %run_scoped3A = arith.constant 0 : i32
    "tpu.region"() ({
      %run_scoped3A_32 = tpu.sem_alloc : memref<!tpu.dma_semaphore, #tpu.memory_space<semaphore_mem>>
      %dma_start3A_33 = arith.constant 0 : i32
      %dma_start3A_34 = tpu.memref_slice %arg3[%run_scoped3A, %mul3A_4, %dma_start3A_33] : memref<2x2500x128xi32, #tpu.memory_space<hbm>> -> memref<1x78x128xi32, #tpu.memory_space<hbm>>
      %dma_start3A_35 = tpu.memref_squeeze %dma_start3A_34 : memref<1x78x128xi32, #tpu.memory_space<hbm>> -> memref<78x128xi32, #tpu.memory_space<hbm>>
      %dma_start3A_36 = arith.constant 0 : i32
      %dma_start3A_37 = tpu.memref_slice %arg3[%run_scoped3A, %mul3A_4, %dma_start3A_36] : memref<2x2500x128xi32, #tpu.memory_space<hbm>> -> memref<1x78x128xi32, #tpu.memory_space<hbm>>
      %dma_start3A_38 = tpu.memref_squeeze %dma_start3A_37 : memref<1x78x128xi32, #tpu.memory_space<hbm>> -> memref<78x128xi32, #tpu.memory_space<hbm>>
      tpu.enqueue_dma source(%dma_start3A_38 : memref<78x128xi32, #tpu.memory_space<hbm>>) target(%arg6 : memref<78x128xi32, #tpu.memory_space<vmem>>) target_semaphore(%run_scoped3A_32 : memref<!tpu.dma_semaphore, #tpu.memory_space<semaphore_mem>>)
      %dma_wait3A_39 = arith.constant 0 : i32
      %dma_wait3A_40 = tpu.memref_slice %arg3[%run_scoped3A, %mul3A_4, %dma_wait3A_39] : memref<2x2500x128xi32, #tpu.memory_space<hbm>> -> memref<1x78x128xi32, #tpu.memory_space<hbm>>
      %dma_wait3A_41 = tpu.memref_squeeze %dma_wait3A_40 : memref<1x78x128xi32, #tpu.memory_space<hbm>> -> memref<78x128xi32, #tpu.memory_space<hbm>>
      %dma_wait3A_42 = arith.constant 0 : i32
      %dma_wait3A_43 = tpu.memref_slice %arg3[%run_scoped3A, %mul3A_4, %dma_wait3A_42] : memref<2x2500x128xi32, #tpu.memory_space<hbm>> -> memref<1x78x128xi32, #tpu.memory_space<hbm>>
      %dma_wait3A_44 = tpu.memref_squeeze %dma_wait3A_43 : memref<1x78x128xi32, #tpu.memory_space<hbm>> -> memref<78x128xi32, #tpu.memory_space<hbm>>
      tpu.wait_dma2 semaphore(%run_scoped3A_32 : memref<!tpu.dma_semaphore, #tpu.memory_space<semaphore_mem>>) src(%dma_wait3A_44 : memref<78x128xi32, #tpu.memory_space<hbm>>) dst(%arg6 : memref<78x128xi32, #tpu.memory_space<vmem>>)
      tpu.yield
    }) : () -> ()
    %mul3A_5 = arith.constant 78 : i32
    %mul3A_6 = arith.muli %add3A, %mul3A_5 : i32
    %run_scoped3A_7 = arith.constant 1 : i32
    "tpu.region"() ({
      %run_scoped3A_32 = tpu.sem_alloc : memref<!tpu.dma_semaphore, #tpu.memory_space<semaphore_mem>>
      %dma_start3A_33 = arith.constant 0 : i32
      %dma_start3A_34 = tpu.memref_slice %arg3[%run_scoped3A_7, %mul3A_6, %dma_start3A_33] : memref<2x2500x128xi32, #tpu.memory_space<hbm>> -> memref<1x78x128xi32, #tpu.memory_space<hbm>>
      %dma_start3A_35 = tpu.memref_squeeze %dma_start3A_34 : memref<1x78x128xi32, #tpu.memory_space<hbm>> -> memref<78x128xi32, #tpu.memory_space<hbm>>
      %dma_start3A_36 = arith.constant 0 : i32
      %dma_start3A_37 = tpu.memref_slice %arg3[%run_scoped3A_7, %mul3A_6, %dma_start3A_36] : memref<2x2500x128xi32, #tpu.memory_space<hbm>> -> memref<1x78x128xi32, #tpu.memory_space<hbm>>
      %dma_start3A_38 = tpu.memref_squeeze %dma_start3A_37 : memref<1x78x128xi32, #tpu.memory_space<hbm>> -> memref<78x128xi32, #tpu.memory_space<hbm>>
      tpu.enqueue_dma source(%dma_start3A_38 : memref<78x128xi32, #tpu.memory_space<hbm>>) target(%arg7 : memref<78x128xi32, #tpu.memory_space<vmem>>) target_semaphore(%run_scoped3A_32 : memref<!tpu.dma_semaphore, #tpu.memory_space<semaphore_mem>>)
      %dma_wait3A_39 = arith.constant 0 : i32
      %dma_wait3A_40 = tpu.memref_slice %arg3[%run_scoped3A_7, %mul3A_6, %dma_wait3A_39] : memref<2x2500x128xi32, #tpu.memory_space<hbm>> -> memref<1x78x128xi32, #tpu.memory_space<hbm>>
      %dma_wait3A_41 = tpu.memref_squeeze %dma_wait3A_40 : memref<1x78x128xi32, #tpu.memory_space<hbm>> -> memref<78x128xi32, #tpu.memory_space<hbm>>
      %dma_wait3A_42 = arith.constant 0 : i32
      %dma_wait3A_43 = tpu.memref_slice %arg3[%run_scoped3A_7, %mul3A_6, %dma_wait3A_42] : memref<2x2500x128xi32, #tpu.memory_space<hbm>> -> memref<1x78x128xi32, #tpu.memory_space<hbm>>
      %dma_wait3A_44 = tpu.memref_squeeze %dma_wait3A_43 : memref<1x78x128xi32, #tpu.memory_space<hbm>> -> memref<78x128xi32, #tpu.memory_space<hbm>>
      tpu.wait_dma2 semaphore(%run_scoped3A_32 : memref<!tpu.dma_semaphore, #tpu.memory_space<semaphore_mem>>) src(%dma_wait3A_44 : memref<78x128xi32, #tpu.memory_space<hbm>>) dst(%arg7 : memref<78x128xi32, #tpu.memory_space<vmem>>)
      tpu.yield
    }) : () -> ()
    %lt3A = arith.constant 4 : i32
    %lt3A_8 = arith.cmpi slt, %add3A, %lt3A : i32
    %convert_element_type3A = arith.extui %lt3A_8 : i1 to i32
    %cond3A = arith.constant 0 : i32
    %cond3A_9 = arith.cmpi ne, %convert_element_type3A, %cond3A : i32
    scf.if %cond3A_9 {
      %add3A_32 = arith.constant 2496 : i32
      %add3A_33 = arith.addi %add3A_32, %add3A : i32
      %run_scoped3A_34 = arith.constant 0 : i32
      "tpu.region"() ({
        %run_scoped3A_38 = tpu.sem_alloc : memref<!tpu.dma_semaphore, #tpu.memory_space<semaphore_mem>>
        %dma_start3A_39 = arith.constant 0 : i32
        %dma_start3A_40 = tpu.memref_slice %arg3[%run_scoped3A_34, %add3A_33, %dma_start3A_39] : memref<2x2500x128xi32, #tpu.memory_space<hbm>> -> memref<1x1x128xi32, #tpu.memory_space<hbm>>
        %dma_start3A_41 = tpu.memref_squeeze %dma_start3A_40 : memref<1x1x128xi32, #tpu.memory_space<hbm>> -> memref<1x128xi32, #tpu.memory_space<hbm>>
        %dma_start3A_42 = arith.constant 0 : i32
        %dma_start3A_43 = tpu.memref_slice %arg3[%run_scoped3A_34, %add3A_33, %dma_start3A_42] : memref<2x2500x128xi32, #tpu.memory_space<hbm>> -> memref<1x1x128xi32, #tpu.memory_space<hbm>>
        %dma_start3A_44 = tpu.memref_squeeze %dma_start3A_43 : memref<1x1x128xi32, #tpu.memory_space<hbm>> -> memref<1x128xi32, #tpu.memory_space<hbm>>
        tpu.enqueue_dma source(%dma_start3A_44 : memref<1x128xi32, #tpu.memory_space<hbm>>) target(%arg8 : memref<1x128xi32, #tpu.memory_space<vmem>>) target_semaphore(%run_scoped3A_38 : memref<!tpu.dma_semaphore, #tpu.memory_space<semaphore_mem>>)
        %dma_wait3A_45 = arith.constant 0 : i32
        %dma_wait3A_46 = tpu.memref_slice %arg3[%run_scoped3A_34, %add3A_33, %dma_wait3A_45] : memref<2x2500x128xi32, #tpu.memory_space<hbm>> -> memref<1x1x128xi32, #tpu.memory_space<hbm>>
        %dma_wait3A_47 = tpu.memref_squeeze %dma_wait3A_46 : memref<1x1x128xi32, #tpu.memory_space<hbm>> -> memref<1x128xi32, #tpu.memory_space<hbm>>
        %dma_wait3A_48 = arith.constant 0 : i32
        %dma_wait3A_49 = tpu.memref_slice %arg3[%run_scoped3A_34, %add3A_33, %dma_wait3A_48] : memref<2x2500x128xi32, #tpu.memory_space<hbm>> -> memref<1x1x128xi32, #tpu.memory_space<hbm>>
        %dma_wait3A_50 = tpu.memref_squeeze %dma_wait3A_49 : memref<1x1x128xi32, #tpu.memory_space<hbm>> -> memref<1x128xi32, #tpu.memory_space<hbm>>
        tpu.wait_dma2 semaphore(%run_scoped3A_38 : memref<!tpu.dma_semaphore, #tpu.memory_space<semaphore_mem>>) src(%dma_wait3A_50 : memref<1x128xi32, #tpu.memory_space<hbm>>) dst(%arg8 : memref<1x128xi32, #tpu.memory_space<vmem>>)
        tpu.yield
      }) : () -> ()
      %add3A_35 = arith.constant 2496 : i32
      %add3A_36 = arith.addi %add3A_35, %add3A : i32
      %run_scoped3A_37 = arith.constant 1 : i32
      "tpu.region"() ({
        %run_scoped3A_38 = tpu.sem_alloc : memref<!tpu.dma_semaphore, #tpu.memory_space<semaphore_mem>>
        %dma_start3A_39 = arith.constant 0 : i32
        %dma_start3A_40 = tpu.memref_slice %arg3[%run_scoped3A_37, %add3A_36, %dma_start3A_39] : memref<2x2500x128xi32, #tpu.memory_space<hbm>> -> memref<1x1x128xi32, #tpu.memory_space<hbm>>
        %dma_start3A_41 = tpu.memref_squeeze %dma_start3A_40 : memref<1x1x128xi32, #tpu.memory_space<hbm>> -> memref<1x128xi32, #tpu.memory_space<hbm>>
        %dma_start3A_42 = arith.constant 0 : i32
        %dma_start3A_43 = tpu.memref_slice %arg3[%run_scoped3A_37, %add3A_36, %dma_start3A_42] : memref<2x2500x128xi32, #tpu.memory_space<hbm>> -> memref<1x1x128xi32, #tpu.memory_space<hbm>>
        %dma_start3A_44 = tpu.memref_squeeze %dma_start3A_43 : memref<1x1x128xi32, #tpu.memory_space<hbm>> -> memref<1x128xi32, #tpu.memory_space<hbm>>
        tpu.enqueue_dma source(%dma_start3A_44 : memref<1x128xi32, #tpu.memory_space<hbm>>) target(%arg9 : memref<1x128xi32, #tpu.memory_space<vmem>>) target_semaphore(%run_scoped3A_38 : memref<!tpu.dma_semaphore, #tpu.memory_space<semaphore_mem>>)
        %dma_wait3A_45 = arith.constant 0 : i32
        %dma_wait3A_46 = tpu.memref_slice %arg3[%run_scoped3A_37, %add3A_36, %dma_wait3A_45] : memref<2x2500x128xi32, #tpu.memory_space<hbm>> -> memref<1x1x128xi32, #tpu.memory_space<hbm>>
        %dma_wait3A_47 = tpu.memref_squeeze %dma_wait3A_46 : memref<1x1x128xi32, #tpu.memory_space<hbm>> -> memref<1x128xi32, #tpu.memory_space<hbm>>
        %dma_wait3A_48 = arith.constant 0 : i32
        %dma_wait3A_49 = tpu.memref_slice %arg3[%run_scoped3A_37, %add3A_36, %dma_wait3A_48] : memref<2x2500x128xi32, #tpu.memory_space<hbm>> -> memref<1x1x128xi32, #tpu.memory_space<hbm>>
        %dma_wait3A_50 = tpu.memref_squeeze %dma_wait3A_49 : memref<1x1x128xi32, #tpu.memory_space<hbm>> -> memref<1x128xi32, #tpu.memory_space<hbm>>
        tpu.wait_dma2 semaphore(%run_scoped3A_38 : memref<!tpu.dma_semaphore, #tpu.memory_space<semaphore_mem>>) src(%dma_wait3A_50 : memref<1x128xi32, #tpu.memory_space<hbm>>) dst(%arg9 : memref<1x128xi32, #tpu.memory_space<vmem>>)
        tpu.yield
      }) : () -> ()
    } else {
    }
    %dma_start3A = arith.constant 0 : i32
    %dma_start3A_10 = arith.constant 0 : i32
    %dma_start3A_11 = tpu.memref_slice %arg6[%dma_start3A, %dma_start3A_10] : memref<78x128xi32, #tpu.memory_space<vmem>> -> memref<1x128xi32, #tpu.memory_space<vmem>>
    %dma_start3A_12 = tpu.memref_squeeze %dma_start3A_11 : memref<1x128xi32, #tpu.memory_space<vmem>> -> memref<128xi32, #tpu.memory_space<vmem>>
    %dma_start3A_13 = arith.constant 0 : i32
    %dma_start3A_14 = arith.constant 0 : i32
    %dma_start3A_15 = tpu.memref_slice %arg2[%dma_start3A_13, %dma_start3A_14] : memref<10000x16xf32, #tpu.memory_space<hbm>> -> memref<10000x16xf32, #tpu.memory_space<hbm>>
    tpu.enqueue_indirect_dma source(%dma_start3A_15 : memref<10000x16xf32, #tpu.memory_space<hbm>>) target(%arg10 : memref<128x16xf32, #tpu.memory_space<vmem>>) offsets(%dma_start3A_12 : memref<128xi32, #tpu.memory_space<vmem>>) semaphore(%arg13 : memref<!tpu.dma_semaphore, #tpu.memory_space<semaphore_mem>>)
    %barrier3A = arith.constant 0 : index
    tpu.barrier barrier_id(%barrier3A)
    %scan3A = arith.constant 0 : i32
    %scan3A_16 = arith.constant 39 : i32
    %scan3A_17 = arith.addi %scan3A, %scan3A_16 : i32
    %scan3A_18 = arith.constant 1 : i32
    scf.for %scan3A_32 = %scan3A to %scan3A_17 step %scan3A_18  : i32 {
      %mul3A_33 = arith.constant 1 : i32
      %mul3A_34 = arith.muli %scan3A_32, %mul3A_33 : i32
      %add3A_35 = arith.constant 0 : i32
      %add3A_36 = arith.addi %add3A_35, %mul3A_34 : i32
      %mul3A_37 = arith.constant 2 : i32
      %mul3A_38 = arith.muli %mul3A_37, %add3A_36 : i32
      %dma_wait3A_39 = arith.constant 0 : i32
      %dma_wait3A_40 = tpu.memref_slice %arg6[%mul3A_38, %dma_wait3A_39] : memref<78x128xi32, #tpu.memory_space<vmem>> -> memref<1x128xi32, #tpu.memory_space<vmem>>
      %dma_wait3A_41 = tpu.memref_squeeze %dma_wait3A_40 : memref<1x128xi32, #tpu.memory_space<vmem>> -> memref<128xi32, #tpu.memory_space<vmem>>
      %dma_wait3A_42 = arith.constant 0 : i32
      %dma_wait3A_43 = arith.constant 0 : i32
      %dma_wait3A_44 = tpu.memref_slice %arg2[%dma_wait3A_42, %dma_wait3A_43] : memref<10000x16xf32, #tpu.memory_space<hbm>> -> memref<10000x16xf32, #tpu.memory_space<hbm>>
      tpu.wait_indirect_dma semaphore(%arg13 : memref<!tpu.dma_semaphore, #tpu.memory_space<semaphore_mem>>) src(%dma_wait3A_44 : memref<10000x16xf32, #tpu.memory_space<hbm>>) dst(%arg10 : memref<128x16xf32, #tpu.memory_space<vmem>>)
      %gt3A = arith.constant 0 : i32
      %gt3A_45 = arith.cmpi sgt, %add3A_36, %gt3A : i32
      %convert_element_type3A_46 = arith.extui %gt3A_45 : i1 to i32
      %cond3A_47 = arith.constant 0 : i32
      %cond3A_48 = arith.cmpi ne, %convert_element_type3A_46, %cond3A_47 : i32
      scf.if %cond3A_48 {
        %dma_wait3A_90 = arith.constant 0 : i32
        %dma_wait3A_91 = tpu.memref_slice %arg7[%mul3A_38, %dma_wait3A_90] : memref<78x128xi32, #tpu.memory_space<vmem>> -> memref<1x128xi32, #tpu.memory_space<vmem>>
        %dma_wait3A_92 = tpu.memref_squeeze %dma_wait3A_91 : memref<1x128xi32, #tpu.memory_space<vmem>> -> memref<128xi32, #tpu.memory_space<vmem>>
        %dma_wait3A_93 = arith.constant 0 : i32
        %dma_wait3A_94 = arith.constant 0 : i32
        %dma_wait3A_95 = tpu.memref_slice %arg12[%dma_wait3A_93, %dma_wait3A_94] : memref<10000x16xf32, #tpu.memory_space<vmem_shared>> -> memref<10000x16xf32, #tpu.memory_space<vmem_shared>>
        tpu.wait_indirect_dma semaphore(%arg16 : memref<!tpu.dma_semaphore, #tpu.memory_space<semaphore_mem>>) src(%arg11 : memref<128x16xf32, #tpu.memory_space<vmem>>) dst(%dma_wait3A_95 : memref<10000x16xf32, #tpu.memory_space<vmem_shared>>)
      } else {
      }
      %add3A_49 = arith.constant 1 : i32
      %add3A_50 = arith.addi %mul3A_38, %add3A_49 : i32
      %dma_start3A_51 = arith.constant 0 : i32
      %dma_start3A_52 = tpu.memref_slice %arg6[%add3A_50, %dma_start3A_51] : memref<78x128xi32, #tpu.memory_space<vmem>> -> memref<1x128xi32, #tpu.memory_space<vmem>>
      %dma_start3A_53 = tpu.memref_squeeze %dma_start3A_52 : memref<1x128xi32, #tpu.memory_space<vmem>> -> memref<128xi32, #tpu.memory_space<vmem>>
      %dma_start3A_54 = arith.constant 0 : i32
      %dma_start3A_55 = arith.constant 0 : i32
      %dma_start3A_56 = tpu.memref_slice %arg2[%dma_start3A_54, %dma_start3A_55] : memref<10000x16xf32, #tpu.memory_space<hbm>> -> memref<10000x16xf32, #tpu.memory_space<hbm>>
      tpu.enqueue_indirect_dma source(%dma_start3A_56 : memref<10000x16xf32, #tpu.memory_space<hbm>>) target(%arg11 : memref<128x16xf32, #tpu.memory_space<vmem>>) offsets(%dma_start3A_53 : memref<128xi32, #tpu.memory_space<vmem>>) semaphore(%arg14 : memref<!tpu.dma_semaphore, #tpu.memory_space<semaphore_mem>>)
      %dma_start3A_57 = arith.constant 0 : i32
      %dma_start3A_58 = tpu.memref_slice %arg7[%mul3A_38, %dma_start3A_57] : memref<78x128xi32, #tpu.memory_space<vmem>> -> memref<1x128xi32, #tpu.memory_space<vmem>>
      %dma_start3A_59 = tpu.memref_squeeze %dma_start3A_58 : memref<1x128xi32, #tpu.memory_space<vmem>> -> memref<128xi32, #tpu.memory_space<vmem>>
      %dma_start3A_60 = arith.constant 0 : i32
      %dma_start3A_61 = arith.constant 0 : i32
      %dma_start3A_62 = tpu.memref_slice %arg12[%dma_start3A_60, %dma_start3A_61] : memref<10000x16xf32, #tpu.memory_space<vmem_shared>> -> memref<10000x16xf32, #tpu.memory_space<vmem_shared>>
      tpu.enqueue_indirect_dma source(%arg10 : memref<128x16xf32, #tpu.memory_space<vmem>>) target(%dma_start3A_62 : memref<10000x16xf32, #tpu.memory_space<vmem_shared>>) offsets(%dma_start3A_59 : memref<128xi32, #tpu.memory_space<vmem>>) semaphore(%arg15 : memref<!tpu.dma_semaphore, #tpu.memory_space<semaphore_mem>>) {add = true}
      %add3A_63 = arith.constant 1 : i32
      %add3A_64 = arith.addi %mul3A_38, %add3A_63 : i32
      %dma_wait3A_65 = arith.constant 0 : i32
      %dma_wait3A_66 = tpu.memref_slice %arg6[%add3A_64, %dma_wait3A_65] : memref<78x128xi32, #tpu.memory_space<vmem>> -> memref<1x128xi32, #tpu.memory_space<vmem>>
      %dma_wait3A_67 = tpu.memref_squeeze %dma_wait3A_66 : memref<1x128xi32, #tpu.memory_space<vmem>> -> memref<128xi32, #tpu.memory_space<vmem>>
      %dma_wait3A_68 = arith.constant 0 : i32
      %dma_wait3A_69 = arith.constant 0 : i32
      %dma_wait3A_70 = tpu.memref_slice %arg2[%dma_wait3A_68, %dma_wait3A_69] : memref<10000x16xf32, #tpu.memory_space<hbm>> -> memref<10000x16xf32, #tpu.memory_space<hbm>>
      tpu.wait_indirect_dma semaphore(%arg14 : memref<!tpu.dma_semaphore, #tpu.memory_space<semaphore_mem>>) src(%dma_wait3A_70 : memref<10000x16xf32, #tpu.memory_space<hbm>>) dst(%arg11 : memref<128x16xf32, #tpu.memory_space<vmem>>)
      %dma_wait3A_71 = arith.constant 0 : i32
      %dma_wait3A_72 = tpu.memref_slice %arg7[%mul3A_38, %dma_wait3A_71] : memref<78x128xi32, #tpu.memory_space<vmem>> -> memref<1x128xi32, #tpu.memory_space<vmem>>
      %dma_wait3A_73 = tpu.memref_squeeze %dma_wait3A_72 : memref<1x128xi32, #tpu.memory_space<vmem>> -> memref<128xi32, #tpu.memory_space<vmem>>
      %dma_wait3A_74 = arith.constant 0 : i32
      %dma_wait3A_75 = arith.constant 0 : i32
      %dma_wait3A_76 = tpu.memref_slice %arg12[%dma_wait3A_74, %dma_wait3A_75] : memref<10000x16xf32, #tpu.memory_space<vmem_shared>> -> memref<10000x16xf32, #tpu.memory_space<vmem_shared>>
      tpu.wait_indirect_dma semaphore(%arg15 : memref<!tpu.dma_semaphore, #tpu.memory_space<semaphore_mem>>) src(%arg10 : memref<128x16xf32, #tpu.memory_space<vmem>>) dst(%dma_wait3A_76 : memref<10000x16xf32, #tpu.memory_space<vmem_shared>>)
      %lt3A_77 = arith.constant 38 : i32
      %lt3A_78 = arith.cmpi slt, %add3A_36, %lt3A_77 : i32
      %convert_element_type3A_79 = arith.extui %lt3A_78 : i1 to i32
      %cond3A_80 = arith.constant 0 : i32
      %cond3A_81 = arith.cmpi ne, %convert_element_type3A_79, %cond3A_80 : i32
      scf.if %cond3A_81 {
        %add3A_90 = arith.constant 2 : i32
        %add3A_91 = arith.addi %mul3A_38, %add3A_90 : i32
        %dma_start3A_92 = arith.constant 0 : i32
        %dma_start3A_93 = tpu.memref_slice %arg6[%add3A_91, %dma_start3A_92] : memref<78x128xi32, #tpu.memory_space<vmem>> -> memref<1x128xi32, #tpu.memory_space<vmem>>
        %dma_start3A_94 = tpu.memref_squeeze %dma_start3A_93 : memref<1x128xi32, #tpu.memory_space<vmem>> -> memref<128xi32, #tpu.memory_space<vmem>>
        %dma_start3A_95 = arith.constant 0 : i32
        %dma_start3A_96 = arith.constant 0 : i32
        %dma_start3A_97 = tpu.memref_slice %arg2[%dma_start3A_95, %dma_start3A_96] : memref<10000x16xf32, #tpu.memory_space<hbm>> -> memref<10000x16xf32, #tpu.memory_space<hbm>>
        tpu.enqueue_indirect_dma source(%dma_start3A_97 : memref<10000x16xf32, #tpu.memory_space<hbm>>) target(%arg10 : memref<128x16xf32, #tpu.memory_space<vmem>>) offsets(%dma_start3A_94 : memref<128xi32, #tpu.memory_space<vmem>>) semaphore(%arg13 : memref<!tpu.dma_semaphore, #tpu.memory_space<semaphore_mem>>)
      } else {
      }
      %add3A_82 = arith.constant 1 : i32
      %add3A_83 = arith.addi %mul3A_38, %add3A_82 : i32
      %dma_start3A_84 = arith.constant 0 : i32
      %dma_start3A_85 = tpu.memref_slice %arg7[%add3A_83, %dma_start3A_84] : memref<78x128xi32, #tpu.memory_space<vmem>> -> memref<1x128xi32, #tpu.memory_space<vmem>>
      %dma_start3A_86 = tpu.memref_squeeze %dma_start3A_85 : memref<1x128xi32, #tpu.memory_space<vmem>> -> memref<128xi32, #tpu.memory_space<vmem>>
      %dma_start3A_87 = arith.constant 0 : i32
      %dma_start3A_88 = arith.constant 0 : i32
      %dma_start3A_89 = tpu.memref_slice %arg12[%dma_start3A_87, %dma_start3A_88] : memref<10000x16xf32, #tpu.memory_space<vmem_shared>> -> memref<10000x16xf32, #tpu.memory_space<vmem_shared>>
      tpu.enqueue_indirect_dma source(%arg11 : memref<128x16xf32, #tpu.memory_space<vmem>>) target(%dma_start3A_89 : memref<10000x16xf32, #tpu.memory_space<vmem_shared>>) offsets(%dma_start3A_86 : memref<128xi32, #tpu.memory_space<vmem>>) semaphore(%arg16 : memref<!tpu.dma_semaphore, #tpu.memory_space<semaphore_mem>>) {add = true}
    }
    %scan3A_19 = arith.constant 39 : i32
    %dma_wait3A = arith.constant 77 : i32
    %dma_wait3A_20 = arith.constant 0 : i32
    %dma_wait3A_21 = tpu.memref_slice %arg7[%dma_wait3A, %dma_wait3A_20] : memref<78x128xi32, #tpu.memory_space<vmem>> -> memref<1x128xi32, #tpu.memory_space<vmem>>
    %dma_wait3A_22 = tpu.memref_squeeze %dma_wait3A_21 : memref<1x128xi32, #tpu.memory_space<vmem>> -> memref<128xi32, #tpu.memory_space<vmem>>
    %dma_wait3A_23 = arith.constant 0 : i32
    %dma_wait3A_24 = arith.constant 0 : i32
    %dma_wait3A_25 = tpu.memref_slice %arg12[%dma_wait3A_23, %dma_wait3A_24] : memref<10000x16xf32, #tpu.memory_space<vmem_shared>> -> memref<10000x16xf32, #tpu.memory_space<vmem_shared>>
    tpu.wait_indirect_dma semaphore(%arg16 : memref<!tpu.dma_semaphore, #tpu.memory_space<semaphore_mem>>) src(%arg11 : memref<128x16xf32, #tpu.memory_space<vmem>>) dst(%dma_wait3A_25 : memref<10000x16xf32, #tpu.memory_space<vmem_shared>>)
    %lt3A_26 = arith.constant 4 : i32
    %lt3A_27 = arith.cmpi slt, %add3A, %lt3A_26 : i32
    %convert_element_type3A_28 = arith.extui %lt3A_27 : i1 to i32
    %cond3A_29 = arith.constant 0 : i32
    %cond3A_30 = arith.cmpi ne, %convert_element_type3A_28, %cond3A_29 : i32
    scf.if %cond3A_30 {
      %run_scoped3A_32 = arith.constant 0 : i32
      "tpu.region"() ({
        %run_scoped3A_34 = tpu.sem_alloc : memref<!tpu.dma_semaphore, #tpu.memory_space<semaphore_mem>>
        %dma_start3A_35 = arith.constant 0 : i32
        %dma_start3A_36 = tpu.memref_slice %arg8[%run_scoped3A_32, %dma_start3A_35] : memref<1x128xi32, #tpu.memory_space<vmem>> -> memref<1x128xi32, #tpu.memory_space<vmem>>
        %dma_start3A_37 = tpu.memref_squeeze %dma_start3A_36 : memref<1x128xi32, #tpu.memory_space<vmem>> -> memref<128xi32, #tpu.memory_space<vmem>>
        %dma_start3A_38 = arith.constant 0 : i32
        %dma_start3A_39 = arith.constant 0 : i32
        %dma_start3A_40 = tpu.memref_slice %arg2[%dma_start3A_38, %dma_start3A_39] : memref<10000x16xf32, #tpu.memory_space<hbm>> -> memref<10000x16xf32, #tpu.memory_space<hbm>>
        tpu.enqueue_indirect_dma source(%dma_start3A_40 : memref<10000x16xf32, #tpu.memory_space<hbm>>) target(%arg10 : memref<128x16xf32, #tpu.memory_space<vmem>>) offsets(%dma_start3A_37 : memref<128xi32, #tpu.memory_space<vmem>>) semaphore(%run_scoped3A_34 : memref<!tpu.dma_semaphore, #tpu.memory_space<semaphore_mem>>)
        %dma_wait3A_41 = arith.constant 0 : i32
        %dma_wait3A_42 = tpu.memref_slice %arg8[%run_scoped3A_32, %dma_wait3A_41] : memref<1x128xi32, #tpu.memory_space<vmem>> -> memref<1x128xi32, #tpu.memory_space<vmem>>
        %dma_wait3A_43 = tpu.memref_squeeze %dma_wait3A_42 : memref<1x128xi32, #tpu.memory_space<vmem>> -> memref<128xi32, #tpu.memory_space<vmem>>
        %dma_wait3A_44 = arith.constant 0 : i32
        %dma_wait3A_45 = arith.constant 0 : i32
        %dma_wait3A_46 = tpu.memref_slice %arg2[%dma_wait3A_44, %dma_wait3A_45] : memref<10000x16xf32, #tpu.memory_space<hbm>> -> memref<10000x16xf32, #tpu.memory_space<hbm>>
        tpu.wait_indirect_dma semaphore(%run_scoped3A_34 : memref<!tpu.dma_semaphore, #tpu.memory_space<semaphore_mem>>) src(%dma_wait3A_46 : memref<10000x16xf32, #tpu.memory_space<hbm>>) dst(%arg10 : memref<128x16xf32, #tpu.memory_space<vmem>>)
        tpu.yield
      }) : () -> ()
      %run_scoped3A_33 = arith.constant 0 : i32
      "tpu.region"() ({
        %run_scoped3A_34 = tpu.sem_alloc : memref<!tpu.dma_semaphore, #tpu.memory_space<semaphore_mem>>
        %dma_start3A_35 = arith.constant 0 : i32
        %dma_start3A_36 = tpu.memref_slice %arg9[%run_scoped3A_33, %dma_start3A_35] : memref<1x128xi32, #tpu.memory_space<vmem>> -> memref<1x128xi32, #tpu.memory_space<vmem>>
        %dma_start3A_37 = tpu.memref_squeeze %dma_start3A_36 : memref<1x128xi32, #tpu.memory_space<vmem>> -> memref<128xi32, #tpu.memory_space<vmem>>
        %dma_start3A_38 = arith.constant 0 : i32
        %dma_start3A_39 = arith.constant 0 : i32
        %dma_start3A_40 = tpu.memref_slice %arg12[%dma_start3A_38, %dma_start3A_39] : memref<10000x16xf32, #tpu.memory_space<vmem_shared>> -> memref<10000x16xf32, #tpu.memory_space<vmem_shared>>
        tpu.enqueue_indirect_dma source(%arg10 : memref<128x16xf32, #tpu.memory_space<vmem>>) target(%dma_start3A_40 : memref<10000x16xf32, #tpu.memory_space<vmem_shared>>) offsets(%dma_start3A_37 : memref<128xi32, #tpu.memory_space<vmem>>) semaphore(%run_scoped3A_34 : memref<!tpu.dma_semaphore, #tpu.memory_space<semaphore_mem>>) {add = true}
        %dma_wait3A_41 = arith.constant 0 : i32
        %dma_wait3A_42 = tpu.memref_slice %arg9[%run_scoped3A_33, %dma_wait3A_41] : memref<1x128xi32, #tpu.memory_space<vmem>> -> memref<1x128xi32, #tpu.memory_space<vmem>>
        %dma_wait3A_43 = tpu.memref_squeeze %dma_wait3A_42 : memref<1x128xi32, #tpu.memory_space<vmem>> -> memref<128xi32, #tpu.memory_space<vmem>>
        %dma_wait3A_44 = arith.constant 0 : i32
        %dma_wait3A_45 = arith.constant 0 : i32
        %dma_wait3A_46 = tpu.memref_slice %arg12[%dma_wait3A_44, %dma_wait3A_45] : memref<10000x16xf32, #tpu.memory_space<vmem_shared>> -> memref<10000x16xf32, #tpu.memory_space<vmem_shared>>
        tpu.wait_indirect_dma semaphore(%run_scoped3A_34 : memref<!tpu.dma_semaphore, #tpu.memory_space<semaphore_mem>>) src(%arg10 : memref<128x16xf32, #tpu.memory_space<vmem>>) dst(%dma_wait3A_46 : memref<10000x16xf32, #tpu.memory_space<vmem_shared>>)
        tpu.yield
      }) : () -> ()
    } else {
    }
    %barrier3A_31 = arith.constant 0 : index
    tpu.barrier barrier_id(%barrier3A_31)
    "tpu.region"() ({
      %run_scoped3A_32 = tpu.sem_alloc : memref<!tpu.dma_semaphore, #tpu.memory_space<semaphore_mem>>
      %dma_start3A_33 = arith.constant 0 : i32
      %dma_start3A_34 = tpu.memref_slice %arg5[%arg0, %mul3A_2, %dma_start3A_33] : memref<2x10000x16xf32, #tpu.memory_space<hbm>> -> memref<1x625x16xf32, #tpu.memory_space<hbm>>
      %dma_start3A_35 = tpu.memref_squeeze %dma_start3A_34 : memref<1x625x16xf32, #tpu.memory_space<hbm>> -> memref<625x16xf32, #tpu.memory_space<hbm>>
      %dma_start3A_36 = arith.constant 0 : i32
      %dma_start3A_37 = tpu.memref_slice %arg12[%mul3A_2, %dma_start3A_36] : memref<10000x16xf32, #tpu.memory_space<vmem_shared>> -> memref<625x16xf32, #tpu.memory_space<vmem_shared>>
      tpu.enqueue_dma source(%dma_start3A_37 : memref<625x16xf32, #tpu.memory_space<vmem_shared>>) target(%dma_start3A_35 : memref<625x16xf32, #tpu.memory_space<hbm>>) target_semaphore(%run_scoped3A_32 : memref<!tpu.dma_semaphore, #tpu.memory_space<semaphore_mem>>)
      %dma_wait3A_38 = arith.constant 0 : i32
      %dma_wait3A_39 = tpu.memref_slice %arg5[%arg0, %mul3A_2, %dma_wait3A_38] : memref<2x10000x16xf32, #tpu.memory_space<hbm>> -> memref<1x625x16xf32, #tpu.memory_space<hbm>>
      %dma_wait3A_40 = tpu.memref_squeeze %dma_wait3A_39 : memref<1x625x16xf32, #tpu.memory_space<hbm>> -> memref<625x16xf32, #tpu.memory_space<hbm>>
      %dma_wait3A_41 = arith.constant 0 : i32
      %dma_wait3A_42 = tpu.memref_slice %arg12[%mul3A_2, %dma_wait3A_41] : memref<10000x16xf32, #tpu.memory_space<vmem_shared>> -> memref<625x16xf32, #tpu.memory_space<vmem_shared>>
      tpu.wait_dma2 semaphore(%run_scoped3A_32 : memref<!tpu.dma_semaphore, #tpu.memory_space<semaphore_mem>>) src(%dma_wait3A_42 : memref<625x16xf32, #tpu.memory_space<vmem_shared>>) dst(%dma_wait3A_40 : memref<625x16xf32, #tpu.memory_space<hbm>>)
      tpu.yield
    }) : () -> ()
    return
  }
}

#map = affine_map<(d0, d1) -> (0, 0)>
#map1 = affine_map<(d0, d1) -> (0, 0, 0)>
module attributes {stable_mosaic.version = 14 : i64} {
  func.func @edge_pass(%arg0: i32, %arg1: i32, %arg2: memref<10000x64xf32, #tpu.memory_space<hbm>>, %arg3: memref<2x2500x128xi32, #tpu.memory_space<hbm>>, %arg4: memref<10000x64xf32, #tpu.memory_space<hbm>>, %arg5: memref<2x10000x64xf32, #tpu.memory_space<hbm>>, %arg6: memref<78x128xi32, #tpu.memory_space<vmem>>, %arg7: memref<78x128xi32, #tpu.memory_space<vmem>>, %arg8: memref<1x128xi32, #tpu.memory_space<vmem>>, %arg9: memref<1x128xi32, #tpu.memory_space<vmem>>, %arg10: memref<128x64xf32, #tpu.memory_space<vmem>>, %arg11: memref<128x64xf32, #tpu.memory_space<vmem>>, %arg12: memref<10000x64xf32, #tpu.memory_space<vmem_shared>>, %arg13: memref<!tpu.dma_semaphore, #tpu.memory_space<semaphore_mem>>, %arg14: memref<!tpu.dma_semaphore, #tpu.memory_space<semaphore_mem>>, %arg15: memref<!tpu.dma_semaphore, #tpu.memory_space<semaphore_mem>>, %arg16: memref<!tpu.dma_semaphore, #tpu.memory_space<semaphore_mem>>) attributes {dimension_semantics = [#tpu.dimension_semantics<core_parallel>, #tpu.dimension_semantics<subcore_parallel>], iteration_bounds = array<i64: 2, 16>, scalar_prefetch = 0 : i64, scratch_operands = 11 : i64, tpu.core_type = #tpu.core_type<sc_vector_subcore>, window_params = [{transform_indices = #map}, {transform_indices = #map1}, {transform_indices = #map}, {transform_indices = #map1}]} {
    %mul3A = arith.constant 16 : i32
    %mul3A_0 = arith.muli %arg0, %mul3A : i32
    %add3A = arith.addi %mul3A_0, %arg1 : i32
    %mul3A_1 = arith.constant 625 : i32
    %mul3A_2 = arith.muli %arg1, %mul3A_1 : i32
    "tpu.region"() ({
      %run_scoped3A_32 = tpu.sem_alloc : memref<!tpu.dma_semaphore, #tpu.memory_space<semaphore_mem>>
      %dma_start3A_33 = arith.constant 0 : i32
      %dma_start3A_34 = tpu.memref_slice %arg12[%mul3A_2, %dma_start3A_33] : memref<10000x64xf32, #tpu.memory_space<vmem_shared>> -> memref<625x64xf32, #tpu.memory_space<vmem_shared>>
      %dma_start3A_35 = arith.constant 0 : i32
      %dma_start3A_36 = tpu.memref_slice %arg4[%mul3A_2, %dma_start3A_35] : memref<10000x64xf32, #tpu.memory_space<hbm>> -> memref<625x64xf32, #tpu.memory_space<hbm>>
      tpu.enqueue_dma source(%dma_start3A_36 : memref<625x64xf32, #tpu.memory_space<hbm>>) target(%dma_start3A_34 : memref<625x64xf32, #tpu.memory_space<vmem_shared>>) target_semaphore(%run_scoped3A_32 : memref<!tpu.dma_semaphore, #tpu.memory_space<semaphore_mem>>)
      %dma_wait3A_37 = arith.constant 0 : i32
      %dma_wait3A_38 = tpu.memref_slice %arg12[%mul3A_2, %dma_wait3A_37] : memref<10000x64xf32, #tpu.memory_space<vmem_shared>> -> memref<625x64xf32, #tpu.memory_space<vmem_shared>>
      %dma_wait3A_39 = arith.constant 0 : i32
      %dma_wait3A_40 = tpu.memref_slice %arg4[%mul3A_2, %dma_wait3A_39] : memref<10000x64xf32, #tpu.memory_space<hbm>> -> memref<625x64xf32, #tpu.memory_space<hbm>>
      tpu.wait_dma2 semaphore(%run_scoped3A_32 : memref<!tpu.dma_semaphore, #tpu.memory_space<semaphore_mem>>) src(%dma_wait3A_40 : memref<625x64xf32, #tpu.memory_space<hbm>>) dst(%dma_wait3A_38 : memref<625x64xf32, #tpu.memory_space<vmem_shared>>)
      tpu.yield
    }) : () -> ()
    %mul3A_3 = arith.constant 78 : i32
    %mul3A_4 = arith.muli %add3A, %mul3A_3 : i32
    %run_scoped3A = arith.constant 0 : i32
    "tpu.region"() ({
      %run_scoped3A_32 = tpu.sem_alloc : memref<!tpu.dma_semaphore, #tpu.memory_space<semaphore_mem>>
      %dma_start3A_33 = arith.constant 0 : i32
      %dma_start3A_34 = tpu.memref_slice %arg3[%run_scoped3A, %mul3A_4, %dma_start3A_33] : memref<2x2500x128xi32, #tpu.memory_space<hbm>> -> memref<1x78x128xi32, #tpu.memory_space<hbm>>
      %dma_start3A_35 = tpu.memref_squeeze %dma_start3A_34 : memref<1x78x128xi32, #tpu.memory_space<hbm>> -> memref<78x128xi32, #tpu.memory_space<hbm>>
      %dma_start3A_36 = arith.constant 0 : i32
      %dma_start3A_37 = tpu.memref_slice %arg3[%run_scoped3A, %mul3A_4, %dma_start3A_36] : memref<2x2500x128xi32, #tpu.memory_space<hbm>> -> memref<1x78x128xi32, #tpu.memory_space<hbm>>
      %dma_start3A_38 = tpu.memref_squeeze %dma_start3A_37 : memref<1x78x128xi32, #tpu.memory_space<hbm>> -> memref<78x128xi32, #tpu.memory_space<hbm>>
      tpu.enqueue_dma source(%dma_start3A_38 : memref<78x128xi32, #tpu.memory_space<hbm>>) target(%arg6 : memref<78x128xi32, #tpu.memory_space<vmem>>) target_semaphore(%run_scoped3A_32 : memref<!tpu.dma_semaphore, #tpu.memory_space<semaphore_mem>>)
      %dma_wait3A_39 = arith.constant 0 : i32
      %dma_wait3A_40 = tpu.memref_slice %arg3[%run_scoped3A, %mul3A_4, %dma_wait3A_39] : memref<2x2500x128xi32, #tpu.memory_space<hbm>> -> memref<1x78x128xi32, #tpu.memory_space<hbm>>
      %dma_wait3A_41 = tpu.memref_squeeze %dma_wait3A_40 : memref<1x78x128xi32, #tpu.memory_space<hbm>> -> memref<78x128xi32, #tpu.memory_space<hbm>>
      %dma_wait3A_42 = arith.constant 0 : i32
      %dma_wait3A_43 = tpu.memref_slice %arg3[%run_scoped3A, %mul3A_4, %dma_wait3A_42] : memref<2x2500x128xi32, #tpu.memory_space<hbm>> -> memref<1x78x128xi32, #tpu.memory_space<hbm>>
      %dma_wait3A_44 = tpu.memref_squeeze %dma_wait3A_43 : memref<1x78x128xi32, #tpu.memory_space<hbm>> -> memref<78x128xi32, #tpu.memory_space<hbm>>
      tpu.wait_dma2 semaphore(%run_scoped3A_32 : memref<!tpu.dma_semaphore, #tpu.memory_space<semaphore_mem>>) src(%dma_wait3A_44 : memref<78x128xi32, #tpu.memory_space<hbm>>) dst(%arg6 : memref<78x128xi32, #tpu.memory_space<vmem>>)
      tpu.yield
    }) : () -> ()
    %mul3A_5 = arith.constant 78 : i32
    %mul3A_6 = arith.muli %add3A, %mul3A_5 : i32
    %run_scoped3A_7 = arith.constant 1 : i32
    "tpu.region"() ({
      %run_scoped3A_32 = tpu.sem_alloc : memref<!tpu.dma_semaphore, #tpu.memory_space<semaphore_mem>>
      %dma_start3A_33 = arith.constant 0 : i32
      %dma_start3A_34 = tpu.memref_slice %arg3[%run_scoped3A_7, %mul3A_6, %dma_start3A_33] : memref<2x2500x128xi32, #tpu.memory_space<hbm>> -> memref<1x78x128xi32, #tpu.memory_space<hbm>>
      %dma_start3A_35 = tpu.memref_squeeze %dma_start3A_34 : memref<1x78x128xi32, #tpu.memory_space<hbm>> -> memref<78x128xi32, #tpu.memory_space<hbm>>
      %dma_start3A_36 = arith.constant 0 : i32
      %dma_start3A_37 = tpu.memref_slice %arg3[%run_scoped3A_7, %mul3A_6, %dma_start3A_36] : memref<2x2500x128xi32, #tpu.memory_space<hbm>> -> memref<1x78x128xi32, #tpu.memory_space<hbm>>
      %dma_start3A_38 = tpu.memref_squeeze %dma_start3A_37 : memref<1x78x128xi32, #tpu.memory_space<hbm>> -> memref<78x128xi32, #tpu.memory_space<hbm>>
      tpu.enqueue_dma source(%dma_start3A_38 : memref<78x128xi32, #tpu.memory_space<hbm>>) target(%arg7 : memref<78x128xi32, #tpu.memory_space<vmem>>) target_semaphore(%run_scoped3A_32 : memref<!tpu.dma_semaphore, #tpu.memory_space<semaphore_mem>>)
      %dma_wait3A_39 = arith.constant 0 : i32
      %dma_wait3A_40 = tpu.memref_slice %arg3[%run_scoped3A_7, %mul3A_6, %dma_wait3A_39] : memref<2x2500x128xi32, #tpu.memory_space<hbm>> -> memref<1x78x128xi32, #tpu.memory_space<hbm>>
      %dma_wait3A_41 = tpu.memref_squeeze %dma_wait3A_40 : memref<1x78x128xi32, #tpu.memory_space<hbm>> -> memref<78x128xi32, #tpu.memory_space<hbm>>
      %dma_wait3A_42 = arith.constant 0 : i32
      %dma_wait3A_43 = tpu.memref_slice %arg3[%run_scoped3A_7, %mul3A_6, %dma_wait3A_42] : memref<2x2500x128xi32, #tpu.memory_space<hbm>> -> memref<1x78x128xi32, #tpu.memory_space<hbm>>
      %dma_wait3A_44 = tpu.memref_squeeze %dma_wait3A_43 : memref<1x78x128xi32, #tpu.memory_space<hbm>> -> memref<78x128xi32, #tpu.memory_space<hbm>>
      tpu.wait_dma2 semaphore(%run_scoped3A_32 : memref<!tpu.dma_semaphore, #tpu.memory_space<semaphore_mem>>) src(%dma_wait3A_44 : memref<78x128xi32, #tpu.memory_space<hbm>>) dst(%arg7 : memref<78x128xi32, #tpu.memory_space<vmem>>)
      tpu.yield
    }) : () -> ()
    %lt3A = arith.constant 4 : i32
    %lt3A_8 = arith.cmpi slt, %add3A, %lt3A : i32
    %convert_element_type3A = arith.extui %lt3A_8 : i1 to i32
    %cond3A = arith.constant 0 : i32
    %cond3A_9 = arith.cmpi ne, %convert_element_type3A, %cond3A : i32
    scf.if %cond3A_9 {
      %add3A_32 = arith.constant 2496 : i32
      %add3A_33 = arith.addi %add3A_32, %add3A : i32
      %run_scoped3A_34 = arith.constant 0 : i32
      "tpu.region"() ({
        %run_scoped3A_38 = tpu.sem_alloc : memref<!tpu.dma_semaphore, #tpu.memory_space<semaphore_mem>>
        %dma_start3A_39 = arith.constant 0 : i32
        %dma_start3A_40 = tpu.memref_slice %arg3[%run_scoped3A_34, %add3A_33, %dma_start3A_39] : memref<2x2500x128xi32, #tpu.memory_space<hbm>> -> memref<1x1x128xi32, #tpu.memory_space<hbm>>
        %dma_start3A_41 = tpu.memref_squeeze %dma_start3A_40 : memref<1x1x128xi32, #tpu.memory_space<hbm>> -> memref<1x128xi32, #tpu.memory_space<hbm>>
        %dma_start3A_42 = arith.constant 0 : i32
        %dma_start3A_43 = tpu.memref_slice %arg3[%run_scoped3A_34, %add3A_33, %dma_start3A_42] : memref<2x2500x128xi32, #tpu.memory_space<hbm>> -> memref<1x1x128xi32, #tpu.memory_space<hbm>>
        %dma_start3A_44 = tpu.memref_squeeze %dma_start3A_43 : memref<1x1x128xi32, #tpu.memory_space<hbm>> -> memref<1x128xi32, #tpu.memory_space<hbm>>
        tpu.enqueue_dma source(%dma_start3A_44 : memref<1x128xi32, #tpu.memory_space<hbm>>) target(%arg8 : memref<1x128xi32, #tpu.memory_space<vmem>>) target_semaphore(%run_scoped3A_38 : memref<!tpu.dma_semaphore, #tpu.memory_space<semaphore_mem>>)
        %dma_wait3A_45 = arith.constant 0 : i32
        %dma_wait3A_46 = tpu.memref_slice %arg3[%run_scoped3A_34, %add3A_33, %dma_wait3A_45] : memref<2x2500x128xi32, #tpu.memory_space<hbm>> -> memref<1x1x128xi32, #tpu.memory_space<hbm>>
        %dma_wait3A_47 = tpu.memref_squeeze %dma_wait3A_46 : memref<1x1x128xi32, #tpu.memory_space<hbm>> -> memref<1x128xi32, #tpu.memory_space<hbm>>
        %dma_wait3A_48 = arith.constant 0 : i32
        %dma_wait3A_49 = tpu.memref_slice %arg3[%run_scoped3A_34, %add3A_33, %dma_wait3A_48] : memref<2x2500x128xi32, #tpu.memory_space<hbm>> -> memref<1x1x128xi32, #tpu.memory_space<hbm>>
        %dma_wait3A_50 = tpu.memref_squeeze %dma_wait3A_49 : memref<1x1x128xi32, #tpu.memory_space<hbm>> -> memref<1x128xi32, #tpu.memory_space<hbm>>
        tpu.wait_dma2 semaphore(%run_scoped3A_38 : memref<!tpu.dma_semaphore, #tpu.memory_space<semaphore_mem>>) src(%dma_wait3A_50 : memref<1x128xi32, #tpu.memory_space<hbm>>) dst(%arg8 : memref<1x128xi32, #tpu.memory_space<vmem>>)
        tpu.yield
      }) : () -> ()
      %add3A_35 = arith.constant 2496 : i32
      %add3A_36 = arith.addi %add3A_35, %add3A : i32
      %run_scoped3A_37 = arith.constant 1 : i32
      "tpu.region"() ({
        %run_scoped3A_38 = tpu.sem_alloc : memref<!tpu.dma_semaphore, #tpu.memory_space<semaphore_mem>>
        %dma_start3A_39 = arith.constant 0 : i32
        %dma_start3A_40 = tpu.memref_slice %arg3[%run_scoped3A_37, %add3A_36, %dma_start3A_39] : memref<2x2500x128xi32, #tpu.memory_space<hbm>> -> memref<1x1x128xi32, #tpu.memory_space<hbm>>
        %dma_start3A_41 = tpu.memref_squeeze %dma_start3A_40 : memref<1x1x128xi32, #tpu.memory_space<hbm>> -> memref<1x128xi32, #tpu.memory_space<hbm>>
        %dma_start3A_42 = arith.constant 0 : i32
        %dma_start3A_43 = tpu.memref_slice %arg3[%run_scoped3A_37, %add3A_36, %dma_start3A_42] : memref<2x2500x128xi32, #tpu.memory_space<hbm>> -> memref<1x1x128xi32, #tpu.memory_space<hbm>>
        %dma_start3A_44 = tpu.memref_squeeze %dma_start3A_43 : memref<1x1x128xi32, #tpu.memory_space<hbm>> -> memref<1x128xi32, #tpu.memory_space<hbm>>
        tpu.enqueue_dma source(%dma_start3A_44 : memref<1x128xi32, #tpu.memory_space<hbm>>) target(%arg9 : memref<1x128xi32, #tpu.memory_space<vmem>>) target_semaphore(%run_scoped3A_38 : memref<!tpu.dma_semaphore, #tpu.memory_space<semaphore_mem>>)
        %dma_wait3A_45 = arith.constant 0 : i32
        %dma_wait3A_46 = tpu.memref_slice %arg3[%run_scoped3A_37, %add3A_36, %dma_wait3A_45] : memref<2x2500x128xi32, #tpu.memory_space<hbm>> -> memref<1x1x128xi32, #tpu.memory_space<hbm>>
        %dma_wait3A_47 = tpu.memref_squeeze %dma_wait3A_46 : memref<1x1x128xi32, #tpu.memory_space<hbm>> -> memref<1x128xi32, #tpu.memory_space<hbm>>
        %dma_wait3A_48 = arith.constant 0 : i32
        %dma_wait3A_49 = tpu.memref_slice %arg3[%run_scoped3A_37, %add3A_36, %dma_wait3A_48] : memref<2x2500x128xi32, #tpu.memory_space<hbm>> -> memref<1x1x128xi32, #tpu.memory_space<hbm>>
        %dma_wait3A_50 = tpu.memref_squeeze %dma_wait3A_49 : memref<1x1x128xi32, #tpu.memory_space<hbm>> -> memref<1x128xi32, #tpu.memory_space<hbm>>
        tpu.wait_dma2 semaphore(%run_scoped3A_38 : memref<!tpu.dma_semaphore, #tpu.memory_space<semaphore_mem>>) src(%dma_wait3A_50 : memref<1x128xi32, #tpu.memory_space<hbm>>) dst(%arg9 : memref<1x128xi32, #tpu.memory_space<vmem>>)
        tpu.yield
      }) : () -> ()
    } else {
    }
    %dma_start3A = arith.constant 0 : i32
    %dma_start3A_10 = arith.constant 0 : i32
    %dma_start3A_11 = tpu.memref_slice %arg6[%dma_start3A, %dma_start3A_10] : memref<78x128xi32, #tpu.memory_space<vmem>> -> memref<1x128xi32, #tpu.memory_space<vmem>>
    %dma_start3A_12 = tpu.memref_squeeze %dma_start3A_11 : memref<1x128xi32, #tpu.memory_space<vmem>> -> memref<128xi32, #tpu.memory_space<vmem>>
    %dma_start3A_13 = arith.constant 0 : i32
    %dma_start3A_14 = arith.constant 0 : i32
    %dma_start3A_15 = tpu.memref_slice %arg2[%dma_start3A_13, %dma_start3A_14] : memref<10000x64xf32, #tpu.memory_space<hbm>> -> memref<10000x64xf32, #tpu.memory_space<hbm>>
    tpu.enqueue_indirect_dma source(%dma_start3A_15 : memref<10000x64xf32, #tpu.memory_space<hbm>>) target(%arg10 : memref<128x64xf32, #tpu.memory_space<vmem>>) offsets(%dma_start3A_12 : memref<128xi32, #tpu.memory_space<vmem>>) semaphore(%arg13 : memref<!tpu.dma_semaphore, #tpu.memory_space<semaphore_mem>>)
    %barrier3A = arith.constant 0 : index
    tpu.barrier barrier_id(%barrier3A)
    %scan3A = arith.constant 0 : i32
    %scan3A_16 = arith.constant 39 : i32
    %scan3A_17 = arith.addi %scan3A, %scan3A_16 : i32
    %scan3A_18 = arith.constant 1 : i32
    scf.for %scan3A_32 = %scan3A to %scan3A_17 step %scan3A_18  : i32 {
      %mul3A_33 = arith.constant 1 : i32
      %mul3A_34 = arith.muli %scan3A_32, %mul3A_33 : i32
      %add3A_35 = arith.constant 0 : i32
      %add3A_36 = arith.addi %add3A_35, %mul3A_34 : i32
      %mul3A_37 = arith.constant 2 : i32
      %mul3A_38 = arith.muli %mul3A_37, %add3A_36 : i32
      %dma_wait3A_39 = arith.constant 0 : i32
      %dma_wait3A_40 = tpu.memref_slice %arg6[%mul3A_38, %dma_wait3A_39] : memref<78x128xi32, #tpu.memory_space<vmem>> -> memref<1x128xi32, #tpu.memory_space<vmem>>
      %dma_wait3A_41 = tpu.memref_squeeze %dma_wait3A_40 : memref<1x128xi32, #tpu.memory_space<vmem>> -> memref<128xi32, #tpu.memory_space<vmem>>
      %dma_wait3A_42 = arith.constant 0 : i32
      %dma_wait3A_43 = arith.constant 0 : i32
      %dma_wait3A_44 = tpu.memref_slice %arg2[%dma_wait3A_42, %dma_wait3A_43] : memref<10000x64xf32, #tpu.memory_space<hbm>> -> memref<10000x64xf32, #tpu.memory_space<hbm>>
      tpu.wait_indirect_dma semaphore(%arg13 : memref<!tpu.dma_semaphore, #tpu.memory_space<semaphore_mem>>) src(%dma_wait3A_44 : memref<10000x64xf32, #tpu.memory_space<hbm>>) dst(%arg10 : memref<128x64xf32, #tpu.memory_space<vmem>>)
      %gt3A = arith.constant 0 : i32
      %gt3A_45 = arith.cmpi sgt, %add3A_36, %gt3A : i32
      %convert_element_type3A_46 = arith.extui %gt3A_45 : i1 to i32
      %cond3A_47 = arith.constant 0 : i32
      %cond3A_48 = arith.cmpi ne, %convert_element_type3A_46, %cond3A_47 : i32
      scf.if %cond3A_48 {
        %dma_wait3A_90 = arith.constant 0 : i32
        %dma_wait3A_91 = tpu.memref_slice %arg7[%mul3A_38, %dma_wait3A_90] : memref<78x128xi32, #tpu.memory_space<vmem>> -> memref<1x128xi32, #tpu.memory_space<vmem>>
        %dma_wait3A_92 = tpu.memref_squeeze %dma_wait3A_91 : memref<1x128xi32, #tpu.memory_space<vmem>> -> memref<128xi32, #tpu.memory_space<vmem>>
        %dma_wait3A_93 = arith.constant 0 : i32
        %dma_wait3A_94 = arith.constant 0 : i32
        %dma_wait3A_95 = tpu.memref_slice %arg12[%dma_wait3A_93, %dma_wait3A_94] : memref<10000x64xf32, #tpu.memory_space<vmem_shared>> -> memref<10000x64xf32, #tpu.memory_space<vmem_shared>>
        tpu.wait_indirect_dma semaphore(%arg16 : memref<!tpu.dma_semaphore, #tpu.memory_space<semaphore_mem>>) src(%arg11 : memref<128x64xf32, #tpu.memory_space<vmem>>) dst(%dma_wait3A_95 : memref<10000x64xf32, #tpu.memory_space<vmem_shared>>)
      } else {
      }
      %add3A_49 = arith.constant 1 : i32
      %add3A_50 = arith.addi %mul3A_38, %add3A_49 : i32
      %dma_start3A_51 = arith.constant 0 : i32
      %dma_start3A_52 = tpu.memref_slice %arg6[%add3A_50, %dma_start3A_51] : memref<78x128xi32, #tpu.memory_space<vmem>> -> memref<1x128xi32, #tpu.memory_space<vmem>>
      %dma_start3A_53 = tpu.memref_squeeze %dma_start3A_52 : memref<1x128xi32, #tpu.memory_space<vmem>> -> memref<128xi32, #tpu.memory_space<vmem>>
      %dma_start3A_54 = arith.constant 0 : i32
      %dma_start3A_55 = arith.constant 0 : i32
      %dma_start3A_56 = tpu.memref_slice %arg2[%dma_start3A_54, %dma_start3A_55] : memref<10000x64xf32, #tpu.memory_space<hbm>> -> memref<10000x64xf32, #tpu.memory_space<hbm>>
      tpu.enqueue_indirect_dma source(%dma_start3A_56 : memref<10000x64xf32, #tpu.memory_space<hbm>>) target(%arg11 : memref<128x64xf32, #tpu.memory_space<vmem>>) offsets(%dma_start3A_53 : memref<128xi32, #tpu.memory_space<vmem>>) semaphore(%arg14 : memref<!tpu.dma_semaphore, #tpu.memory_space<semaphore_mem>>)
      %dma_start3A_57 = arith.constant 0 : i32
      %dma_start3A_58 = tpu.memref_slice %arg7[%mul3A_38, %dma_start3A_57] : memref<78x128xi32, #tpu.memory_space<vmem>> -> memref<1x128xi32, #tpu.memory_space<vmem>>
      %dma_start3A_59 = tpu.memref_squeeze %dma_start3A_58 : memref<1x128xi32, #tpu.memory_space<vmem>> -> memref<128xi32, #tpu.memory_space<vmem>>
      %dma_start3A_60 = arith.constant 0 : i32
      %dma_start3A_61 = arith.constant 0 : i32
      %dma_start3A_62 = tpu.memref_slice %arg12[%dma_start3A_60, %dma_start3A_61] : memref<10000x64xf32, #tpu.memory_space<vmem_shared>> -> memref<10000x64xf32, #tpu.memory_space<vmem_shared>>
      tpu.enqueue_indirect_dma source(%arg10 : memref<128x64xf32, #tpu.memory_space<vmem>>) target(%dma_start3A_62 : memref<10000x64xf32, #tpu.memory_space<vmem_shared>>) offsets(%dma_start3A_59 : memref<128xi32, #tpu.memory_space<vmem>>) semaphore(%arg15 : memref<!tpu.dma_semaphore, #tpu.memory_space<semaphore_mem>>) {add = true}
      %add3A_63 = arith.constant 1 : i32
      %add3A_64 = arith.addi %mul3A_38, %add3A_63 : i32
      %dma_wait3A_65 = arith.constant 0 : i32
      %dma_wait3A_66 = tpu.memref_slice %arg6[%add3A_64, %dma_wait3A_65] : memref<78x128xi32, #tpu.memory_space<vmem>> -> memref<1x128xi32, #tpu.memory_space<vmem>>
      %dma_wait3A_67 = tpu.memref_squeeze %dma_wait3A_66 : memref<1x128xi32, #tpu.memory_space<vmem>> -> memref<128xi32, #tpu.memory_space<vmem>>
      %dma_wait3A_68 = arith.constant 0 : i32
      %dma_wait3A_69 = arith.constant 0 : i32
      %dma_wait3A_70 = tpu.memref_slice %arg2[%dma_wait3A_68, %dma_wait3A_69] : memref<10000x64xf32, #tpu.memory_space<hbm>> -> memref<10000x64xf32, #tpu.memory_space<hbm>>
      tpu.wait_indirect_dma semaphore(%arg14 : memref<!tpu.dma_semaphore, #tpu.memory_space<semaphore_mem>>) src(%dma_wait3A_70 : memref<10000x64xf32, #tpu.memory_space<hbm>>) dst(%arg11 : memref<128x64xf32, #tpu.memory_space<vmem>>)
      %dma_wait3A_71 = arith.constant 0 : i32
      %dma_wait3A_72 = tpu.memref_slice %arg7[%mul3A_38, %dma_wait3A_71] : memref<78x128xi32, #tpu.memory_space<vmem>> -> memref<1x128xi32, #tpu.memory_space<vmem>>
      %dma_wait3A_73 = tpu.memref_squeeze %dma_wait3A_72 : memref<1x128xi32, #tpu.memory_space<vmem>> -> memref<128xi32, #tpu.memory_space<vmem>>
      %dma_wait3A_74 = arith.constant 0 : i32
      %dma_wait3A_75 = arith.constant 0 : i32
      %dma_wait3A_76 = tpu.memref_slice %arg12[%dma_wait3A_74, %dma_wait3A_75] : memref<10000x64xf32, #tpu.memory_space<vmem_shared>> -> memref<10000x64xf32, #tpu.memory_space<vmem_shared>>
      tpu.wait_indirect_dma semaphore(%arg15 : memref<!tpu.dma_semaphore, #tpu.memory_space<semaphore_mem>>) src(%arg10 : memref<128x64xf32, #tpu.memory_space<vmem>>) dst(%dma_wait3A_76 : memref<10000x64xf32, #tpu.memory_space<vmem_shared>>)
      %lt3A_77 = arith.constant 38 : i32
      %lt3A_78 = arith.cmpi slt, %add3A_36, %lt3A_77 : i32
      %convert_element_type3A_79 = arith.extui %lt3A_78 : i1 to i32
      %cond3A_80 = arith.constant 0 : i32
      %cond3A_81 = arith.cmpi ne, %convert_element_type3A_79, %cond3A_80 : i32
      scf.if %cond3A_81 {
        %add3A_90 = arith.constant 2 : i32
        %add3A_91 = arith.addi %mul3A_38, %add3A_90 : i32
        %dma_start3A_92 = arith.constant 0 : i32
        %dma_start3A_93 = tpu.memref_slice %arg6[%add3A_91, %dma_start3A_92] : memref<78x128xi32, #tpu.memory_space<vmem>> -> memref<1x128xi32, #tpu.memory_space<vmem>>
        %dma_start3A_94 = tpu.memref_squeeze %dma_start3A_93 : memref<1x128xi32, #tpu.memory_space<vmem>> -> memref<128xi32, #tpu.memory_space<vmem>>
        %dma_start3A_95 = arith.constant 0 : i32
        %dma_start3A_96 = arith.constant 0 : i32
        %dma_start3A_97 = tpu.memref_slice %arg2[%dma_start3A_95, %dma_start3A_96] : memref<10000x64xf32, #tpu.memory_space<hbm>> -> memref<10000x64xf32, #tpu.memory_space<hbm>>
        tpu.enqueue_indirect_dma source(%dma_start3A_97 : memref<10000x64xf32, #tpu.memory_space<hbm>>) target(%arg10 : memref<128x64xf32, #tpu.memory_space<vmem>>) offsets(%dma_start3A_94 : memref<128xi32, #tpu.memory_space<vmem>>) semaphore(%arg13 : memref<!tpu.dma_semaphore, #tpu.memory_space<semaphore_mem>>)
      } else {
      }
      %add3A_82 = arith.constant 1 : i32
      %add3A_83 = arith.addi %mul3A_38, %add3A_82 : i32
      %dma_start3A_84 = arith.constant 0 : i32
      %dma_start3A_85 = tpu.memref_slice %arg7[%add3A_83, %dma_start3A_84] : memref<78x128xi32, #tpu.memory_space<vmem>> -> memref<1x128xi32, #tpu.memory_space<vmem>>
      %dma_start3A_86 = tpu.memref_squeeze %dma_start3A_85 : memref<1x128xi32, #tpu.memory_space<vmem>> -> memref<128xi32, #tpu.memory_space<vmem>>
      %dma_start3A_87 = arith.constant 0 : i32
      %dma_start3A_88 = arith.constant 0 : i32
      %dma_start3A_89 = tpu.memref_slice %arg12[%dma_start3A_87, %dma_start3A_88] : memref<10000x64xf32, #tpu.memory_space<vmem_shared>> -> memref<10000x64xf32, #tpu.memory_space<vmem_shared>>
      tpu.enqueue_indirect_dma source(%arg11 : memref<128x64xf32, #tpu.memory_space<vmem>>) target(%dma_start3A_89 : memref<10000x64xf32, #tpu.memory_space<vmem_shared>>) offsets(%dma_start3A_86 : memref<128xi32, #tpu.memory_space<vmem>>) semaphore(%arg16 : memref<!tpu.dma_semaphore, #tpu.memory_space<semaphore_mem>>) {add = true}
    }
    %scan3A_19 = arith.constant 39 : i32
    %dma_wait3A = arith.constant 77 : i32
    %dma_wait3A_20 = arith.constant 0 : i32
    %dma_wait3A_21 = tpu.memref_slice %arg7[%dma_wait3A, %dma_wait3A_20] : memref<78x128xi32, #tpu.memory_space<vmem>> -> memref<1x128xi32, #tpu.memory_space<vmem>>
    %dma_wait3A_22 = tpu.memref_squeeze %dma_wait3A_21 : memref<1x128xi32, #tpu.memory_space<vmem>> -> memref<128xi32, #tpu.memory_space<vmem>>
    %dma_wait3A_23 = arith.constant 0 : i32
    %dma_wait3A_24 = arith.constant 0 : i32
    %dma_wait3A_25 = tpu.memref_slice %arg12[%dma_wait3A_23, %dma_wait3A_24] : memref<10000x64xf32, #tpu.memory_space<vmem_shared>> -> memref<10000x64xf32, #tpu.memory_space<vmem_shared>>
    tpu.wait_indirect_dma semaphore(%arg16 : memref<!tpu.dma_semaphore, #tpu.memory_space<semaphore_mem>>) src(%arg11 : memref<128x64xf32, #tpu.memory_space<vmem>>) dst(%dma_wait3A_25 : memref<10000x64xf32, #tpu.memory_space<vmem_shared>>)
    %lt3A_26 = arith.constant 4 : i32
    %lt3A_27 = arith.cmpi slt, %add3A, %lt3A_26 : i32
    %convert_element_type3A_28 = arith.extui %lt3A_27 : i1 to i32
    %cond3A_29 = arith.constant 0 : i32
    %cond3A_30 = arith.cmpi ne, %convert_element_type3A_28, %cond3A_29 : i32
    scf.if %cond3A_30 {
      %run_scoped3A_32 = arith.constant 0 : i32
      "tpu.region"() ({
        %run_scoped3A_34 = tpu.sem_alloc : memref<!tpu.dma_semaphore, #tpu.memory_space<semaphore_mem>>
        %dma_start3A_35 = arith.constant 0 : i32
        %dma_start3A_36 = tpu.memref_slice %arg8[%run_scoped3A_32, %dma_start3A_35] : memref<1x128xi32, #tpu.memory_space<vmem>> -> memref<1x128xi32, #tpu.memory_space<vmem>>
        %dma_start3A_37 = tpu.memref_squeeze %dma_start3A_36 : memref<1x128xi32, #tpu.memory_space<vmem>> -> memref<128xi32, #tpu.memory_space<vmem>>
        %dma_start3A_38 = arith.constant 0 : i32
        %dma_start3A_39 = arith.constant 0 : i32
        %dma_start3A_40 = tpu.memref_slice %arg2[%dma_start3A_38, %dma_start3A_39] : memref<10000x64xf32, #tpu.memory_space<hbm>> -> memref<10000x64xf32, #tpu.memory_space<hbm>>
        tpu.enqueue_indirect_dma source(%dma_start3A_40 : memref<10000x64xf32, #tpu.memory_space<hbm>>) target(%arg10 : memref<128x64xf32, #tpu.memory_space<vmem>>) offsets(%dma_start3A_37 : memref<128xi32, #tpu.memory_space<vmem>>) semaphore(%run_scoped3A_34 : memref<!tpu.dma_semaphore, #tpu.memory_space<semaphore_mem>>)
        %dma_wait3A_41 = arith.constant 0 : i32
        %dma_wait3A_42 = tpu.memref_slice %arg8[%run_scoped3A_32, %dma_wait3A_41] : memref<1x128xi32, #tpu.memory_space<vmem>> -> memref<1x128xi32, #tpu.memory_space<vmem>>
        %dma_wait3A_43 = tpu.memref_squeeze %dma_wait3A_42 : memref<1x128xi32, #tpu.memory_space<vmem>> -> memref<128xi32, #tpu.memory_space<vmem>>
        %dma_wait3A_44 = arith.constant 0 : i32
        %dma_wait3A_45 = arith.constant 0 : i32
        %dma_wait3A_46 = tpu.memref_slice %arg2[%dma_wait3A_44, %dma_wait3A_45] : memref<10000x64xf32, #tpu.memory_space<hbm>> -> memref<10000x64xf32, #tpu.memory_space<hbm>>
        tpu.wait_indirect_dma semaphore(%run_scoped3A_34 : memref<!tpu.dma_semaphore, #tpu.memory_space<semaphore_mem>>) src(%dma_wait3A_46 : memref<10000x64xf32, #tpu.memory_space<hbm>>) dst(%arg10 : memref<128x64xf32, #tpu.memory_space<vmem>>)
        tpu.yield
      }) : () -> ()
      %run_scoped3A_33 = arith.constant 0 : i32
      "tpu.region"() ({
        %run_scoped3A_34 = tpu.sem_alloc : memref<!tpu.dma_semaphore, #tpu.memory_space<semaphore_mem>>
        %dma_start3A_35 = arith.constant 0 : i32
        %dma_start3A_36 = tpu.memref_slice %arg9[%run_scoped3A_33, %dma_start3A_35] : memref<1x128xi32, #tpu.memory_space<vmem>> -> memref<1x128xi32, #tpu.memory_space<vmem>>
        %dma_start3A_37 = tpu.memref_squeeze %dma_start3A_36 : memref<1x128xi32, #tpu.memory_space<vmem>> -> memref<128xi32, #tpu.memory_space<vmem>>
        %dma_start3A_38 = arith.constant 0 : i32
        %dma_start3A_39 = arith.constant 0 : i32
        %dma_start3A_40 = tpu.memref_slice %arg12[%dma_start3A_38, %dma_start3A_39] : memref<10000x64xf32, #tpu.memory_space<vmem_shared>> -> memref<10000x64xf32, #tpu.memory_space<vmem_shared>>
        tpu.enqueue_indirect_dma source(%arg10 : memref<128x64xf32, #tpu.memory_space<vmem>>) target(%dma_start3A_40 : memref<10000x64xf32, #tpu.memory_space<vmem_shared>>) offsets(%dma_start3A_37 : memref<128xi32, #tpu.memory_space<vmem>>) semaphore(%run_scoped3A_34 : memref<!tpu.dma_semaphore, #tpu.memory_space<semaphore_mem>>) {add = true}
        %dma_wait3A_41 = arith.constant 0 : i32
        %dma_wait3A_42 = tpu.memref_slice %arg9[%run_scoped3A_33, %dma_wait3A_41] : memref<1x128xi32, #tpu.memory_space<vmem>> -> memref<1x128xi32, #tpu.memory_space<vmem>>
        %dma_wait3A_43 = tpu.memref_squeeze %dma_wait3A_42 : memref<1x128xi32, #tpu.memory_space<vmem>> -> memref<128xi32, #tpu.memory_space<vmem>>
        %dma_wait3A_44 = arith.constant 0 : i32
        %dma_wait3A_45 = arith.constant 0 : i32
        %dma_wait3A_46 = tpu.memref_slice %arg12[%dma_wait3A_44, %dma_wait3A_45] : memref<10000x64xf32, #tpu.memory_space<vmem_shared>> -> memref<10000x64xf32, #tpu.memory_space<vmem_shared>>
        tpu.wait_indirect_dma semaphore(%run_scoped3A_34 : memref<!tpu.dma_semaphore, #tpu.memory_space<semaphore_mem>>) src(%arg10 : memref<128x64xf32, #tpu.memory_space<vmem>>) dst(%dma_wait3A_46 : memref<10000x64xf32, #tpu.memory_space<vmem_shared>>)
        tpu.yield
      }) : () -> ()
    } else {
    }
    %barrier3A_31 = arith.constant 0 : index
    tpu.barrier barrier_id(%barrier3A_31)
    "tpu.region"() ({
      %run_scoped3A_32 = tpu.sem_alloc : memref<!tpu.dma_semaphore, #tpu.memory_space<semaphore_mem>>
      %dma_start3A_33 = arith.constant 0 : i32
      %dma_start3A_34 = tpu.memref_slice %arg5[%arg0, %mul3A_2, %dma_start3A_33] : memref<2x10000x64xf32, #tpu.memory_space<hbm>> -> memref<1x625x64xf32, #tpu.memory_space<hbm>>
      %dma_start3A_35 = tpu.memref_squeeze %dma_start3A_34 : memref<1x625x64xf32, #tpu.memory_space<hbm>> -> memref<625x64xf32, #tpu.memory_space<hbm>>
      %dma_start3A_36 = arith.constant 0 : i32
      %dma_start3A_37 = tpu.memref_slice %arg12[%mul3A_2, %dma_start3A_36] : memref<10000x64xf32, #tpu.memory_space<vmem_shared>> -> memref<625x64xf32, #tpu.memory_space<vmem_shared>>
      tpu.enqueue_dma source(%dma_start3A_37 : memref<625x64xf32, #tpu.memory_space<vmem_shared>>) target(%dma_start3A_35 : memref<625x64xf32, #tpu.memory_space<hbm>>) target_semaphore(%run_scoped3A_32 : memref<!tpu.dma_semaphore, #tpu.memory_space<semaphore_mem>>)
      %dma_wait3A_38 = arith.constant 0 : i32
      %dma_wait3A_39 = tpu.memref_slice %arg5[%arg0, %mul3A_2, %dma_wait3A_38] : memref<2x10000x64xf32, #tpu.memory_space<hbm>> -> memref<1x625x64xf32, #tpu.memory_space<hbm>>
      %dma_wait3A_40 = tpu.memref_squeeze %dma_wait3A_39 : memref<1x625x64xf32, #tpu.memory_space<hbm>> -> memref<625x64xf32, #tpu.memory_space<hbm>>
      %dma_wait3A_41 = arith.constant 0 : i32
      %dma_wait3A_42 = tpu.memref_slice %arg12[%mul3A_2, %dma_wait3A_41] : memref<10000x64xf32, #tpu.memory_space<vmem_shared>> -> memref<625x64xf32, #tpu.memory_space<vmem_shared>>
      tpu.wait_dma2 semaphore(%run_scoped3A_32 : memref<!tpu.dma_semaphore, #tpu.memory_space<semaphore_mem>>) src(%dma_wait3A_42 : memref<625x64xf32, #tpu.memory_space<vmem_shared>>) dst(%dma_wait3A_40 : memref<625x64xf32, #tpu.memory_space<hbm>>)
      tpu.yield
    }) : () -> ()
    return
  }
}

#map = affine_map<(d0, d1) -> (0, 0)>
#map1 = affine_map<(d0, d1) -> (0, 0, 0)>
module attributes {stable_mosaic.version = 14 : i64} {
  func.func @edge_pass(%arg0: i32, %arg1: i32, %arg2: memref<10000x80xf32, #tpu.memory_space<hbm>>, %arg3: memref<2x2500x128xi32, #tpu.memory_space<hbm>>, %arg4: memref<10000x80xf32, #tpu.memory_space<hbm>>, %arg5: memref<2x10000x80xf32, #tpu.memory_space<hbm>>, %arg6: memref<78x128xi32, #tpu.memory_space<vmem>>, %arg7: memref<78x128xi32, #tpu.memory_space<vmem>>, %arg8: memref<1x128xi32, #tpu.memory_space<vmem>>, %arg9: memref<1x128xi32, #tpu.memory_space<vmem>>, %arg10: memref<128x80xf32, #tpu.memory_space<vmem>>, %arg11: memref<128x80xf32, #tpu.memory_space<vmem>>, %arg12: memref<10000x80xf32, #tpu.memory_space<vmem_shared>>, %arg13: memref<!tpu.dma_semaphore, #tpu.memory_space<semaphore_mem>>, %arg14: memref<!tpu.dma_semaphore, #tpu.memory_space<semaphore_mem>>, %arg15: memref<!tpu.dma_semaphore, #tpu.memory_space<semaphore_mem>>, %arg16: memref<!tpu.dma_semaphore, #tpu.memory_space<semaphore_mem>>) attributes {dimension_semantics = [#tpu.dimension_semantics<core_parallel>, #tpu.dimension_semantics<subcore_parallel>], iteration_bounds = array<i64: 2, 16>, scalar_prefetch = 0 : i64, scratch_operands = 11 : i64, tpu.core_type = #tpu.core_type<sc_vector_subcore>, window_params = [{transform_indices = #map}, {transform_indices = #map1}, {transform_indices = #map}, {transform_indices = #map1}]} {
    %mul3A = arith.constant 16 : i32
    %mul3A_0 = arith.muli %arg0, %mul3A : i32
    %add3A = arith.addi %mul3A_0, %arg1 : i32
    %mul3A_1 = arith.constant 625 : i32
    %mul3A_2 = arith.muli %arg1, %mul3A_1 : i32
    "tpu.region"() ({
      %run_scoped3A_32 = tpu.sem_alloc : memref<!tpu.dma_semaphore, #tpu.memory_space<semaphore_mem>>
      %dma_start3A_33 = arith.constant 0 : i32
      %dma_start3A_34 = tpu.memref_slice %arg12[%mul3A_2, %dma_start3A_33] : memref<10000x80xf32, #tpu.memory_space<vmem_shared>> -> memref<625x80xf32, #tpu.memory_space<vmem_shared>>
      %dma_start3A_35 = arith.constant 0 : i32
      %dma_start3A_36 = tpu.memref_slice %arg4[%mul3A_2, %dma_start3A_35] : memref<10000x80xf32, #tpu.memory_space<hbm>> -> memref<625x80xf32, #tpu.memory_space<hbm>>
      tpu.enqueue_dma source(%dma_start3A_36 : memref<625x80xf32, #tpu.memory_space<hbm>>) target(%dma_start3A_34 : memref<625x80xf32, #tpu.memory_space<vmem_shared>>) target_semaphore(%run_scoped3A_32 : memref<!tpu.dma_semaphore, #tpu.memory_space<semaphore_mem>>)
      %dma_wait3A_37 = arith.constant 0 : i32
      %dma_wait3A_38 = tpu.memref_slice %arg12[%mul3A_2, %dma_wait3A_37] : memref<10000x80xf32, #tpu.memory_space<vmem_shared>> -> memref<625x80xf32, #tpu.memory_space<vmem_shared>>
      %dma_wait3A_39 = arith.constant 0 : i32
      %dma_wait3A_40 = tpu.memref_slice %arg4[%mul3A_2, %dma_wait3A_39] : memref<10000x80xf32, #tpu.memory_space<hbm>> -> memref<625x80xf32, #tpu.memory_space<hbm>>
      tpu.wait_dma2 semaphore(%run_scoped3A_32 : memref<!tpu.dma_semaphore, #tpu.memory_space<semaphore_mem>>) src(%dma_wait3A_40 : memref<625x80xf32, #tpu.memory_space<hbm>>) dst(%dma_wait3A_38 : memref<625x80xf32, #tpu.memory_space<vmem_shared>>)
      tpu.yield
    }) : () -> ()
    %mul3A_3 = arith.constant 78 : i32
    %mul3A_4 = arith.muli %add3A, %mul3A_3 : i32
    %run_scoped3A = arith.constant 0 : i32
    "tpu.region"() ({
      %run_scoped3A_32 = tpu.sem_alloc : memref<!tpu.dma_semaphore, #tpu.memory_space<semaphore_mem>>
      %dma_start3A_33 = arith.constant 0 : i32
      %dma_start3A_34 = tpu.memref_slice %arg3[%run_scoped3A, %mul3A_4, %dma_start3A_33] : memref<2x2500x128xi32, #tpu.memory_space<hbm>> -> memref<1x78x128xi32, #tpu.memory_space<hbm>>
      %dma_start3A_35 = tpu.memref_squeeze %dma_start3A_34 : memref<1x78x128xi32, #tpu.memory_space<hbm>> -> memref<78x128xi32, #tpu.memory_space<hbm>>
      %dma_start3A_36 = arith.constant 0 : i32
      %dma_start3A_37 = tpu.memref_slice %arg3[%run_scoped3A, %mul3A_4, %dma_start3A_36] : memref<2x2500x128xi32, #tpu.memory_space<hbm>> -> memref<1x78x128xi32, #tpu.memory_space<hbm>>
      %dma_start3A_38 = tpu.memref_squeeze %dma_start3A_37 : memref<1x78x128xi32, #tpu.memory_space<hbm>> -> memref<78x128xi32, #tpu.memory_space<hbm>>
      tpu.enqueue_dma source(%dma_start3A_38 : memref<78x128xi32, #tpu.memory_space<hbm>>) target(%arg6 : memref<78x128xi32, #tpu.memory_space<vmem>>) target_semaphore(%run_scoped3A_32 : memref<!tpu.dma_semaphore, #tpu.memory_space<semaphore_mem>>)
      %dma_wait3A_39 = arith.constant 0 : i32
      %dma_wait3A_40 = tpu.memref_slice %arg3[%run_scoped3A, %mul3A_4, %dma_wait3A_39] : memref<2x2500x128xi32, #tpu.memory_space<hbm>> -> memref<1x78x128xi32, #tpu.memory_space<hbm>>
      %dma_wait3A_41 = tpu.memref_squeeze %dma_wait3A_40 : memref<1x78x128xi32, #tpu.memory_space<hbm>> -> memref<78x128xi32, #tpu.memory_space<hbm>>
      %dma_wait3A_42 = arith.constant 0 : i32
      %dma_wait3A_43 = tpu.memref_slice %arg3[%run_scoped3A, %mul3A_4, %dma_wait3A_42] : memref<2x2500x128xi32, #tpu.memory_space<hbm>> -> memref<1x78x128xi32, #tpu.memory_space<hbm>>
      %dma_wait3A_44 = tpu.memref_squeeze %dma_wait3A_43 : memref<1x78x128xi32, #tpu.memory_space<hbm>> -> memref<78x128xi32, #tpu.memory_space<hbm>>
      tpu.wait_dma2 semaphore(%run_scoped3A_32 : memref<!tpu.dma_semaphore, #tpu.memory_space<semaphore_mem>>) src(%dma_wait3A_44 : memref<78x128xi32, #tpu.memory_space<hbm>>) dst(%arg6 : memref<78x128xi32, #tpu.memory_space<vmem>>)
      tpu.yield
    }) : () -> ()
    %mul3A_5 = arith.constant 78 : i32
    %mul3A_6 = arith.muli %add3A, %mul3A_5 : i32
    %run_scoped3A_7 = arith.constant 1 : i32
    "tpu.region"() ({
      %run_scoped3A_32 = tpu.sem_alloc : memref<!tpu.dma_semaphore, #tpu.memory_space<semaphore_mem>>
      %dma_start3A_33 = arith.constant 0 : i32
      %dma_start3A_34 = tpu.memref_slice %arg3[%run_scoped3A_7, %mul3A_6, %dma_start3A_33] : memref<2x2500x128xi32, #tpu.memory_space<hbm>> -> memref<1x78x128xi32, #tpu.memory_space<hbm>>
      %dma_start3A_35 = tpu.memref_squeeze %dma_start3A_34 : memref<1x78x128xi32, #tpu.memory_space<hbm>> -> memref<78x128xi32, #tpu.memory_space<hbm>>
      %dma_start3A_36 = arith.constant 0 : i32
      %dma_start3A_37 = tpu.memref_slice %arg3[%run_scoped3A_7, %mul3A_6, %dma_start3A_36] : memref<2x2500x128xi32, #tpu.memory_space<hbm>> -> memref<1x78x128xi32, #tpu.memory_space<hbm>>
      %dma_start3A_38 = tpu.memref_squeeze %dma_start3A_37 : memref<1x78x128xi32, #tpu.memory_space<hbm>> -> memref<78x128xi32, #tpu.memory_space<hbm>>
      tpu.enqueue_dma source(%dma_start3A_38 : memref<78x128xi32, #tpu.memory_space<hbm>>) target(%arg7 : memref<78x128xi32, #tpu.memory_space<vmem>>) target_semaphore(%run_scoped3A_32 : memref<!tpu.dma_semaphore, #tpu.memory_space<semaphore_mem>>)
      %dma_wait3A_39 = arith.constant 0 : i32
      %dma_wait3A_40 = tpu.memref_slice %arg3[%run_scoped3A_7, %mul3A_6, %dma_wait3A_39] : memref<2x2500x128xi32, #tpu.memory_space<hbm>> -> memref<1x78x128xi32, #tpu.memory_space<hbm>>
      %dma_wait3A_41 = tpu.memref_squeeze %dma_wait3A_40 : memref<1x78x128xi32, #tpu.memory_space<hbm>> -> memref<78x128xi32, #tpu.memory_space<hbm>>
      %dma_wait3A_42 = arith.constant 0 : i32
      %dma_wait3A_43 = tpu.memref_slice %arg3[%run_scoped3A_7, %mul3A_6, %dma_wait3A_42] : memref<2x2500x128xi32, #tpu.memory_space<hbm>> -> memref<1x78x128xi32, #tpu.memory_space<hbm>>
      %dma_wait3A_44 = tpu.memref_squeeze %dma_wait3A_43 : memref<1x78x128xi32, #tpu.memory_space<hbm>> -> memref<78x128xi32, #tpu.memory_space<hbm>>
      tpu.wait_dma2 semaphore(%run_scoped3A_32 : memref<!tpu.dma_semaphore, #tpu.memory_space<semaphore_mem>>) src(%dma_wait3A_44 : memref<78x128xi32, #tpu.memory_space<hbm>>) dst(%arg7 : memref<78x128xi32, #tpu.memory_space<vmem>>)
      tpu.yield
    }) : () -> ()
    %lt3A = arith.constant 4 : i32
    %lt3A_8 = arith.cmpi slt, %add3A, %lt3A : i32
    %convert_element_type3A = arith.extui %lt3A_8 : i1 to i32
    %cond3A = arith.constant 0 : i32
    %cond3A_9 = arith.cmpi ne, %convert_element_type3A, %cond3A : i32
    scf.if %cond3A_9 {
      %add3A_32 = arith.constant 2496 : i32
      %add3A_33 = arith.addi %add3A_32, %add3A : i32
      %run_scoped3A_34 = arith.constant 0 : i32
      "tpu.region"() ({
        %run_scoped3A_38 = tpu.sem_alloc : memref<!tpu.dma_semaphore, #tpu.memory_space<semaphore_mem>>
        %dma_start3A_39 = arith.constant 0 : i32
        %dma_start3A_40 = tpu.memref_slice %arg3[%run_scoped3A_34, %add3A_33, %dma_start3A_39] : memref<2x2500x128xi32, #tpu.memory_space<hbm>> -> memref<1x1x128xi32, #tpu.memory_space<hbm>>
        %dma_start3A_41 = tpu.memref_squeeze %dma_start3A_40 : memref<1x1x128xi32, #tpu.memory_space<hbm>> -> memref<1x128xi32, #tpu.memory_space<hbm>>
        %dma_start3A_42 = arith.constant 0 : i32
        %dma_start3A_43 = tpu.memref_slice %arg3[%run_scoped3A_34, %add3A_33, %dma_start3A_42] : memref<2x2500x128xi32, #tpu.memory_space<hbm>> -> memref<1x1x128xi32, #tpu.memory_space<hbm>>
        %dma_start3A_44 = tpu.memref_squeeze %dma_start3A_43 : memref<1x1x128xi32, #tpu.memory_space<hbm>> -> memref<1x128xi32, #tpu.memory_space<hbm>>
        tpu.enqueue_dma source(%dma_start3A_44 : memref<1x128xi32, #tpu.memory_space<hbm>>) target(%arg8 : memref<1x128xi32, #tpu.memory_space<vmem>>) target_semaphore(%run_scoped3A_38 : memref<!tpu.dma_semaphore, #tpu.memory_space<semaphore_mem>>)
        %dma_wait3A_45 = arith.constant 0 : i32
        %dma_wait3A_46 = tpu.memref_slice %arg3[%run_scoped3A_34, %add3A_33, %dma_wait3A_45] : memref<2x2500x128xi32, #tpu.memory_space<hbm>> -> memref<1x1x128xi32, #tpu.memory_space<hbm>>
        %dma_wait3A_47 = tpu.memref_squeeze %dma_wait3A_46 : memref<1x1x128xi32, #tpu.memory_space<hbm>> -> memref<1x128xi32, #tpu.memory_space<hbm>>
        %dma_wait3A_48 = arith.constant 0 : i32
        %dma_wait3A_49 = tpu.memref_slice %arg3[%run_scoped3A_34, %add3A_33, %dma_wait3A_48] : memref<2x2500x128xi32, #tpu.memory_space<hbm>> -> memref<1x1x128xi32, #tpu.memory_space<hbm>>
        %dma_wait3A_50 = tpu.memref_squeeze %dma_wait3A_49 : memref<1x1x128xi32, #tpu.memory_space<hbm>> -> memref<1x128xi32, #tpu.memory_space<hbm>>
        tpu.wait_dma2 semaphore(%run_scoped3A_38 : memref<!tpu.dma_semaphore, #tpu.memory_space<semaphore_mem>>) src(%dma_wait3A_50 : memref<1x128xi32, #tpu.memory_space<hbm>>) dst(%arg8 : memref<1x128xi32, #tpu.memory_space<vmem>>)
        tpu.yield
      }) : () -> ()
      %add3A_35 = arith.constant 2496 : i32
      %add3A_36 = arith.addi %add3A_35, %add3A : i32
      %run_scoped3A_37 = arith.constant 1 : i32
      "tpu.region"() ({
        %run_scoped3A_38 = tpu.sem_alloc : memref<!tpu.dma_semaphore, #tpu.memory_space<semaphore_mem>>
        %dma_start3A_39 = arith.constant 0 : i32
        %dma_start3A_40 = tpu.memref_slice %arg3[%run_scoped3A_37, %add3A_36, %dma_start3A_39] : memref<2x2500x128xi32, #tpu.memory_space<hbm>> -> memref<1x1x128xi32, #tpu.memory_space<hbm>>
        %dma_start3A_41 = tpu.memref_squeeze %dma_start3A_40 : memref<1x1x128xi32, #tpu.memory_space<hbm>> -> memref<1x128xi32, #tpu.memory_space<hbm>>
        %dma_start3A_42 = arith.constant 0 : i32
        %dma_start3A_43 = tpu.memref_slice %arg3[%run_scoped3A_37, %add3A_36, %dma_start3A_42] : memref<2x2500x128xi32, #tpu.memory_space<hbm>> -> memref<1x1x128xi32, #tpu.memory_space<hbm>>
        %dma_start3A_44 = tpu.memref_squeeze %dma_start3A_43 : memref<1x1x128xi32, #tpu.memory_space<hbm>> -> memref<1x128xi32, #tpu.memory_space<hbm>>
        tpu.enqueue_dma source(%dma_start3A_44 : memref<1x128xi32, #tpu.memory_space<hbm>>) target(%arg9 : memref<1x128xi32, #tpu.memory_space<vmem>>) target_semaphore(%run_scoped3A_38 : memref<!tpu.dma_semaphore, #tpu.memory_space<semaphore_mem>>)
        %dma_wait3A_45 = arith.constant 0 : i32
        %dma_wait3A_46 = tpu.memref_slice %arg3[%run_scoped3A_37, %add3A_36, %dma_wait3A_45] : memref<2x2500x128xi32, #tpu.memory_space<hbm>> -> memref<1x1x128xi32, #tpu.memory_space<hbm>>
        %dma_wait3A_47 = tpu.memref_squeeze %dma_wait3A_46 : memref<1x1x128xi32, #tpu.memory_space<hbm>> -> memref<1x128xi32, #tpu.memory_space<hbm>>
        %dma_wait3A_48 = arith.constant 0 : i32
        %dma_wait3A_49 = tpu.memref_slice %arg3[%run_scoped3A_37, %add3A_36, %dma_wait3A_48] : memref<2x2500x128xi32, #tpu.memory_space<hbm>> -> memref<1x1x128xi32, #tpu.memory_space<hbm>>
        %dma_wait3A_50 = tpu.memref_squeeze %dma_wait3A_49 : memref<1x1x128xi32, #tpu.memory_space<hbm>> -> memref<1x128xi32, #tpu.memory_space<hbm>>
        tpu.wait_dma2 semaphore(%run_scoped3A_38 : memref<!tpu.dma_semaphore, #tpu.memory_space<semaphore_mem>>) src(%dma_wait3A_50 : memref<1x128xi32, #tpu.memory_space<hbm>>) dst(%arg9 : memref<1x128xi32, #tpu.memory_space<vmem>>)
        tpu.yield
      }) : () -> ()
    } else {
    }
    %dma_start3A = arith.constant 0 : i32
    %dma_start3A_10 = arith.constant 0 : i32
    %dma_start3A_11 = tpu.memref_slice %arg6[%dma_start3A, %dma_start3A_10] : memref<78x128xi32, #tpu.memory_space<vmem>> -> memref<1x128xi32, #tpu.memory_space<vmem>>
    %dma_start3A_12 = tpu.memref_squeeze %dma_start3A_11 : memref<1x128xi32, #tpu.memory_space<vmem>> -> memref<128xi32, #tpu.memory_space<vmem>>
    %dma_start3A_13 = arith.constant 0 : i32
    %dma_start3A_14 = arith.constant 0 : i32
    %dma_start3A_15 = tpu.memref_slice %arg2[%dma_start3A_13, %dma_start3A_14] : memref<10000x80xf32, #tpu.memory_space<hbm>> -> memref<10000x80xf32, #tpu.memory_space<hbm>>
    tpu.enqueue_indirect_dma source(%dma_start3A_15 : memref<10000x80xf32, #tpu.memory_space<hbm>>) target(%arg10 : memref<128x80xf32, #tpu.memory_space<vmem>>) offsets(%dma_start3A_12 : memref<128xi32, #tpu.memory_space<vmem>>) semaphore(%arg13 : memref<!tpu.dma_semaphore, #tpu.memory_space<semaphore_mem>>)
    %barrier3A = arith.constant 0 : index
    tpu.barrier barrier_id(%barrier3A)
    %scan3A = arith.constant 0 : i32
    %scan3A_16 = arith.constant 39 : i32
    %scan3A_17 = arith.addi %scan3A, %scan3A_16 : i32
    %scan3A_18 = arith.constant 1 : i32
    scf.for %scan3A_32 = %scan3A to %scan3A_17 step %scan3A_18  : i32 {
      %mul3A_33 = arith.constant 1 : i32
      %mul3A_34 = arith.muli %scan3A_32, %mul3A_33 : i32
      %add3A_35 = arith.constant 0 : i32
      %add3A_36 = arith.addi %add3A_35, %mul3A_34 : i32
      %mul3A_37 = arith.constant 2 : i32
      %mul3A_38 = arith.muli %mul3A_37, %add3A_36 : i32
      %dma_wait3A_39 = arith.constant 0 : i32
      %dma_wait3A_40 = tpu.memref_slice %arg6[%mul3A_38, %dma_wait3A_39] : memref<78x128xi32, #tpu.memory_space<vmem>> -> memref<1x128xi32, #tpu.memory_space<vmem>>
      %dma_wait3A_41 = tpu.memref_squeeze %dma_wait3A_40 : memref<1x128xi32, #tpu.memory_space<vmem>> -> memref<128xi32, #tpu.memory_space<vmem>>
      %dma_wait3A_42 = arith.constant 0 : i32
      %dma_wait3A_43 = arith.constant 0 : i32
      %dma_wait3A_44 = tpu.memref_slice %arg2[%dma_wait3A_42, %dma_wait3A_43] : memref<10000x80xf32, #tpu.memory_space<hbm>> -> memref<10000x80xf32, #tpu.memory_space<hbm>>
      tpu.wait_indirect_dma semaphore(%arg13 : memref<!tpu.dma_semaphore, #tpu.memory_space<semaphore_mem>>) src(%dma_wait3A_44 : memref<10000x80xf32, #tpu.memory_space<hbm>>) dst(%arg10 : memref<128x80xf32, #tpu.memory_space<vmem>>)
      %gt3A = arith.constant 0 : i32
      %gt3A_45 = arith.cmpi sgt, %add3A_36, %gt3A : i32
      %convert_element_type3A_46 = arith.extui %gt3A_45 : i1 to i32
      %cond3A_47 = arith.constant 0 : i32
      %cond3A_48 = arith.cmpi ne, %convert_element_type3A_46, %cond3A_47 : i32
      scf.if %cond3A_48 {
        %dma_wait3A_90 = arith.constant 0 : i32
        %dma_wait3A_91 = tpu.memref_slice %arg7[%mul3A_38, %dma_wait3A_90] : memref<78x128xi32, #tpu.memory_space<vmem>> -> memref<1x128xi32, #tpu.memory_space<vmem>>
        %dma_wait3A_92 = tpu.memref_squeeze %dma_wait3A_91 : memref<1x128xi32, #tpu.memory_space<vmem>> -> memref<128xi32, #tpu.memory_space<vmem>>
        %dma_wait3A_93 = arith.constant 0 : i32
        %dma_wait3A_94 = arith.constant 0 : i32
        %dma_wait3A_95 = tpu.memref_slice %arg12[%dma_wait3A_93, %dma_wait3A_94] : memref<10000x80xf32, #tpu.memory_space<vmem_shared>> -> memref<10000x80xf32, #tpu.memory_space<vmem_shared>>
        tpu.wait_indirect_dma semaphore(%arg16 : memref<!tpu.dma_semaphore, #tpu.memory_space<semaphore_mem>>) src(%arg11 : memref<128x80xf32, #tpu.memory_space<vmem>>) dst(%dma_wait3A_95 : memref<10000x80xf32, #tpu.memory_space<vmem_shared>>)
      } else {
      }
      %add3A_49 = arith.constant 1 : i32
      %add3A_50 = arith.addi %mul3A_38, %add3A_49 : i32
      %dma_start3A_51 = arith.constant 0 : i32
      %dma_start3A_52 = tpu.memref_slice %arg6[%add3A_50, %dma_start3A_51] : memref<78x128xi32, #tpu.memory_space<vmem>> -> memref<1x128xi32, #tpu.memory_space<vmem>>
      %dma_start3A_53 = tpu.memref_squeeze %dma_start3A_52 : memref<1x128xi32, #tpu.memory_space<vmem>> -> memref<128xi32, #tpu.memory_space<vmem>>
      %dma_start3A_54 = arith.constant 0 : i32
      %dma_start3A_55 = arith.constant 0 : i32
      %dma_start3A_56 = tpu.memref_slice %arg2[%dma_start3A_54, %dma_start3A_55] : memref<10000x80xf32, #tpu.memory_space<hbm>> -> memref<10000x80xf32, #tpu.memory_space<hbm>>
      tpu.enqueue_indirect_dma source(%dma_start3A_56 : memref<10000x80xf32, #tpu.memory_space<hbm>>) target(%arg11 : memref<128x80xf32, #tpu.memory_space<vmem>>) offsets(%dma_start3A_53 : memref<128xi32, #tpu.memory_space<vmem>>) semaphore(%arg14 : memref<!tpu.dma_semaphore, #tpu.memory_space<semaphore_mem>>)
      %dma_start3A_57 = arith.constant 0 : i32
      %dma_start3A_58 = tpu.memref_slice %arg7[%mul3A_38, %dma_start3A_57] : memref<78x128xi32, #tpu.memory_space<vmem>> -> memref<1x128xi32, #tpu.memory_space<vmem>>
      %dma_start3A_59 = tpu.memref_squeeze %dma_start3A_58 : memref<1x128xi32, #tpu.memory_space<vmem>> -> memref<128xi32, #tpu.memory_space<vmem>>
      %dma_start3A_60 = arith.constant 0 : i32
      %dma_start3A_61 = arith.constant 0 : i32
      %dma_start3A_62 = tpu.memref_slice %arg12[%dma_start3A_60, %dma_start3A_61] : memref<10000x80xf32, #tpu.memory_space<vmem_shared>> -> memref<10000x80xf32, #tpu.memory_space<vmem_shared>>
      tpu.enqueue_indirect_dma source(%arg10 : memref<128x80xf32, #tpu.memory_space<vmem>>) target(%dma_start3A_62 : memref<10000x80xf32, #tpu.memory_space<vmem_shared>>) offsets(%dma_start3A_59 : memref<128xi32, #tpu.memory_space<vmem>>) semaphore(%arg15 : memref<!tpu.dma_semaphore, #tpu.memory_space<semaphore_mem>>) {add = true}
      %add3A_63 = arith.constant 1 : i32
      %add3A_64 = arith.addi %mul3A_38, %add3A_63 : i32
      %dma_wait3A_65 = arith.constant 0 : i32
      %dma_wait3A_66 = tpu.memref_slice %arg6[%add3A_64, %dma_wait3A_65] : memref<78x128xi32, #tpu.memory_space<vmem>> -> memref<1x128xi32, #tpu.memory_space<vmem>>
      %dma_wait3A_67 = tpu.memref_squeeze %dma_wait3A_66 : memref<1x128xi32, #tpu.memory_space<vmem>> -> memref<128xi32, #tpu.memory_space<vmem>>
      %dma_wait3A_68 = arith.constant 0 : i32
      %dma_wait3A_69 = arith.constant 0 : i32
      %dma_wait3A_70 = tpu.memref_slice %arg2[%dma_wait3A_68, %dma_wait3A_69] : memref<10000x80xf32, #tpu.memory_space<hbm>> -> memref<10000x80xf32, #tpu.memory_space<hbm>>
      tpu.wait_indirect_dma semaphore(%arg14 : memref<!tpu.dma_semaphore, #tpu.memory_space<semaphore_mem>>) src(%dma_wait3A_70 : memref<10000x80xf32, #tpu.memory_space<hbm>>) dst(%arg11 : memref<128x80xf32, #tpu.memory_space<vmem>>)
      %dma_wait3A_71 = arith.constant 0 : i32
      %dma_wait3A_72 = tpu.memref_slice %arg7[%mul3A_38, %dma_wait3A_71] : memref<78x128xi32, #tpu.memory_space<vmem>> -> memref<1x128xi32, #tpu.memory_space<vmem>>
      %dma_wait3A_73 = tpu.memref_squeeze %dma_wait3A_72 : memref<1x128xi32, #tpu.memory_space<vmem>> -> memref<128xi32, #tpu.memory_space<vmem>>
      %dma_wait3A_74 = arith.constant 0 : i32
      %dma_wait3A_75 = arith.constant 0 : i32
      %dma_wait3A_76 = tpu.memref_slice %arg12[%dma_wait3A_74, %dma_wait3A_75] : memref<10000x80xf32, #tpu.memory_space<vmem_shared>> -> memref<10000x80xf32, #tpu.memory_space<vmem_shared>>
      tpu.wait_indirect_dma semaphore(%arg15 : memref<!tpu.dma_semaphore, #tpu.memory_space<semaphore_mem>>) src(%arg10 : memref<128x80xf32, #tpu.memory_space<vmem>>) dst(%dma_wait3A_76 : memref<10000x80xf32, #tpu.memory_space<vmem_shared>>)
      %lt3A_77 = arith.constant 38 : i32
      %lt3A_78 = arith.cmpi slt, %add3A_36, %lt3A_77 : i32
      %convert_element_type3A_79 = arith.extui %lt3A_78 : i1 to i32
      %cond3A_80 = arith.constant 0 : i32
      %cond3A_81 = arith.cmpi ne, %convert_element_type3A_79, %cond3A_80 : i32
      scf.if %cond3A_81 {
        %add3A_90 = arith.constant 2 : i32
        %add3A_91 = arith.addi %mul3A_38, %add3A_90 : i32
        %dma_start3A_92 = arith.constant 0 : i32
        %dma_start3A_93 = tpu.memref_slice %arg6[%add3A_91, %dma_start3A_92] : memref<78x128xi32, #tpu.memory_space<vmem>> -> memref<1x128xi32, #tpu.memory_space<vmem>>
        %dma_start3A_94 = tpu.memref_squeeze %dma_start3A_93 : memref<1x128xi32, #tpu.memory_space<vmem>> -> memref<128xi32, #tpu.memory_space<vmem>>
        %dma_start3A_95 = arith.constant 0 : i32
        %dma_start3A_96 = arith.constant 0 : i32
        %dma_start3A_97 = tpu.memref_slice %arg2[%dma_start3A_95, %dma_start3A_96] : memref<10000x80xf32, #tpu.memory_space<hbm>> -> memref<10000x80xf32, #tpu.memory_space<hbm>>
        tpu.enqueue_indirect_dma source(%dma_start3A_97 : memref<10000x80xf32, #tpu.memory_space<hbm>>) target(%arg10 : memref<128x80xf32, #tpu.memory_space<vmem>>) offsets(%dma_start3A_94 : memref<128xi32, #tpu.memory_space<vmem>>) semaphore(%arg13 : memref<!tpu.dma_semaphore, #tpu.memory_space<semaphore_mem>>)
      } else {
      }
      %add3A_82 = arith.constant 1 : i32
      %add3A_83 = arith.addi %mul3A_38, %add3A_82 : i32
      %dma_start3A_84 = arith.constant 0 : i32
      %dma_start3A_85 = tpu.memref_slice %arg7[%add3A_83, %dma_start3A_84] : memref<78x128xi32, #tpu.memory_space<vmem>> -> memref<1x128xi32, #tpu.memory_space<vmem>>
      %dma_start3A_86 = tpu.memref_squeeze %dma_start3A_85 : memref<1x128xi32, #tpu.memory_space<vmem>> -> memref<128xi32, #tpu.memory_space<vmem>>
      %dma_start3A_87 = arith.constant 0 : i32
      %dma_start3A_88 = arith.constant 0 : i32
      %dma_start3A_89 = tpu.memref_slice %arg12[%dma_start3A_87, %dma_start3A_88] : memref<10000x80xf32, #tpu.memory_space<vmem_shared>> -> memref<10000x80xf32, #tpu.memory_space<vmem_shared>>
      tpu.enqueue_indirect_dma source(%arg11 : memref<128x80xf32, #tpu.memory_space<vmem>>) target(%dma_start3A_89 : memref<10000x80xf32, #tpu.memory_space<vmem_shared>>) offsets(%dma_start3A_86 : memref<128xi32, #tpu.memory_space<vmem>>) semaphore(%arg16 : memref<!tpu.dma_semaphore, #tpu.memory_space<semaphore_mem>>) {add = true}
    }
    %scan3A_19 = arith.constant 39 : i32
    %dma_wait3A = arith.constant 77 : i32
    %dma_wait3A_20 = arith.constant 0 : i32
    %dma_wait3A_21 = tpu.memref_slice %arg7[%dma_wait3A, %dma_wait3A_20] : memref<78x128xi32, #tpu.memory_space<vmem>> -> memref<1x128xi32, #tpu.memory_space<vmem>>
    %dma_wait3A_22 = tpu.memref_squeeze %dma_wait3A_21 : memref<1x128xi32, #tpu.memory_space<vmem>> -> memref<128xi32, #tpu.memory_space<vmem>>
    %dma_wait3A_23 = arith.constant 0 : i32
    %dma_wait3A_24 = arith.constant 0 : i32
    %dma_wait3A_25 = tpu.memref_slice %arg12[%dma_wait3A_23, %dma_wait3A_24] : memref<10000x80xf32, #tpu.memory_space<vmem_shared>> -> memref<10000x80xf32, #tpu.memory_space<vmem_shared>>
    tpu.wait_indirect_dma semaphore(%arg16 : memref<!tpu.dma_semaphore, #tpu.memory_space<semaphore_mem>>) src(%arg11 : memref<128x80xf32, #tpu.memory_space<vmem>>) dst(%dma_wait3A_25 : memref<10000x80xf32, #tpu.memory_space<vmem_shared>>)
    %lt3A_26 = arith.constant 4 : i32
    %lt3A_27 = arith.cmpi slt, %add3A, %lt3A_26 : i32
    %convert_element_type3A_28 = arith.extui %lt3A_27 : i1 to i32
    %cond3A_29 = arith.constant 0 : i32
    %cond3A_30 = arith.cmpi ne, %convert_element_type3A_28, %cond3A_29 : i32
    scf.if %cond3A_30 {
      %run_scoped3A_32 = arith.constant 0 : i32
      "tpu.region"() ({
        %run_scoped3A_34 = tpu.sem_alloc : memref<!tpu.dma_semaphore, #tpu.memory_space<semaphore_mem>>
        %dma_start3A_35 = arith.constant 0 : i32
        %dma_start3A_36 = tpu.memref_slice %arg8[%run_scoped3A_32, %dma_start3A_35] : memref<1x128xi32, #tpu.memory_space<vmem>> -> memref<1x128xi32, #tpu.memory_space<vmem>>
        %dma_start3A_37 = tpu.memref_squeeze %dma_start3A_36 : memref<1x128xi32, #tpu.memory_space<vmem>> -> memref<128xi32, #tpu.memory_space<vmem>>
        %dma_start3A_38 = arith.constant 0 : i32
        %dma_start3A_39 = arith.constant 0 : i32
        %dma_start3A_40 = tpu.memref_slice %arg2[%dma_start3A_38, %dma_start3A_39] : memref<10000x80xf32, #tpu.memory_space<hbm>> -> memref<10000x80xf32, #tpu.memory_space<hbm>>
        tpu.enqueue_indirect_dma source(%dma_start3A_40 : memref<10000x80xf32, #tpu.memory_space<hbm>>) target(%arg10 : memref<128x80xf32, #tpu.memory_space<vmem>>) offsets(%dma_start3A_37 : memref<128xi32, #tpu.memory_space<vmem>>) semaphore(%run_scoped3A_34 : memref<!tpu.dma_semaphore, #tpu.memory_space<semaphore_mem>>)
        %dma_wait3A_41 = arith.constant 0 : i32
        %dma_wait3A_42 = tpu.memref_slice %arg8[%run_scoped3A_32, %dma_wait3A_41] : memref<1x128xi32, #tpu.memory_space<vmem>> -> memref<1x128xi32, #tpu.memory_space<vmem>>
        %dma_wait3A_43 = tpu.memref_squeeze %dma_wait3A_42 : memref<1x128xi32, #tpu.memory_space<vmem>> -> memref<128xi32, #tpu.memory_space<vmem>>
        %dma_wait3A_44 = arith.constant 0 : i32
        %dma_wait3A_45 = arith.constant 0 : i32
        %dma_wait3A_46 = tpu.memref_slice %arg2[%dma_wait3A_44, %dma_wait3A_45] : memref<10000x80xf32, #tpu.memory_space<hbm>> -> memref<10000x80xf32, #tpu.memory_space<hbm>>
        tpu.wait_indirect_dma semaphore(%run_scoped3A_34 : memref<!tpu.dma_semaphore, #tpu.memory_space<semaphore_mem>>) src(%dma_wait3A_46 : memref<10000x80xf32, #tpu.memory_space<hbm>>) dst(%arg10 : memref<128x80xf32, #tpu.memory_space<vmem>>)
        tpu.yield
      }) : () -> ()
      %run_scoped3A_33 = arith.constant 0 : i32
      "tpu.region"() ({
        %run_scoped3A_34 = tpu.sem_alloc : memref<!tpu.dma_semaphore, #tpu.memory_space<semaphore_mem>>
        %dma_start3A_35 = arith.constant 0 : i32
        %dma_start3A_36 = tpu.memref_slice %arg9[%run_scoped3A_33, %dma_start3A_35] : memref<1x128xi32, #tpu.memory_space<vmem>> -> memref<1x128xi32, #tpu.memory_space<vmem>>
        %dma_start3A_37 = tpu.memref_squeeze %dma_start3A_36 : memref<1x128xi32, #tpu.memory_space<vmem>> -> memref<128xi32, #tpu.memory_space<vmem>>
        %dma_start3A_38 = arith.constant 0 : i32
        %dma_start3A_39 = arith.constant 0 : i32
        %dma_start3A_40 = tpu.memref_slice %arg12[%dma_start3A_38, %dma_start3A_39] : memref<10000x80xf32, #tpu.memory_space<vmem_shared>> -> memref<10000x80xf32, #tpu.memory_space<vmem_shared>>
        tpu.enqueue_indirect_dma source(%arg10 : memref<128x80xf32, #tpu.memory_space<vmem>>) target(%dma_start3A_40 : memref<10000x80xf32, #tpu.memory_space<vmem_shared>>) offsets(%dma_start3A_37 : memref<128xi32, #tpu.memory_space<vmem>>) semaphore(%run_scoped3A_34 : memref<!tpu.dma_semaphore, #tpu.memory_space<semaphore_mem>>) {add = true}
        %dma_wait3A_41 = arith.constant 0 : i32
        %dma_wait3A_42 = tpu.memref_slice %arg9[%run_scoped3A_33, %dma_wait3A_41] : memref<1x128xi32, #tpu.memory_space<vmem>> -> memref<1x128xi32, #tpu.memory_space<vmem>>
        %dma_wait3A_43 = tpu.memref_squeeze %dma_wait3A_42 : memref<1x128xi32, #tpu.memory_space<vmem>> -> memref<128xi32, #tpu.memory_space<vmem>>
        %dma_wait3A_44 = arith.constant 0 : i32
        %dma_wait3A_45 = arith.constant 0 : i32
        %dma_wait3A_46 = tpu.memref_slice %arg12[%dma_wait3A_44, %dma_wait3A_45] : memref<10000x80xf32, #tpu.memory_space<vmem_shared>> -> memref<10000x80xf32, #tpu.memory_space<vmem_shared>>
        tpu.wait_indirect_dma semaphore(%run_scoped3A_34 : memref<!tpu.dma_semaphore, #tpu.memory_space<semaphore_mem>>) src(%arg10 : memref<128x80xf32, #tpu.memory_space<vmem>>) dst(%dma_wait3A_46 : memref<10000x80xf32, #tpu.memory_space<vmem_shared>>)
        tpu.yield
      }) : () -> ()
    } else {
    }
    %barrier3A_31 = arith.constant 0 : index
    tpu.barrier barrier_id(%barrier3A_31)
    "tpu.region"() ({
      %run_scoped3A_32 = tpu.sem_alloc : memref<!tpu.dma_semaphore, #tpu.memory_space<semaphore_mem>>
      %dma_start3A_33 = arith.constant 0 : i32
      %dma_start3A_34 = tpu.memref_slice %arg5[%arg0, %mul3A_2, %dma_start3A_33] : memref<2x10000x80xf32, #tpu.memory_space<hbm>> -> memref<1x625x80xf32, #tpu.memory_space<hbm>>
      %dma_start3A_35 = tpu.memref_squeeze %dma_start3A_34 : memref<1x625x80xf32, #tpu.memory_space<hbm>> -> memref<625x80xf32, #tpu.memory_space<hbm>>
      %dma_start3A_36 = arith.constant 0 : i32
      %dma_start3A_37 = tpu.memref_slice %arg12[%mul3A_2, %dma_start3A_36] : memref<10000x80xf32, #tpu.memory_space<vmem_shared>> -> memref<625x80xf32, #tpu.memory_space<vmem_shared>>
      tpu.enqueue_dma source(%dma_start3A_37 : memref<625x80xf32, #tpu.memory_space<vmem_shared>>) target(%dma_start3A_35 : memref<625x80xf32, #tpu.memory_space<hbm>>) target_semaphore(%run_scoped3A_32 : memref<!tpu.dma_semaphore, #tpu.memory_space<semaphore_mem>>)
      %dma_wait3A_38 = arith.constant 0 : i32
      %dma_wait3A_39 = tpu.memref_slice %arg5[%arg0, %mul3A_2, %dma_wait3A_38] : memref<2x10000x80xf32, #tpu.memory_space<hbm>> -> memref<1x625x80xf32, #tpu.memory_space<hbm>>
      %dma_wait3A_40 = tpu.memref_squeeze %dma_wait3A_39 : memref<1x625x80xf32, #tpu.memory_space<hbm>> -> memref<625x80xf32, #tpu.memory_space<hbm>>
      %dma_wait3A_41 = arith.constant 0 : i32
      %dma_wait3A_42 = tpu.memref_slice %arg12[%mul3A_2, %dma_wait3A_41] : memref<10000x80xf32, #tpu.memory_space<vmem_shared>> -> memref<625x80xf32, #tpu.memory_space<vmem_shared>>
      tpu.wait_dma2 semaphore(%run_scoped3A_32 : memref<!tpu.dma_semaphore, #tpu.memory_space<semaphore_mem>>) src(%dma_wait3A_42 : memref<625x80xf32, #tpu.memory_space<vmem_shared>>) dst(%dma_wait3A_40 : memref<625x80xf32, #tpu.memory_space<hbm>>)
      tpu.yield
    }) : () -> ()
    return
  }
}

#map = affine_map<(d0, d1) -> (0, 0)>
#map1 = affine_map<(d0, d1) -> (0, 0, 0)>
module attributes {stable_mosaic.version = 14 : i64} {
  func.func @edge_pass(%arg0: i32, %arg1: i32, %arg2: memref<10000x16xf32, #tpu.memory_space<hbm>>, %arg3: memref<2x2500x128xi32, #tpu.memory_space<hbm>>, %arg4: memref<10000x16xf32, #tpu.memory_space<hbm>>, %arg5: memref<2x10000x16xf32, #tpu.memory_space<hbm>>, %arg6: memref<78x128xi32, #tpu.memory_space<vmem>>, %arg7: memref<78x128xi32, #tpu.memory_space<vmem>>, %arg8: memref<1x128xi32, #tpu.memory_space<vmem>>, %arg9: memref<1x128xi32, #tpu.memory_space<vmem>>, %arg10: memref<128x16xf32, #tpu.memory_space<vmem>>, %arg11: memref<128x16xf32, #tpu.memory_space<vmem>>, %arg12: memref<10000x16xf32, #tpu.memory_space<vmem_shared>>, %arg13: memref<!tpu.dma_semaphore, #tpu.memory_space<semaphore_mem>>, %arg14: memref<!tpu.dma_semaphore, #tpu.memory_space<semaphore_mem>>, %arg15: memref<!tpu.dma_semaphore, #tpu.memory_space<semaphore_mem>>, %arg16: memref<!tpu.dma_semaphore, #tpu.memory_space<semaphore_mem>>) attributes {dimension_semantics = [#tpu.dimension_semantics<core_parallel>, #tpu.dimension_semantics<subcore_parallel>], iteration_bounds = array<i64: 2, 16>, scalar_prefetch = 0 : i64, scratch_operands = 11 : i64, tpu.core_type = #tpu.core_type<sc_vector_subcore>, window_params = [{transform_indices = #map}, {transform_indices = #map1}, {transform_indices = #map}, {transform_indices = #map1}]} {
    %mul3A = arith.constant 16 : i32
    %mul3A_0 = arith.muli %arg0, %mul3A : i32
    %add3A = arith.addi %mul3A_0, %arg1 : i32
    %mul3A_1 = arith.constant 625 : i32
    %mul3A_2 = arith.muli %arg1, %mul3A_1 : i32
    "tpu.region"() ({
      %run_scoped3A_32 = tpu.sem_alloc : memref<!tpu.dma_semaphore, #tpu.memory_space<semaphore_mem>>
      %dma_start3A_33 = arith.constant 0 : i32
      %dma_start3A_34 = tpu.memref_slice %arg12[%mul3A_2, %dma_start3A_33] : memref<10000x16xf32, #tpu.memory_space<vmem_shared>> -> memref<625x16xf32, #tpu.memory_space<vmem_shared>>
      %dma_start3A_35 = arith.constant 0 : i32
      %dma_start3A_36 = tpu.memref_slice %arg4[%mul3A_2, %dma_start3A_35] : memref<10000x16xf32, #tpu.memory_space<hbm>> -> memref<625x16xf32, #tpu.memory_space<hbm>>
      tpu.enqueue_dma source(%dma_start3A_36 : memref<625x16xf32, #tpu.memory_space<hbm>>) target(%dma_start3A_34 : memref<625x16xf32, #tpu.memory_space<vmem_shared>>) target_semaphore(%run_scoped3A_32 : memref<!tpu.dma_semaphore, #tpu.memory_space<semaphore_mem>>)
      %dma_wait3A_37 = arith.constant 0 : i32
      %dma_wait3A_38 = tpu.memref_slice %arg12[%mul3A_2, %dma_wait3A_37] : memref<10000x16xf32, #tpu.memory_space<vmem_shared>> -> memref<625x16xf32, #tpu.memory_space<vmem_shared>>
      %dma_wait3A_39 = arith.constant 0 : i32
      %dma_wait3A_40 = tpu.memref_slice %arg4[%mul3A_2, %dma_wait3A_39] : memref<10000x16xf32, #tpu.memory_space<hbm>> -> memref<625x16xf32, #tpu.memory_space<hbm>>
      tpu.wait_dma2 semaphore(%run_scoped3A_32 : memref<!tpu.dma_semaphore, #tpu.memory_space<semaphore_mem>>) src(%dma_wait3A_40 : memref<625x16xf32, #tpu.memory_space<hbm>>) dst(%dma_wait3A_38 : memref<625x16xf32, #tpu.memory_space<vmem_shared>>)
      tpu.yield
    }) : () -> ()
    %mul3A_3 = arith.constant 78 : i32
    %mul3A_4 = arith.muli %add3A, %mul3A_3 : i32
    %run_scoped3A = arith.constant 0 : i32
    "tpu.region"() ({
      %run_scoped3A_32 = tpu.sem_alloc : memref<!tpu.dma_semaphore, #tpu.memory_space<semaphore_mem>>
      %dma_start3A_33 = arith.constant 0 : i32
      %dma_start3A_34 = tpu.memref_slice %arg3[%run_scoped3A, %mul3A_4, %dma_start3A_33] : memref<2x2500x128xi32, #tpu.memory_space<hbm>> -> memref<1x78x128xi32, #tpu.memory_space<hbm>>
      %dma_start3A_35 = tpu.memref_squeeze %dma_start3A_34 : memref<1x78x128xi32, #tpu.memory_space<hbm>> -> memref<78x128xi32, #tpu.memory_space<hbm>>
      %dma_start3A_36 = arith.constant 0 : i32
      %dma_start3A_37 = tpu.memref_slice %arg3[%run_scoped3A, %mul3A_4, %dma_start3A_36] : memref<2x2500x128xi32, #tpu.memory_space<hbm>> -> memref<1x78x128xi32, #tpu.memory_space<hbm>>
      %dma_start3A_38 = tpu.memref_squeeze %dma_start3A_37 : memref<1x78x128xi32, #tpu.memory_space<hbm>> -> memref<78x128xi32, #tpu.memory_space<hbm>>
      tpu.enqueue_dma source(%dma_start3A_38 : memref<78x128xi32, #tpu.memory_space<hbm>>) target(%arg6 : memref<78x128xi32, #tpu.memory_space<vmem>>) target_semaphore(%run_scoped3A_32 : memref<!tpu.dma_semaphore, #tpu.memory_space<semaphore_mem>>)
      %dma_wait3A_39 = arith.constant 0 : i32
      %dma_wait3A_40 = tpu.memref_slice %arg3[%run_scoped3A, %mul3A_4, %dma_wait3A_39] : memref<2x2500x128xi32, #tpu.memory_space<hbm>> -> memref<1x78x128xi32, #tpu.memory_space<hbm>>
      %dma_wait3A_41 = tpu.memref_squeeze %dma_wait3A_40 : memref<1x78x128xi32, #tpu.memory_space<hbm>> -> memref<78x128xi32, #tpu.memory_space<hbm>>
      %dma_wait3A_42 = arith.constant 0 : i32
      %dma_wait3A_43 = tpu.memref_slice %arg3[%run_scoped3A, %mul3A_4, %dma_wait3A_42] : memref<2x2500x128xi32, #tpu.memory_space<hbm>> -> memref<1x78x128xi32, #tpu.memory_space<hbm>>
      %dma_wait3A_44 = tpu.memref_squeeze %dma_wait3A_43 : memref<1x78x128xi32, #tpu.memory_space<hbm>> -> memref<78x128xi32, #tpu.memory_space<hbm>>
      tpu.wait_dma2 semaphore(%run_scoped3A_32 : memref<!tpu.dma_semaphore, #tpu.memory_space<semaphore_mem>>) src(%dma_wait3A_44 : memref<78x128xi32, #tpu.memory_space<hbm>>) dst(%arg6 : memref<78x128xi32, #tpu.memory_space<vmem>>)
      tpu.yield
    }) : () -> ()
    %mul3A_5 = arith.constant 78 : i32
    %mul3A_6 = arith.muli %add3A, %mul3A_5 : i32
    %run_scoped3A_7 = arith.constant 1 : i32
    "tpu.region"() ({
      %run_scoped3A_32 = tpu.sem_alloc : memref<!tpu.dma_semaphore, #tpu.memory_space<semaphore_mem>>
      %dma_start3A_33 = arith.constant 0 : i32
      %dma_start3A_34 = tpu.memref_slice %arg3[%run_scoped3A_7, %mul3A_6, %dma_start3A_33] : memref<2x2500x128xi32, #tpu.memory_space<hbm>> -> memref<1x78x128xi32, #tpu.memory_space<hbm>>
      %dma_start3A_35 = tpu.memref_squeeze %dma_start3A_34 : memref<1x78x128xi32, #tpu.memory_space<hbm>> -> memref<78x128xi32, #tpu.memory_space<hbm>>
      %dma_start3A_36 = arith.constant 0 : i32
      %dma_start3A_37 = tpu.memref_slice %arg3[%run_scoped3A_7, %mul3A_6, %dma_start3A_36] : memref<2x2500x128xi32, #tpu.memory_space<hbm>> -> memref<1x78x128xi32, #tpu.memory_space<hbm>>
      %dma_start3A_38 = tpu.memref_squeeze %dma_start3A_37 : memref<1x78x128xi32, #tpu.memory_space<hbm>> -> memref<78x128xi32, #tpu.memory_space<hbm>>
      tpu.enqueue_dma source(%dma_start3A_38 : memref<78x128xi32, #tpu.memory_space<hbm>>) target(%arg7 : memref<78x128xi32, #tpu.memory_space<vmem>>) target_semaphore(%run_scoped3A_32 : memref<!tpu.dma_semaphore, #tpu.memory_space<semaphore_mem>>)
      %dma_wait3A_39 = arith.constant 0 : i32
      %dma_wait3A_40 = tpu.memref_slice %arg3[%run_scoped3A_7, %mul3A_6, %dma_wait3A_39] : memref<2x2500x128xi32, #tpu.memory_space<hbm>> -> memref<1x78x128xi32, #tpu.memory_space<hbm>>
      %dma_wait3A_41 = tpu.memref_squeeze %dma_wait3A_40 : memref<1x78x128xi32, #tpu.memory_space<hbm>> -> memref<78x128xi32, #tpu.memory_space<hbm>>
      %dma_wait3A_42 = arith.constant 0 : i32
      %dma_wait3A_43 = tpu.memref_slice %arg3[%run_scoped3A_7, %mul3A_6, %dma_wait3A_42] : memref<2x2500x128xi32, #tpu.memory_space<hbm>> -> memref<1x78x128xi32, #tpu.memory_space<hbm>>
      %dma_wait3A_44 = tpu.memref_squeeze %dma_wait3A_43 : memref<1x78x128xi32, #tpu.memory_space<hbm>> -> memref<78x128xi32, #tpu.memory_space<hbm>>
      tpu.wait_dma2 semaphore(%run_scoped3A_32 : memref<!tpu.dma_semaphore, #tpu.memory_space<semaphore_mem>>) src(%dma_wait3A_44 : memref<78x128xi32, #tpu.memory_space<hbm>>) dst(%arg7 : memref<78x128xi32, #tpu.memory_space<vmem>>)
      tpu.yield
    }) : () -> ()
    %lt3A = arith.constant 4 : i32
    %lt3A_8 = arith.cmpi slt, %add3A, %lt3A : i32
    %convert_element_type3A = arith.extui %lt3A_8 : i1 to i32
    %cond3A = arith.constant 0 : i32
    %cond3A_9 = arith.cmpi ne, %convert_element_type3A, %cond3A : i32
    scf.if %cond3A_9 {
      %add3A_32 = arith.constant 2496 : i32
      %add3A_33 = arith.addi %add3A_32, %add3A : i32
      %run_scoped3A_34 = arith.constant 0 : i32
      "tpu.region"() ({
        %run_scoped3A_38 = tpu.sem_alloc : memref<!tpu.dma_semaphore, #tpu.memory_space<semaphore_mem>>
        %dma_start3A_39 = arith.constant 0 : i32
        %dma_start3A_40 = tpu.memref_slice %arg3[%run_scoped3A_34, %add3A_33, %dma_start3A_39] : memref<2x2500x128xi32, #tpu.memory_space<hbm>> -> memref<1x1x128xi32, #tpu.memory_space<hbm>>
        %dma_start3A_41 = tpu.memref_squeeze %dma_start3A_40 : memref<1x1x128xi32, #tpu.memory_space<hbm>> -> memref<1x128xi32, #tpu.memory_space<hbm>>
        %dma_start3A_42 = arith.constant 0 : i32
        %dma_start3A_43 = tpu.memref_slice %arg3[%run_scoped3A_34, %add3A_33, %dma_start3A_42] : memref<2x2500x128xi32, #tpu.memory_space<hbm>> -> memref<1x1x128xi32, #tpu.memory_space<hbm>>
        %dma_start3A_44 = tpu.memref_squeeze %dma_start3A_43 : memref<1x1x128xi32, #tpu.memory_space<hbm>> -> memref<1x128xi32, #tpu.memory_space<hbm>>
        tpu.enqueue_dma source(%dma_start3A_44 : memref<1x128xi32, #tpu.memory_space<hbm>>) target(%arg8 : memref<1x128xi32, #tpu.memory_space<vmem>>) target_semaphore(%run_scoped3A_38 : memref<!tpu.dma_semaphore, #tpu.memory_space<semaphore_mem>>)
        %dma_wait3A_45 = arith.constant 0 : i32
        %dma_wait3A_46 = tpu.memref_slice %arg3[%run_scoped3A_34, %add3A_33, %dma_wait3A_45] : memref<2x2500x128xi32, #tpu.memory_space<hbm>> -> memref<1x1x128xi32, #tpu.memory_space<hbm>>
        %dma_wait3A_47 = tpu.memref_squeeze %dma_wait3A_46 : memref<1x1x128xi32, #tpu.memory_space<hbm>> -> memref<1x128xi32, #tpu.memory_space<hbm>>
        %dma_wait3A_48 = arith.constant 0 : i32
        %dma_wait3A_49 = tpu.memref_slice %arg3[%run_scoped3A_34, %add3A_33, %dma_wait3A_48] : memref<2x2500x128xi32, #tpu.memory_space<hbm>> -> memref<1x1x128xi32, #tpu.memory_space<hbm>>
        %dma_wait3A_50 = tpu.memref_squeeze %dma_wait3A_49 : memref<1x1x128xi32, #tpu.memory_space<hbm>> -> memref<1x128xi32, #tpu.memory_space<hbm>>
        tpu.wait_dma2 semaphore(%run_scoped3A_38 : memref<!tpu.dma_semaphore, #tpu.memory_space<semaphore_mem>>) src(%dma_wait3A_50 : memref<1x128xi32, #tpu.memory_space<hbm>>) dst(%arg8 : memref<1x128xi32, #tpu.memory_space<vmem>>)
        tpu.yield
      }) : () -> ()
      %add3A_35 = arith.constant 2496 : i32
      %add3A_36 = arith.addi %add3A_35, %add3A : i32
      %run_scoped3A_37 = arith.constant 1 : i32
      "tpu.region"() ({
        %run_scoped3A_38 = tpu.sem_alloc : memref<!tpu.dma_semaphore, #tpu.memory_space<semaphore_mem>>
        %dma_start3A_39 = arith.constant 0 : i32
        %dma_start3A_40 = tpu.memref_slice %arg3[%run_scoped3A_37, %add3A_36, %dma_start3A_39] : memref<2x2500x128xi32, #tpu.memory_space<hbm>> -> memref<1x1x128xi32, #tpu.memory_space<hbm>>
        %dma_start3A_41 = tpu.memref_squeeze %dma_start3A_40 : memref<1x1x128xi32, #tpu.memory_space<hbm>> -> memref<1x128xi32, #tpu.memory_space<hbm>>
        %dma_start3A_42 = arith.constant 0 : i32
        %dma_start3A_43 = tpu.memref_slice %arg3[%run_scoped3A_37, %add3A_36, %dma_start3A_42] : memref<2x2500x128xi32, #tpu.memory_space<hbm>> -> memref<1x1x128xi32, #tpu.memory_space<hbm>>
        %dma_start3A_44 = tpu.memref_squeeze %dma_start3A_43 : memref<1x1x128xi32, #tpu.memory_space<hbm>> -> memref<1x128xi32, #tpu.memory_space<hbm>>
        tpu.enqueue_dma source(%dma_start3A_44 : memref<1x128xi32, #tpu.memory_space<hbm>>) target(%arg9 : memref<1x128xi32, #tpu.memory_space<vmem>>) target_semaphore(%run_scoped3A_38 : memref<!tpu.dma_semaphore, #tpu.memory_space<semaphore_mem>>)
        %dma_wait3A_45 = arith.constant 0 : i32
        %dma_wait3A_46 = tpu.memref_slice %arg3[%run_scoped3A_37, %add3A_36, %dma_wait3A_45] : memref<2x2500x128xi32, #tpu.memory_space<hbm>> -> memref<1x1x128xi32, #tpu.memory_space<hbm>>
        %dma_wait3A_47 = tpu.memref_squeeze %dma_wait3A_46 : memref<1x1x128xi32, #tpu.memory_space<hbm>> -> memref<1x128xi32, #tpu.memory_space<hbm>>
        %dma_wait3A_48 = arith.constant 0 : i32
        %dma_wait3A_49 = tpu.memref_slice %arg3[%run_scoped3A_37, %add3A_36, %dma_wait3A_48] : memref<2x2500x128xi32, #tpu.memory_space<hbm>> -> memref<1x1x128xi32, #tpu.memory_space<hbm>>
        %dma_wait3A_50 = tpu.memref_squeeze %dma_wait3A_49 : memref<1x1x128xi32, #tpu.memory_space<hbm>> -> memref<1x128xi32, #tpu.memory_space<hbm>>
        tpu.wait_dma2 semaphore(%run_scoped3A_38 : memref<!tpu.dma_semaphore, #tpu.memory_space<semaphore_mem>>) src(%dma_wait3A_50 : memref<1x128xi32, #tpu.memory_space<hbm>>) dst(%arg9 : memref<1x128xi32, #tpu.memory_space<vmem>>)
        tpu.yield
      }) : () -> ()
    } else {
    }
    %dma_start3A = arith.constant 0 : i32
    %dma_start3A_10 = arith.constant 0 : i32
    %dma_start3A_11 = tpu.memref_slice %arg6[%dma_start3A, %dma_start3A_10] : memref<78x128xi32, #tpu.memory_space<vmem>> -> memref<1x128xi32, #tpu.memory_space<vmem>>
    %dma_start3A_12 = tpu.memref_squeeze %dma_start3A_11 : memref<1x128xi32, #tpu.memory_space<vmem>> -> memref<128xi32, #tpu.memory_space<vmem>>
    %dma_start3A_13 = arith.constant 0 : i32
    %dma_start3A_14 = arith.constant 0 : i32
    %dma_start3A_15 = tpu.memref_slice %arg2[%dma_start3A_13, %dma_start3A_14] : memref<10000x16xf32, #tpu.memory_space<hbm>> -> memref<10000x16xf32, #tpu.memory_space<hbm>>
    tpu.enqueue_indirect_dma source(%dma_start3A_15 : memref<10000x16xf32, #tpu.memory_space<hbm>>) target(%arg10 : memref<128x16xf32, #tpu.memory_space<vmem>>) offsets(%dma_start3A_12 : memref<128xi32, #tpu.memory_space<vmem>>) semaphore(%arg13 : memref<!tpu.dma_semaphore, #tpu.memory_space<semaphore_mem>>)
    %barrier3A = arith.constant 0 : index
    tpu.barrier barrier_id(%barrier3A)
    %scan3A = arith.constant 0 : i32
    %scan3A_16 = arith.constant 39 : i32
    %scan3A_17 = arith.addi %scan3A, %scan3A_16 : i32
    %scan3A_18 = arith.constant 1 : i32
    scf.for %scan3A_32 = %scan3A to %scan3A_17 step %scan3A_18  : i32 {
      %mul3A_33 = arith.constant 1 : i32
      %mul3A_34 = arith.muli %scan3A_32, %mul3A_33 : i32
      %add3A_35 = arith.constant 0 : i32
      %add3A_36 = arith.addi %add3A_35, %mul3A_34 : i32
      %mul3A_37 = arith.constant 2 : i32
      %mul3A_38 = arith.muli %mul3A_37, %add3A_36 : i32
      %dma_wait3A_39 = arith.constant 0 : i32
      %dma_wait3A_40 = tpu.memref_slice %arg6[%mul3A_38, %dma_wait3A_39] : memref<78x128xi32, #tpu.memory_space<vmem>> -> memref<1x128xi32, #tpu.memory_space<vmem>>
      %dma_wait3A_41 = tpu.memref_squeeze %dma_wait3A_40 : memref<1x128xi32, #tpu.memory_space<vmem>> -> memref<128xi32, #tpu.memory_space<vmem>>
      %dma_wait3A_42 = arith.constant 0 : i32
      %dma_wait3A_43 = arith.constant 0 : i32
      %dma_wait3A_44 = tpu.memref_slice %arg2[%dma_wait3A_42, %dma_wait3A_43] : memref<10000x16xf32, #tpu.memory_space<hbm>> -> memref<10000x16xf32, #tpu.memory_space<hbm>>
      tpu.wait_indirect_dma semaphore(%arg13 : memref<!tpu.dma_semaphore, #tpu.memory_space<semaphore_mem>>) src(%dma_wait3A_44 : memref<10000x16xf32, #tpu.memory_space<hbm>>) dst(%arg10 : memref<128x16xf32, #tpu.memory_space<vmem>>)
      %gt3A = arith.constant 0 : i32
      %gt3A_45 = arith.cmpi sgt, %add3A_36, %gt3A : i32
      %convert_element_type3A_46 = arith.extui %gt3A_45 : i1 to i32
      %cond3A_47 = arith.constant 0 : i32
      %cond3A_48 = arith.cmpi ne, %convert_element_type3A_46, %cond3A_47 : i32
      scf.if %cond3A_48 {
        %dma_wait3A_90 = arith.constant 0 : i32
        %dma_wait3A_91 = tpu.memref_slice %arg7[%mul3A_38, %dma_wait3A_90] : memref<78x128xi32, #tpu.memory_space<vmem>> -> memref<1x128xi32, #tpu.memory_space<vmem>>
        %dma_wait3A_92 = tpu.memref_squeeze %dma_wait3A_91 : memref<1x128xi32, #tpu.memory_space<vmem>> -> memref<128xi32, #tpu.memory_space<vmem>>
        %dma_wait3A_93 = arith.constant 0 : i32
        %dma_wait3A_94 = arith.constant 0 : i32
        %dma_wait3A_95 = tpu.memref_slice %arg12[%dma_wait3A_93, %dma_wait3A_94] : memref<10000x16xf32, #tpu.memory_space<vmem_shared>> -> memref<10000x16xf32, #tpu.memory_space<vmem_shared>>
        tpu.wait_indirect_dma semaphore(%arg16 : memref<!tpu.dma_semaphore, #tpu.memory_space<semaphore_mem>>) src(%arg11 : memref<128x16xf32, #tpu.memory_space<vmem>>) dst(%dma_wait3A_95 : memref<10000x16xf32, #tpu.memory_space<vmem_shared>>)
      } else {
      }
      %add3A_49 = arith.constant 1 : i32
      %add3A_50 = arith.addi %mul3A_38, %add3A_49 : i32
      %dma_start3A_51 = arith.constant 0 : i32
      %dma_start3A_52 = tpu.memref_slice %arg6[%add3A_50, %dma_start3A_51] : memref<78x128xi32, #tpu.memory_space<vmem>> -> memref<1x128xi32, #tpu.memory_space<vmem>>
      %dma_start3A_53 = tpu.memref_squeeze %dma_start3A_52 : memref<1x128xi32, #tpu.memory_space<vmem>> -> memref<128xi32, #tpu.memory_space<vmem>>
      %dma_start3A_54 = arith.constant 0 : i32
      %dma_start3A_55 = arith.constant 0 : i32
      %dma_start3A_56 = tpu.memref_slice %arg2[%dma_start3A_54, %dma_start3A_55] : memref<10000x16xf32, #tpu.memory_space<hbm>> -> memref<10000x16xf32, #tpu.memory_space<hbm>>
      tpu.enqueue_indirect_dma source(%dma_start3A_56 : memref<10000x16xf32, #tpu.memory_space<hbm>>) target(%arg11 : memref<128x16xf32, #tpu.memory_space<vmem>>) offsets(%dma_start3A_53 : memref<128xi32, #tpu.memory_space<vmem>>) semaphore(%arg14 : memref<!tpu.dma_semaphore, #tpu.memory_space<semaphore_mem>>)
      %dma_start3A_57 = arith.constant 0 : i32
      %dma_start3A_58 = tpu.memref_slice %arg7[%mul3A_38, %dma_start3A_57] : memref<78x128xi32, #tpu.memory_space<vmem>> -> memref<1x128xi32, #tpu.memory_space<vmem>>
      %dma_start3A_59 = tpu.memref_squeeze %dma_start3A_58 : memref<1x128xi32, #tpu.memory_space<vmem>> -> memref<128xi32, #tpu.memory_space<vmem>>
      %dma_start3A_60 = arith.constant 0 : i32
      %dma_start3A_61 = arith.constant 0 : i32
      %dma_start3A_62 = tpu.memref_slice %arg12[%dma_start3A_60, %dma_start3A_61] : memref<10000x16xf32, #tpu.memory_space<vmem_shared>> -> memref<10000x16xf32, #tpu.memory_space<vmem_shared>>
      tpu.enqueue_indirect_dma source(%arg10 : memref<128x16xf32, #tpu.memory_space<vmem>>) target(%dma_start3A_62 : memref<10000x16xf32, #tpu.memory_space<vmem_shared>>) offsets(%dma_start3A_59 : memref<128xi32, #tpu.memory_space<vmem>>) semaphore(%arg15 : memref<!tpu.dma_semaphore, #tpu.memory_space<semaphore_mem>>) {add = true}
      %add3A_63 = arith.constant 1 : i32
      %add3A_64 = arith.addi %mul3A_38, %add3A_63 : i32
      %dma_wait3A_65 = arith.constant 0 : i32
      %dma_wait3A_66 = tpu.memref_slice %arg6[%add3A_64, %dma_wait3A_65] : memref<78x128xi32, #tpu.memory_space<vmem>> -> memref<1x128xi32, #tpu.memory_space<vmem>>
      %dma_wait3A_67 = tpu.memref_squeeze %dma_wait3A_66 : memref<1x128xi32, #tpu.memory_space<vmem>> -> memref<128xi32, #tpu.memory_space<vmem>>
      %dma_wait3A_68 = arith.constant 0 : i32
      %dma_wait3A_69 = arith.constant 0 : i32
      %dma_wait3A_70 = tpu.memref_slice %arg2[%dma_wait3A_68, %dma_wait3A_69] : memref<10000x16xf32, #tpu.memory_space<hbm>> -> memref<10000x16xf32, #tpu.memory_space<hbm>>
      tpu.wait_indirect_dma semaphore(%arg14 : memref<!tpu.dma_semaphore, #tpu.memory_space<semaphore_mem>>) src(%dma_wait3A_70 : memref<10000x16xf32, #tpu.memory_space<hbm>>) dst(%arg11 : memref<128x16xf32, #tpu.memory_space<vmem>>)
      %dma_wait3A_71 = arith.constant 0 : i32
      %dma_wait3A_72 = tpu.memref_slice %arg7[%mul3A_38, %dma_wait3A_71] : memref<78x128xi32, #tpu.memory_space<vmem>> -> memref<1x128xi32, #tpu.memory_space<vmem>>
      %dma_wait3A_73 = tpu.memref_squeeze %dma_wait3A_72 : memref<1x128xi32, #tpu.memory_space<vmem>> -> memref<128xi32, #tpu.memory_space<vmem>>
      %dma_wait3A_74 = arith.constant 0 : i32
      %dma_wait3A_75 = arith.constant 0 : i32
      %dma_wait3A_76 = tpu.memref_slice %arg12[%dma_wait3A_74, %dma_wait3A_75] : memref<10000x16xf32, #tpu.memory_space<vmem_shared>> -> memref<10000x16xf32, #tpu.memory_space<vmem_shared>>
      tpu.wait_indirect_dma semaphore(%arg15 : memref<!tpu.dma_semaphore, #tpu.memory_space<semaphore_mem>>) src(%arg10 : memref<128x16xf32, #tpu.memory_space<vmem>>) dst(%dma_wait3A_76 : memref<10000x16xf32, #tpu.memory_space<vmem_shared>>)
      %lt3A_77 = arith.constant 38 : i32
      %lt3A_78 = arith.cmpi slt, %add3A_36, %lt3A_77 : i32
      %convert_element_type3A_79 = arith.extui %lt3A_78 : i1 to i32
      %cond3A_80 = arith.constant 0 : i32
      %cond3A_81 = arith.cmpi ne, %convert_element_type3A_79, %cond3A_80 : i32
      scf.if %cond3A_81 {
        %add3A_90 = arith.constant 2 : i32
        %add3A_91 = arith.addi %mul3A_38, %add3A_90 : i32
        %dma_start3A_92 = arith.constant 0 : i32
        %dma_start3A_93 = tpu.memref_slice %arg6[%add3A_91, %dma_start3A_92] : memref<78x128xi32, #tpu.memory_space<vmem>> -> memref<1x128xi32, #tpu.memory_space<vmem>>
        %dma_start3A_94 = tpu.memref_squeeze %dma_start3A_93 : memref<1x128xi32, #tpu.memory_space<vmem>> -> memref<128xi32, #tpu.memory_space<vmem>>
        %dma_start3A_95 = arith.constant 0 : i32
        %dma_start3A_96 = arith.constant 0 : i32
        %dma_start3A_97 = tpu.memref_slice %arg2[%dma_start3A_95, %dma_start3A_96] : memref<10000x16xf32, #tpu.memory_space<hbm>> -> memref<10000x16xf32, #tpu.memory_space<hbm>>
        tpu.enqueue_indirect_dma source(%dma_start3A_97 : memref<10000x16xf32, #tpu.memory_space<hbm>>) target(%arg10 : memref<128x16xf32, #tpu.memory_space<vmem>>) offsets(%dma_start3A_94 : memref<128xi32, #tpu.memory_space<vmem>>) semaphore(%arg13 : memref<!tpu.dma_semaphore, #tpu.memory_space<semaphore_mem>>)
      } else {
      }
      %add3A_82 = arith.constant 1 : i32
      %add3A_83 = arith.addi %mul3A_38, %add3A_82 : i32
      %dma_start3A_84 = arith.constant 0 : i32
      %dma_start3A_85 = tpu.memref_slice %arg7[%add3A_83, %dma_start3A_84] : memref<78x128xi32, #tpu.memory_space<vmem>> -> memref<1x128xi32, #tpu.memory_space<vmem>>
      %dma_start3A_86 = tpu.memref_squeeze %dma_start3A_85 : memref<1x128xi32, #tpu.memory_space<vmem>> -> memref<128xi32, #tpu.memory_space<vmem>>
      %dma_start3A_87 = arith.constant 0 : i32
      %dma_start3A_88 = arith.constant 0 : i32
      %dma_start3A_89 = tpu.memref_slice %arg12[%dma_start3A_87, %dma_start3A_88] : memref<10000x16xf32, #tpu.memory_space<vmem_shared>> -> memref<10000x16xf32, #tpu.memory_space<vmem_shared>>
      tpu.enqueue_indirect_dma source(%arg11 : memref<128x16xf32, #tpu.memory_space<vmem>>) target(%dma_start3A_89 : memref<10000x16xf32, #tpu.memory_space<vmem_shared>>) offsets(%dma_start3A_86 : memref<128xi32, #tpu.memory_space<vmem>>) semaphore(%arg16 : memref<!tpu.dma_semaphore, #tpu.memory_space<semaphore_mem>>) {add = true}
    }
    %scan3A_19 = arith.constant 39 : i32
    %dma_wait3A = arith.constant 77 : i32
    %dma_wait3A_20 = arith.constant 0 : i32
    %dma_wait3A_21 = tpu.memref_slice %arg7[%dma_wait3A, %dma_wait3A_20] : memref<78x128xi32, #tpu.memory_space<vmem>> -> memref<1x128xi32, #tpu.memory_space<vmem>>
    %dma_wait3A_22 = tpu.memref_squeeze %dma_wait3A_21 : memref<1x128xi32, #tpu.memory_space<vmem>> -> memref<128xi32, #tpu.memory_space<vmem>>
    %dma_wait3A_23 = arith.constant 0 : i32
    %dma_wait3A_24 = arith.constant 0 : i32
    %dma_wait3A_25 = tpu.memref_slice %arg12[%dma_wait3A_23, %dma_wait3A_24] : memref<10000x16xf32, #tpu.memory_space<vmem_shared>> -> memref<10000x16xf32, #tpu.memory_space<vmem_shared>>
    tpu.wait_indirect_dma semaphore(%arg16 : memref<!tpu.dma_semaphore, #tpu.memory_space<semaphore_mem>>) src(%arg11 : memref<128x16xf32, #tpu.memory_space<vmem>>) dst(%dma_wait3A_25 : memref<10000x16xf32, #tpu.memory_space<vmem_shared>>)
    %lt3A_26 = arith.constant 4 : i32
    %lt3A_27 = arith.cmpi slt, %add3A, %lt3A_26 : i32
    %convert_element_type3A_28 = arith.extui %lt3A_27 : i1 to i32
    %cond3A_29 = arith.constant 0 : i32
    %cond3A_30 = arith.cmpi ne, %convert_element_type3A_28, %cond3A_29 : i32
    scf.if %cond3A_30 {
      %run_scoped3A_32 = arith.constant 0 : i32
      "tpu.region"() ({
        %run_scoped3A_34 = tpu.sem_alloc : memref<!tpu.dma_semaphore, #tpu.memory_space<semaphore_mem>>
        %dma_start3A_35 = arith.constant 0 : i32
        %dma_start3A_36 = tpu.memref_slice %arg8[%run_scoped3A_32, %dma_start3A_35] : memref<1x128xi32, #tpu.memory_space<vmem>> -> memref<1x128xi32, #tpu.memory_space<vmem>>
        %dma_start3A_37 = tpu.memref_squeeze %dma_start3A_36 : memref<1x128xi32, #tpu.memory_space<vmem>> -> memref<128xi32, #tpu.memory_space<vmem>>
        %dma_start3A_38 = arith.constant 0 : i32
        %dma_start3A_39 = arith.constant 0 : i32
        %dma_start3A_40 = tpu.memref_slice %arg2[%dma_start3A_38, %dma_start3A_39] : memref<10000x16xf32, #tpu.memory_space<hbm>> -> memref<10000x16xf32, #tpu.memory_space<hbm>>
        tpu.enqueue_indirect_dma source(%dma_start3A_40 : memref<10000x16xf32, #tpu.memory_space<hbm>>) target(%arg10 : memref<128x16xf32, #tpu.memory_space<vmem>>) offsets(%dma_start3A_37 : memref<128xi32, #tpu.memory_space<vmem>>) semaphore(%run_scoped3A_34 : memref<!tpu.dma_semaphore, #tpu.memory_space<semaphore_mem>>)
        %dma_wait3A_41 = arith.constant 0 : i32
        %dma_wait3A_42 = tpu.memref_slice %arg8[%run_scoped3A_32, %dma_wait3A_41] : memref<1x128xi32, #tpu.memory_space<vmem>> -> memref<1x128xi32, #tpu.memory_space<vmem>>
        %dma_wait3A_43 = tpu.memref_squeeze %dma_wait3A_42 : memref<1x128xi32, #tpu.memory_space<vmem>> -> memref<128xi32, #tpu.memory_space<vmem>>
        %dma_wait3A_44 = arith.constant 0 : i32
        %dma_wait3A_45 = arith.constant 0 : i32
        %dma_wait3A_46 = tpu.memref_slice %arg2[%dma_wait3A_44, %dma_wait3A_45] : memref<10000x16xf32, #tpu.memory_space<hbm>> -> memref<10000x16xf32, #tpu.memory_space<hbm>>
        tpu.wait_indirect_dma semaphore(%run_scoped3A_34 : memref<!tpu.dma_semaphore, #tpu.memory_space<semaphore_mem>>) src(%dma_wait3A_46 : memref<10000x16xf32, #tpu.memory_space<hbm>>) dst(%arg10 : memref<128x16xf32, #tpu.memory_space<vmem>>)
        tpu.yield
      }) : () -> ()
      %run_scoped3A_33 = arith.constant 0 : i32
      "tpu.region"() ({
        %run_scoped3A_34 = tpu.sem_alloc : memref<!tpu.dma_semaphore, #tpu.memory_space<semaphore_mem>>
        %dma_start3A_35 = arith.constant 0 : i32
        %dma_start3A_36 = tpu.memref_slice %arg9[%run_scoped3A_33, %dma_start3A_35] : memref<1x128xi32, #tpu.memory_space<vmem>> -> memref<1x128xi32, #tpu.memory_space<vmem>>
        %dma_start3A_37 = tpu.memref_squeeze %dma_start3A_36 : memref<1x128xi32, #tpu.memory_space<vmem>> -> memref<128xi32, #tpu.memory_space<vmem>>
        %dma_start3A_38 = arith.constant 0 : i32
        %dma_start3A_39 = arith.constant 0 : i32
        %dma_start3A_40 = tpu.memref_slice %arg12[%dma_start3A_38, %dma_start3A_39] : memref<10000x16xf32, #tpu.memory_space<vmem_shared>> -> memref<10000x16xf32, #tpu.memory_space<vmem_shared>>
        tpu.enqueue_indirect_dma source(%arg10 : memref<128x16xf32, #tpu.memory_space<vmem>>) target(%dma_start3A_40 : memref<10000x16xf32, #tpu.memory_space<vmem_shared>>) offsets(%dma_start3A_37 : memref<128xi32, #tpu.memory_space<vmem>>) semaphore(%run_scoped3A_34 : memref<!tpu.dma_semaphore, #tpu.memory_space<semaphore_mem>>) {add = true}
        %dma_wait3A_41 = arith.constant 0 : i32
        %dma_wait3A_42 = tpu.memref_slice %arg9[%run_scoped3A_33, %dma_wait3A_41] : memref<1x128xi32, #tpu.memory_space<vmem>> -> memref<1x128xi32, #tpu.memory_space<vmem>>
        %dma_wait3A_43 = tpu.memref_squeeze %dma_wait3A_42 : memref<1x128xi32, #tpu.memory_space<vmem>> -> memref<128xi32, #tpu.memory_space<vmem>>
        %dma_wait3A_44 = arith.constant 0 : i32
        %dma_wait3A_45 = arith.constant 0 : i32
        %dma_wait3A_46 = tpu.memref_slice %arg12[%dma_wait3A_44, %dma_wait3A_45] : memref<10000x16xf32, #tpu.memory_space<vmem_shared>> -> memref<10000x16xf32, #tpu.memory_space<vmem_shared>>
        tpu.wait_indirect_dma semaphore(%run_scoped3A_34 : memref<!tpu.dma_semaphore, #tpu.memory_space<semaphore_mem>>) src(%arg10 : memref<128x16xf32, #tpu.memory_space<vmem>>) dst(%dma_wait3A_46 : memref<10000x16xf32, #tpu.memory_space<vmem_shared>>)
        tpu.yield
      }) : () -> ()
    } else {
    }
    %barrier3A_31 = arith.constant 0 : index
    tpu.barrier barrier_id(%barrier3A_31)
    "tpu.region"() ({
      %run_scoped3A_32 = tpu.sem_alloc : memref<!tpu.dma_semaphore, #tpu.memory_space<semaphore_mem>>
      %dma_start3A_33 = arith.constant 0 : i32
      %dma_start3A_34 = tpu.memref_slice %arg5[%arg0, %mul3A_2, %dma_start3A_33] : memref<2x10000x16xf32, #tpu.memory_space<hbm>> -> memref<1x625x16xf32, #tpu.memory_space<hbm>>
      %dma_start3A_35 = tpu.memref_squeeze %dma_start3A_34 : memref<1x625x16xf32, #tpu.memory_space<hbm>> -> memref<625x16xf32, #tpu.memory_space<hbm>>
      %dma_start3A_36 = arith.constant 0 : i32
      %dma_start3A_37 = tpu.memref_slice %arg12[%mul3A_2, %dma_start3A_36] : memref<10000x16xf32, #tpu.memory_space<vmem_shared>> -> memref<625x16xf32, #tpu.memory_space<vmem_shared>>
      tpu.enqueue_dma source(%dma_start3A_37 : memref<625x16xf32, #tpu.memory_space<vmem_shared>>) target(%dma_start3A_35 : memref<625x16xf32, #tpu.memory_space<hbm>>) target_semaphore(%run_scoped3A_32 : memref<!tpu.dma_semaphore, #tpu.memory_space<semaphore_mem>>)
      %dma_wait3A_38 = arith.constant 0 : i32
      %dma_wait3A_39 = tpu.memref_slice %arg5[%arg0, %mul3A_2, %dma_wait3A_38] : memref<2x10000x16xf32, #tpu.memory_space<hbm>> -> memref<1x625x16xf32, #tpu.memory_space<hbm>>
      %dma_wait3A_40 = tpu.memref_squeeze %dma_wait3A_39 : memref<1x625x16xf32, #tpu.memory_space<hbm>> -> memref<625x16xf32, #tpu.memory_space<hbm>>
      %dma_wait3A_41 = arith.constant 0 : i32
      %dma_wait3A_42 = tpu.memref_slice %arg12[%mul3A_2, %dma_wait3A_41] : memref<10000x16xf32, #tpu.memory_space<vmem_shared>> -> memref<625x16xf32, #tpu.memory_space<vmem_shared>>
      tpu.wait_dma2 semaphore(%run_scoped3A_32 : memref<!tpu.dma_semaphore, #tpu.memory_space<semaphore_mem>>) src(%dma_wait3A_42 : memref<625x16xf32, #tpu.memory_space<vmem_shared>>) dst(%dma_wait3A_40 : memref<625x16xf32, #tpu.memory_space<hbm>>)
      tpu.yield
    }) : () -> ()
    return
  }
}

module attributes {stable_mosaic.version = 14 : i64} {
  func.func @_mid0_body(%arg0: i32, %arg1: memref<1000x64xf32, #tpu.memory_space<vmem>>, %arg2: memref<1000x64xf32, #tpu.memory_space<vmem>>, %arg3: memref<1000x80xf32, #tpu.memory_space<vmem>>, %arg4: memref<1000x80xf32, #tpu.memory_space<vmem>>, %arg5: memref<1000x128xf32, #tpu.memory_space<vmem>>, %arg6: memref<128x16xf32, #tpu.memory_space<vmem>>, %arg7: memref<128x16xf32, #tpu.memory_space<vmem>>, %arg8: memref<1x16xf32, #tpu.memory_space<vmem>>, %arg9: memref<1000x16xf32, #tpu.memory_space<vmem>>, %arg10: memref<1000x16xf32, #tpu.memory_space<vmem>>) attributes {dimension_semantics = [#tpu.dimension_semantics<arbitrary>], iteration_bounds = array<i64: 10>, scalar_prefetch = 0 : i64, scratch_operands = 0 : i64, tpu.core_type = #tpu.core_type<tc>, window_params = [{transform_indices = @transform_0, window_bounds = array<i64: 1000, 64>}, {transform_indices = @transform_1, window_bounds = array<i64: 1000, 64>}, {transform_indices = @transform_2, window_bounds = array<i64: 1000, 80>}, {transform_indices = @transform_3, window_bounds = array<i64: 1000, 80>}, {transform_indices = @transform_4, window_bounds = array<i64: 1000, 128>}, {pipeline_mode = #tpu.pipeline_mode<synchronous>, transform_indices = @transform_5, window_bounds = array<i64: 128, 16>}, {pipeline_mode = #tpu.pipeline_mode<synchronous>, transform_indices = @transform_6, window_bounds = array<i64: 128, 16>}, {pipeline_mode = #tpu.pipeline_mode<synchronous>, transform_indices = @transform_7, window_bounds = array<i64: 1, 16>}, {transform_indices = @transform_8, window_bounds = array<i64: 1000, 16>}, {transform_indices = @transform_9, window_bounds = array<i64: 1000, 16>}]} {
    %get3A = arith.constant 0 : index
    %get3A_0 = arith.constant 0 : index
    %get3A_1 = vector.load %arg1[%get3A, %get3A_0] : memref<1000x64xf32, #tpu.memory_space<vmem>>, vector<1000x64xf32>
    %get3A_2 = arith.constant 0 : index
    %get3A_3 = arith.constant 0 : index
    %get3A_4 = vector.load %arg2[%get3A_2, %get3A_3] : memref<1000x64xf32, #tpu.memory_space<vmem>>, vector<1000x64xf32>
    %add3A = arith.addf %get3A_1, %get3A_4 : vector<1000x64xf32>
    %get3A_5 = arith.constant 0 : index
    %get3A_6 = arith.constant 0 : index
    %get3A_7 = vector.load %arg3[%get3A_5, %get3A_6] : memref<1000x80xf32, #tpu.memory_space<vmem>>, vector<1000x80xf32>
    %get3A_8 = arith.constant 0 : index
    %get3A_9 = arith.constant 0 : index
    %get3A_10 = vector.load %arg4[%get3A_8, %get3A_9] : memref<1000x80xf32, #tpu.memory_space<vmem>>, vector<1000x80xf32>
    %add3A_11 = arith.addf %get3A_7, %get3A_10 : vector<1000x80xf32>
    %slice3A = vector.extract_strided_slice %add3A_11 {offsets = [0, 64], sizes = [1000, 16], strides = [1, 1]} : vector<1000x80xf32> to vector<1000x16xf32>
    %max3A = arith.constant 1.000000e+00 : f32
    %max3A_12 = vector.broadcast %max3A : f32 to vector<1000x16xf32>
    %max3A_13 = arith.maximumf %slice3A, %max3A_12 : vector<1000x16xf32>
    %slice3A_14 = vector.extract_strided_slice %add3A_11 {offsets = [0, 0], sizes = [1000, 64], strides = [1, 1]} : vector<1000x80xf32> to vector<1000x64xf32>
    %concatenate3A = tpu.concatenate %add3A, %slice3A_14 in 1 : vector<1000x64xf32>, vector<1000x64xf32> -> vector<1000x128xf32>
    %concatenate3A_15 = tpu.concatenate %max3A_13, %max3A_13, %max3A_13, %max3A_13, %max3A_13, %max3A_13, %max3A_13, %max3A_13 in 1 : vector<1000x16xf32>, vector<1000x16xf32>, vector<1000x16xf32>, vector<1000x16xf32>, vector<1000x16xf32>, vector<1000x16xf32>, vector<1000x16xf32>, vector<1000x16xf32> -> vector<1000x128xf32>
    %div3A = arith.divf %concatenate3A, %concatenate3A_15 : vector<1000x128xf32>
    %get3A_16 = arith.constant 0 : index
    %get3A_17 = arith.constant 0 : index
    %get3A_18 = vector.load %arg6[%get3A_16, %get3A_17] : memref<128x16xf32, #tpu.memory_space<vmem>>, vector<128x16xf32>
    %dot_general3A = arith.constant dense<0.000000e+00> : vector<1000x16xf32>
    %dot_general3A_19 = tpu.matmul %div3A, %get3A_18, %dot_general3A {dimension_numbers = #tpu.dot_dimension_numbers<[1], [0], [0], [1], [0, 0, 1, 1], [], []>, transpose_lhs_hint = false} : vector<1000x128xf32>, vector<128x16xf32>, vector<1000x16xf32> -> vector<1000x16xf32>
    %get3A_20 = arith.constant 0 : index
    %get3A_21 = arith.constant 0 : index
    %get3A_22 = vector.load %arg8[%get3A_20, %get3A_21] : memref<1x16xf32, #tpu.memory_space<vmem>>, vector<1x16xf32>
    %add3A_23 = vector.broadcast %get3A_22 : vector<1x16xf32> to vector<1000x16xf32>
    %add3A_24 = arith.addf %dot_general3A_19, %add3A_23 : vector<1000x16xf32>
    %get3A_25 = arith.constant 0 : index
    %get3A_26 = arith.constant 0 : index
    %get3A_27 = vector.load %arg5[%get3A_25, %get3A_26] : memref<1000x128xf32, #tpu.memory_space<vmem>>, vector<1000x128xf32>
    %get3A_28 = arith.constant 0 : index
    %get3A_29 = arith.constant 0 : index
    %get3A_30 = vector.load %arg7[%get3A_28, %get3A_29] : memref<128x16xf32, #tpu.memory_space<vmem>>, vector<128x16xf32>
    %dot_general3A_31 = arith.constant dense<0.000000e+00> : vector<1000x16xf32>
    %dot_general3A_32 = tpu.matmul %get3A_27, %get3A_30, %dot_general3A_31 {dimension_numbers = #tpu.dot_dimension_numbers<[1], [0], [0], [1], [0, 0, 1, 1], [], []>, transpose_lhs_hint = false} : vector<1000x128xf32>, vector<128x16xf32>, vector<1000x16xf32> -> vector<1000x16xf32>
    %add3A_33 = arith.addf %add3A_24, %dot_general3A_32 : vector<1000x16xf32>
    %swap3A = arith.constant 0 : index
    %swap3A_34 = arith.constant 0 : index
    %swap3A_35 = vector.load %arg9[%swap3A, %swap3A_34] : memref<1000x16xf32, #tpu.memory_space<vmem>>, vector<1000x16xf32>
    tpu.vector_store %arg9[%swap3A, %swap3A_34], %add3A_33 {strides = array<i32>} : memref<1000x16xf32, #tpu.memory_space<vmem>>, vector<1000x16xf32>,
    %swap3A_36 = arith.constant 0 : index
    %swap3A_37 = arith.constant 0 : index
    %swap3A_38 = vector.load %arg10[%swap3A_36, %swap3A_37] : memref<1000x16xf32, #tpu.memory_space<vmem>>, vector<1000x16xf32>
    tpu.vector_store %arg10[%swap3A_36, %swap3A_37], %max3A_13 {strides = array<i32>} : memref<1000x16xf32, #tpu.memory_space<vmem>>, vector<1000x16xf32>,
    return
  }
  func.func @transform_0(%arg0: i32) -> (i32, i32) {
    %c0_i32 = arith.constant 0 : i32
    %c0_i32_0 = arith.constant 0 : i32
    return %arg0, %c0_i32 : i32, i32
  }
  func.func @transform_1(%arg0: i32) -> (i32, i32) {
    %c0_i32 = arith.constant 0 : i32
    %c0_i32_0 = arith.constant 0 : i32
    return %arg0, %c0_i32 : i32, i32
  }
  func.func @transform_2(%arg0: i32) -> (i32, i32) {
    %c0_i32 = arith.constant 0 : i32
    %c0_i32_0 = arith.constant 0 : i32
    return %arg0, %c0_i32 : i32, i32
  }
  func.func @transform_3(%arg0: i32) -> (i32, i32) {
    %c0_i32 = arith.constant 0 : i32
    %c0_i32_0 = arith.constant 0 : i32
    return %arg0, %c0_i32 : i32, i32
  }
  func.func @transform_4(%arg0: i32) -> (i32, i32) {
    %c0_i32 = arith.constant 0 : i32
    %c0_i32_0 = arith.constant 0 : i32
    return %arg0, %c0_i32 : i32, i32
  }
  func.func @transform_5(%arg0: i32) -> (i32, i32) {
    %c0_i32 = arith.constant 0 : i32
    %c0_i32_0 = arith.constant 0 : i32
    %c0_i32_1 = arith.constant 0 : i32
    return %c0_i32, %c0_i32_0 : i32, i32
  }
  func.func @transform_6(%arg0: i32) -> (i32, i32) {
    %c0_i32 = arith.constant 0 : i32
    %c0_i32_0 = arith.constant 0 : i32
    %c0_i32_1 = arith.constant 0 : i32
    return %c0_i32, %c0_i32_0 : i32, i32
  }
  func.func @transform_7(%arg0: i32) -> (i32, i32) {
    %c0_i32 = arith.constant 0 : i32
    %c0_i32_0 = arith.constant 0 : i32
    %c0_i32_1 = arith.constant 0 : i32
    return %c0_i32, %c0_i32_0 : i32, i32
  }
  func.func @transform_8(%arg0: i32) -> (i32, i32) {
    %c0_i32 = arith.constant 0 : i32
    %c0_i32_0 = arith.constant 0 : i32
    return %arg0, %c0_i32 : i32, i32
  }
  func.func @transform_9(%arg0: i32) -> (i32, i32) {
    %c0_i32 = arith.constant 0 : i32
    %c0_i32_0 = arith.constant 0 : i32
    return %arg0, %c0_i32 : i32, i32
  }
}

module attributes {stable_mosaic.version = 14 : i64} {
  func.func @_mid_body(%arg0: memref<10000x16xf32, #tpu.memory_space<vmem>>, %arg1: memref<10000x16xf32, #tpu.memory_space<vmem>>, %arg2: memref<10000x16xf32, #tpu.memory_space<vmem>>, %arg3: memref<10000x16xf32, #tpu.memory_space<vmem>>, %arg4: memref<16x16xf32, #tpu.memory_space<vmem>>, %arg5: memref<16x16xf32, #tpu.memory_space<vmem>>, %arg6: memref<1x16xf32, #tpu.memory_space<vmem>>, %arg7: memref<10000x16xf32, #tpu.memory_space<vmem>>) attributes {dimension_semantics = [], scalar_prefetch = 0 : i64, scratch_operands = 0 : i64, tpu.core_type = #tpu.core_type<tc>} {
    %get3A = arith.constant 0 : index
    %get3A_0 = arith.constant 0 : index
    %get3A_1 = vector.load %arg0[%get3A, %get3A_0] : memref<10000x16xf32, #tpu.memory_space<vmem>>, vector<10000x16xf32>
    %get3A_2 = arith.constant 0 : index
    %get3A_3 = arith.constant 0 : index
    %get3A_4 = vector.load %arg1[%get3A_2, %get3A_3] : memref<10000x16xf32, #tpu.memory_space<vmem>>, vector<10000x16xf32>
    %add3A = arith.addf %get3A_1, %get3A_4 : vector<10000x16xf32>
    %get3A_5 = arith.constant 0 : index
    %get3A_6 = arith.constant 0 : index
    %get3A_7 = vector.load %arg2[%get3A_5, %get3A_6] : memref<10000x16xf32, #tpu.memory_space<vmem>>, vector<10000x16xf32>
    %div3A = arith.divf %add3A, %get3A_7 : vector<10000x16xf32>
    %get3A_8 = arith.constant 0 : index
    %get3A_9 = arith.constant 0 : index
    %get3A_10 = vector.load %arg4[%get3A_8, %get3A_9] : memref<16x16xf32, #tpu.memory_space<vmem>>, vector<16x16xf32>
    %dot_general3A = arith.constant dense<0.000000e+00> : vector<10000x16xf32>
    %dot_general3A_11 = tpu.matmul %div3A, %get3A_10, %dot_general3A {dimension_numbers = #tpu.dot_dimension_numbers<[1], [0], [0], [1], [0, 0, 1, 1], [], []>, transpose_lhs_hint = false} : vector<10000x16xf32>, vector<16x16xf32>, vector<10000x16xf32> -> vector<10000x16xf32>
    %get3A_12 = arith.constant 0 : index
    %get3A_13 = arith.constant 0 : index
    %get3A_14 = vector.load %arg6[%get3A_12, %get3A_13] : memref<1x16xf32, #tpu.memory_space<vmem>>, vector<1x16xf32>
    %add3A_15 = vector.broadcast %get3A_14 : vector<1x16xf32> to vector<10000x16xf32>
    %add3A_16 = arith.addf %dot_general3A_11, %add3A_15 : vector<10000x16xf32>
    %get3A_17 = arith.constant 0 : index
    %get3A_18 = arith.constant 0 : index
    %get3A_19 = vector.load %arg3[%get3A_17, %get3A_18] : memref<10000x16xf32, #tpu.memory_space<vmem>>, vector<10000x16xf32>
    %get3A_20 = arith.constant 0 : index
    %get3A_21 = arith.constant 0 : index
    %get3A_22 = vector.load %arg5[%get3A_20, %get3A_21] : memref<16x16xf32, #tpu.memory_space<vmem>>, vector<16x16xf32>
    %dot_general3A_23 = arith.constant dense<0.000000e+00> : vector<10000x16xf32>
    %dot_general3A_24 = tpu.matmul %get3A_19, %get3A_22, %dot_general3A_23 {dimension_numbers = #tpu.dot_dimension_numbers<[1], [0], [0], [1], [0, 0, 1, 1], [], []>, transpose_lhs_hint = false} : vector<10000x16xf32>, vector<16x16xf32>, vector<10000x16xf32> -> vector<10000x16xf32>
    %add3A_25 = arith.addf %add3A_16, %dot_general3A_24 : vector<10000x16xf32>
    %swap3A = arith.constant 0 : index
    %swap3A_26 = arith.constant 0 : index
    %swap3A_27 = vector.load %arg7[%swap3A, %swap3A_26] : memref<10000x16xf32, #tpu.memory_space<vmem>>, vector<10000x16xf32>
    tpu.vector_store %arg7[%swap3A, %swap3A_26], %add3A_25 {strides = array<i32>} : memref<10000x16xf32, #tpu.memory_space<vmem>>, vector<10000x16xf32>,
    return
  }
}

module attributes {stable_mosaic.version = 14 : i64} {
  func.func @_final_body(%arg0: memref<10000x16xf32, #tpu.memory_space<vmem>>, %arg1: memref<16x1xf32, #tpu.memory_space<vmem>>, %arg2: memref<1x1xf32, #tpu.memory_space<vmem>>, %arg3: memref<1x1xf32, #tpu.memory_space<vmem>>) attributes {dimension_semantics = [], scalar_prefetch = 0 : i64, scratch_operands = 0 : i64, tpu.core_type = #tpu.core_type<tc>} {
    %get3A = arith.constant 0 : index
    %get3A_0 = arith.constant 0 : index
    %get3A_1 = vector.load %arg0[%get3A, %get3A_0] : memref<10000x16xf32, #tpu.memory_space<vmem>>, vector<10000x16xf32>
    %reduce_sum3A = arith.constant dense<0.000000e+00> : vector<16xf32>
    %reduce_sum3A_2 = vector.multi_reduction <add>, %get3A_1, %reduce_sum3A [0] : vector<10000x16xf32> to vector<16xf32>
    %broadcast_in_dim3A = vector.shape_cast %reduce_sum3A_2 : vector<16xf32> to vector<1x16xf32>
    %div3A = arith.constant 1.000000e+04 : f32
    %div3A_3 = vector.broadcast %div3A : f32 to vector<1x16xf32>
    %div3A_4 = arith.divf %broadcast_in_dim3A, %div3A_3 : vector<1x16xf32>
    %get3A_5 = arith.constant 0 : index
    %get3A_6 = arith.constant 0 : index
    %get3A_7 = vector.load %arg1[%get3A_5, %get3A_6] : memref<16x1xf32, #tpu.memory_space<vmem>>, vector<16x1xf32>
    %dot_general3A = arith.constant dense<0.000000e+00> : vector<1x1xf32>
    %dot_general3A_8 = tpu.matmul %div3A_4, %get3A_7, %dot_general3A {dimension_numbers = #tpu.dot_dimension_numbers<[1], [0], [0], [1], [0, 0, 1, 1], [], []>, transpose_lhs_hint = false} : vector<1x16xf32>, vector<16x1xf32>, vector<1x1xf32> -> vector<1x1xf32>
    %get3A_9 = arith.constant 0 : index
    %get3A_10 = arith.constant 0 : index
    %get3A_11 = vector.load %arg2[%get3A_9, %get3A_10] : memref<1x1xf32, #tpu.memory_space<vmem>>, vector<1x1xf32>
    %add3A = arith.addf %dot_general3A_8, %get3A_11 : vector<1x1xf32>
    %swap3A = arith.constant 0 : index
    %swap3A_12 = arith.constant 0 : index
    %swap3A_13 = vector.load %arg3[%swap3A, %swap3A_12] : memref<1x1xf32, #tpu.memory_space<vmem>>, vector<1x1xf32>
    tpu.vector_store %arg3[%swap3A, %swap3A_12], %add3A {strides = array<i32>} : memref<1x1xf32, #tpu.memory_space<vmem>>, vector<1x1xf32>,
    return
  }
}

</mosaic_0001>

<sc_bundles>
// kernel: kernel.10.cloned.1.call-start
scs
__scs_entry_jumppad:
0x0: {  	(pc) =	sbr.rel $0x88, $3  }
0x1: {  	(tag) =	ssettag $0x0;
	lr =	simm.s32 $0x1  }
0x2: {  	[smem:$0x3F94] =	sst lr;
	_ =	strace $0xD0000000  }
0x3: {  	_ = 	snop  }
0x4: {  	_ = 	snop  }
0x5: {  	_ = 	snop  }
0x6: {  	_ = 	snop  }
0x7: {  	_ = 	snop  }
__scs_overlays_trampoline_lowered:
0x8: {  	[smem:$0x3FA3] =	sst s0  }
0x9: {  	[smem:$0x3FA4] =	sst s1  }
0xa: {  	[smem:$0x3FA5] =	sst s2  }
0xb: {  	[smem:$0x3FA6] =	sst s3  }
0xc: {  	[smem:$0x3FA7] =	sst s4  }
0xd: {  	[smem:$0x3FA8] =	sst s5  }
0xe: {  	[smem:$0x3FA9] =	sst s6  }
0xf: {  	[smem:$0x3FAA] =	sst s7  }
0x10: {  	[smem:$0x3FAB] =	sst s8  }
0x11: {  	[smem:$0x3FAC] =	sst s9;
	s0 =	simm.s32 @!p0 $0x0  }
0x12: {  	s1 =	sld [smem:$0x3F92];
	s0 =	simm.s32 @p0 $0x1  }
0x13: {  	[smem:$0x3FAD] =	sst s0;
	s0 =	simm.s32 @!p1 $0x0  }
0x14: {  	s2 =	sld [smem:$0x3F91];
	s0 =	simm.s32 @p1 $0x1  }
0x15: {  	[smem:$0x3FAE] =	sst s0;
	s0 =	simm.s32 @!p2 $0x0  }
0x16: {  	s3 =	sld [smem:$0x3FDB];
	s0 =	simm.s32 @p2 $0x1  }
0x17: {  	s4 =	simm.s32 $0x1BF5;
	[smem:$0x3FB0] =	sst s0  }
0x18: {  	s0 =	sld [smem:$0x3F93];
	_ =	swait.ge [sflag:s4], $0x0  }
0x19: {  	s7 =	sld [smem:$0x3F94]  }
0x1a: {  	s8 =	sadd.s32 $0xFFFFE003, lr  }
0x1b: {  	s9 =	sadd.s32 $0xFFFFFEF7, lr;
	s5 =	simm.s32 $0xFFFFFFFF;
	p2 =	slt.u32 s8, $0xFFFFF086  }
0x1c: {  	p1 =	slt.u32 s9, $0xF7A;
	s5 =	simm.s32 @!p2 $0x0  }
0x1d: {  	s5 =	simm.s32 @p1 $0x1;
	p0 =	seq.s32 s7, s2  }
0x1e: {  	s7 =	smul.u32 @!p0 $0xF7A, s2;
	p2 =	seq.s32 @!p0 s5, $0x0  }
0x1f: {  	s9 =	smul.u32 $0xF7A, s1;
	s8 =	simm.s32 @!p0 $0x1BF5;
	p2 =	por !p2, p0  }
0x20: {  	[sflag:s8] =	ssyncset.s32 @!p0 $0xFFFFF086;
	s6 =	sadd.s32 @!p0 s3, s7;
	s7 =	simm.s32 @!p0 $0x108  }
0x21: {  	s3 =	sadd.s32 s3, s9;
	s6 =	sadd.s32 @!p0 $0x88, s6;
	s7 =	simm.s32 @p2 $0x1082  }
0x22: {  	[simem:s7], [sflag:s8] =	dma.local @!p0 [hbm:s6], $0xF7A  }
0x23: {  	s9 =	sor.u32 $0xD0000000, s2;
	s6 =	simm.s32 $0x108;
	_ =	swait.ge @!p0 [sflag:s8], $0x0  }
0x24: {  	s3 =	sadd.s32 $0x88, s3;
	s6 =	simm.s32 @!p1 $0x1082;
	[sflag:s4] =	ssyncset.s32 $0xFFFFF086  }
0x25: {  	[simem:s6], [sflag:s4] =	dma.local [hbm:s3], $0xF7A  }
0x26: {  	[smem:$0x3F94] =	sst s1;
	(tag) =	ssettag s2;
	_ =	strace s9  }
0x27: {  	s1 =	sld [smem:$0x3FA4]  }
0x28: {  	s2 =	sld [smem:$0x3FA5]  }
0x29: {  	s4 =	sld [smem:$0x3FA7]  }
0x2a: {  	p0 =	seq.s32 s5, $0x0;
	s5 =	sld [smem:$0x3FA8]  }
0x2b: {  	s6 =	sld [smem:$0x3FA9]  }
0x2c: {  	s7 =	sld [smem:$0x3FAA]  }
0x2d: {  	s3 =	simm.s32 $0x108;
	s8 =	sld [smem:$0x3FAB]  }
0x2e: {  	s3 =	simm.s32 @!p0 $0x1082;
	s9 =	sld [smem:$0x3FAC]  }
0x2f: {  	lr =	sadd.s32 s0, s3;
	s0 =	sld [smem:$0x3FA3]  }
0x30: {  	s3 =	sld [smem:$0x3FA6]  }
0x31: {  	[smem:$0x3FAF] =	sst s10  }
0x32: {  	s10 =	sld [smem:$0x3FAD];
	_ =	sdelay $0x3  }
0x33: {  	p0 =	seq.s32 s10, $0x1;
	s10 =	sld [smem:$0x3FAF];
	_ =	sdelay $0x3  }
0x34: {  	[smem:$0x3FAF] =	sst s10  }
0x35: {  	s10 =	sld [smem:$0x3FAE];
	_ =	sdelay $0x3  }
0x36: {  	p1 =	seq.s32 s10, $0x1;
	s10 =	sld [smem:$0x3FAF];
	_ =	sdelay $0x3  }
0x37: {  	[smem:$0x3FAF] =	sst s10  }
0x38: {  	s10 =	sld [smem:$0x3FB0]  }
0x39: {  	_ = 	snop;
	(pc) =	sbr.ind lr, $3  }
0x3a: {  	_ = 	snop  }
0x3b: {  	_ = 	snop  }
0x3c: {  	p2 =	seq.s32 s10, $0x1;
	s10 =	sld [smem:$0x3FAF]  }
0x3d: {  	_ =	shalt  }
0x3e: {  	_ =	shalt  }
0x3f: {  	_ =	shalt  }
0x40: {  	_ =	shalt  }
0x41: {  	_ =	shalt  }
0x42: {  	_ =	shalt  }
0x43: {  	_ =	shalt  }
0x44: {  	_ =	shalt  }
0x45: {  	_ =	shalt  }
0x46: {  	_ =	shalt  }
0x47: {  	_ =	shalt  }
0x48: {  	_ =	shalt  }
0x49: {  	_ =	shalt  }
0x4a: {  	_ =	shalt  }
0x4b: {  	_ =	shalt  }
0x4c: {  	_ =	shalt  }
0x4d: {  	_ =	shalt  }
0x4e: {  	_ =	shalt  }
0x4f: {  	_ =	shalt  }
0x50: {  	_ =	shalt  }
0x51: {  	_ =	shalt  }
0x52: {  	_ =	shalt  }
0x53: {  	_ =	shalt  }
0x54: {  	_ =	shalt  }
0x55: {  	_ =	shalt  }
0x56: {  	_ =	shalt  }
0x57: {  	_ =	shalt  }
0x58: {  	_ =	shalt  }
0x59: {  	_ =	shalt  }
0x5a: {  	_ =	shalt  }
0x5b: {  	_ =	shalt  }
0x5c: {  	_ =	shalt  }
0x5d: {  	_ =	shalt  }
0x5e: {  	_ =	shalt  }
0x5f: {  	_ =	shalt  }
0x60: {  	_ =	shalt  }
0x61: {  	_ =	shalt  }
0x62: {  	_ =	shalt  }
0x63: {  	_ =	shalt  }
0x64: {  	_ =	shalt  }
0x65: {  	_ =	shalt  }
0x66: {  	_ =	shalt  }
0x67: {  	_ =	shalt  }
0x68: {  	_ =	shalt  }
0x69: {  	_ =	shalt  }
0x6a: {  	_ =	shalt  }
0x6b: {  	_ =	shalt  }
0x6c: {  	_ =	shalt  }
0x6d: {  	_ =	shalt  }
0x6e: {  	_ =	shalt  }
0x6f: {  	_ =	shalt  }
0x70: {  	_ =	shalt  }
0x71: {  	_ =	shalt  }
0x72: {  	_ =	shalt  }
0x73: {  	_ =	shalt  }
0x74: {  	_ =	shalt  }
0x75: {  	_ =	shalt  }
0x76: {  	_ =	shalt  }
0x77: {  	_ =	shalt  }
0x78: {  	_ =	shalt  }
0x79: {  	_ =	shalt  }
0x7a: {  	_ =	shalt  }
0x7b: {  	_ =	shalt  }
0x7c: {  	_ =	shalt  }
0x7d: {  	_ =	shalt  }
0x7e: {  	_ =	shalt  }
0x7f: {  	_ =	shalt  }
0x80: {  	_ =	shalt  }
0x81: {  	_ =	shalt  }
0x82: {  	_ =	shalt  }
0x83: {  	_ =	shalt  }
0x84: {  	_ =	shalt  }
0x85: {  	_ =	shalt  }
0x86: {  	_ =	shalt  }
0x87: {  	_ =	shalt  }
.Lfunc_end0:
.L_simem_size_0:
called_computation_lowered:
.L_overlay_start_0:
0x88: {  	s2 =	sld [smem:$0x3FD9]  }
0x89: {  	s3 =	sld [smem:$0x3FFE];
	_ =	sdelay $0x1  }
0x8a: {  	s1 =	srdreg.scid  }
0x8b: {  	s0 =	sand.u32 $0x1, s1  }
0x8c: {  	s17 =	sshll.u32 s0, $0xA;
	s2 =	sadd.s32 s3, s2  }
0x8d: {  	s2 =	sadd.s32 s2, s17  }
0x8e: {  	[smem:$0x3FBB] =	sst s2  }
0x8f: {  	_ = 	snop  }
0x90: {  	(tm) =	ssettm $0x1  }
0x91: {  	s18 =	sld [smem:$0x3FFB];
	_ =	sdelay $0x3  }
0x92: {  	_ =	strace s18  }
0x93: {  	s2 =	sld [smem:$0x3FFC];
	_ =	sdelay $0x3  }
0x94: {  	_ =	strace s2  }
0x95: {  	s2 =	sld [smem:$0x3FFD];
	_ =	sdelay $0x3  }
0x96: {  	_ =	strace s2  }
0x97: {  	_ =	strace $0x8FFFFFFF  }
0x98: {  	s19 =	sld [smem:$0x3FDB];
	_ =	sdelay $0x1  }
0x99: {  	s20 =	simm.s32 $_scs_section_size  }
0x9a: {  	s4 =	simm.s32 $_size__tile_overlayer_lowered;
	s5 =	simm.s32 $_tile_overlayer_lowered  }
0x9b: {  	s6 =	simm.s32 $0x1BFF;
	s21 =	sshll.u32 s5, $0x1;
	s3 =	sadd.s32 s20, s19  }
0x9c: {  	s22 =	simm.s32 $0x0;
	s4 =	sshll.u32 s4, $0x1;
	s5 =	sadd.s32 s21, s3  }
0x9d: {  	[timem:s22], [sflag:s6] =	dma.local [hbm:s5], s4  }
0x9e: {  	_ =	swait.ge [sflag:s6], s4  }
0x9f: {  	s4 =	ssub.s32 $0x0, s4;
	[sflag:s6] =	ssyncset.done $0x0  }
0xa0: {  	[sflag:s6] =	ssyncadd.s32 s4;
	_ =	sdelay $0x1  }
0xa1: {  	s23 =	simm.s32 $0x1B8B  }
0xa2: {  	_ =	swait.ge [sflag:s23], $0x1  }
0xa3: {  	[sflag:s23] =	ssyncset.done $0x0  }
0xa4: {  	[sflag:s23] =	ssyncadd.s32 $0xFFFFFFFF  }
0xa5: {  	s4 =	sld [smem:$0x0]  }
0xa6: {  	s5 =	sand.u32 $0xFFFFFFFE, s1  }
0xa7: {  	p0 =	sne.s32 s1, s5  }
0xa8: {  	s5 =	sshll.u32 @p0 s5, $0xE  }
0xa9: {  	s5 =	sadd.s32 @p0 $0x11B8D, s5;
	s6 =	sshll.u32 @p0 s4, $0x11  }
0xaa: {  	s5 =	sor.u32 @p0 s6, s5  }
0xab: {  	[sflag:s5] =	ssyncadd.remote.s32 @p0 $0x1;
	_ =	sdelay $0x1  }
0xac: {  	s5 =	simm.s32 @p0 $0x1B8D  }
0xad: {  	_ =	swait.eq @p0 [sflag:s5], $0x1  }
0xae: {  	[sflag:s5] =	ssyncadd.s32 @p0 $0xFFFFFFFF  }
0xaf: {  	s6 =	sshll.u32 @!p0 s1, $0xE  }
0xb0: {  	s6 =	sor.u32 @!p0 $0x4000, s6;
	s5 =	simm.s32 @!p0 $0x1B8D  }
0xb1: {  	s4 =	sshll.u32 @!p0 s4, $0x11;
	s6 =	sadd.s32 @!p0 $0x11B8D, s6;
	_ =	swait.eq @!p0 [sflag:s5], $0x1  }
0xb2: {  	s4 =	sor.u32 @!p0 s4, s6;
	[sflag:s5] =	ssyncadd.s32 @!p0 $0xFFFFFFFF  }
0xb3: {  	s25 =	simm.s32 $0x1B8E;
	s24 =	sld [smem:$0x3FFE];
	[sflag:s4] =	ssyncadd.remote.s32 @!p0 $0x1  }
0xb4: {  	s26 =	simm.s32 $execute0_lowered;
	[smem:$0x3FD2] =	sst s25  }
0xb5: {  	s5 =	sshll.u32 s26, $0x1;
	_ =	strace $0x80000049;
	[dreg:$0x1] =	wrdreg $0xFFFFFFFF  }
0xb6: {  	s28 =	simm.s32 $_size_execute0_lowered;
	s3 =	sadd.s32 s3, s5;
	[dreg:$0x0] =	wrdreg $0x0  }
0xb7: {  	s5 =	sshll.u32 s28, $0x1;
	[dreg:$0x2] =	wrdreg s3  }
0xb8: {  	[dreg:$0x3] =	wrdreg s5  }
0xb9: {  	[dreg:$0x4] =	wrdreg $0xC0  }
0xba: {  	_ =	task [dreg:s22], $0x5FFFF  }
0xbb: {  	[dreg:$0x1] =	wrdreg $0xFFFFFFFF  }
0xbc: {  	[dreg:$0x0] =	wrdreg $0x60  }
0xbd: {  	[dreg:$0x2] =	wrdreg s24  }
0xbe: {  	[dreg:$0x3] =	wrdreg $0x8F000  }
0xbf: {  	[dreg:$0x4] =	wrdreg $0x9  }
0xc0: {  	_ =	task.clear_ibuf [dreg:s22], $0x5FFFF;
	_ =	strace $0x90000049  }
0xc1: {  	s29 =	simm.s32 $0x9;
	_ =	strace $0x8000004B  }
0xc2: {  	_ =	swait.ge [sflag:s29], $0x1  }
0xc3: {  	[sflag:s29] =	ssyncadd.s32 $0xFFFFFFFF  }
0xc4: {  	_ =	strace $0x9000004B  }
0xc5: {  	_ =	sfence  }
0xc6: {  	s30 =	sld [smem:$0x0];
	_ =	sdelay $0x2  }
0xc7: {  	s31 =	sshll.u32 s1, $0xD;
	s1 =	sshrl.u32 s1, $0x2  }
0xc8: {  	s4 =	sand.u32 $0x4000, s31;
	s1 =	sadd.s32 s1, s30  }
0xc9: {  	s0 =	sor.u32 s4, s0;
	s1 =	sshll.u32 s1, $0x11  }
0xca: {  	s0 =	sor.u32 s1, s0  }
0xcb: {  	s0 =	sadd.s32 $0x8F2B, s0  }
0xcc: {  	[sflag:s0] =	ssyncadd.remote.s32 $0x1  }
0xcd: {  	_ =	sfence.sel $0xFFFF  }
0xce: {  	[dreg:$0x0] =	wrdreg $0xFFFFFFFF;
	(pc) =	sbr.abs _section_cstart, $3  }
0xcf: {  	[dreg:$0x1] =	wrdreg $0xFFFFFFFF  }
0xd0: {  	_ =	task.clear_ibuf [dreg:s22], $0x2FFFF;
	_ =	strace $0x9FFFFFFF  }
0xd1: {  	(tm) =	ssettm $0x7FFFFFFF  }
tec
execute0_lowered:
.L_overlay_start_1:
0x0: {  	(tag) =	ssettag $0x1  }
0x1: {  	s5 =	rddreg [dreg:$0x0]  }
0x2: {  	s2 =	rddreg [dreg:$0x1]  }
0x3: {  	s0 =	rddreg [dreg:$0x2];
	s3 =	simm.s32 $0x0  }
0x4: {  	s1 =	stileid.u32;
	s4 =	srdreg.scid;
	s17 =	simm.s32 $0x4F00  }
0x5: {  	s18 =	simm.s32 $0x1;
	s19 =	simm.s32 $0x6F00;
	s20 =	simm.s32 $0x2  }
0x6: {  	s21 =	simm.s32 $0x3;
	s22 =	simm.s32 $0x100;
	s23 =	simm.s32 $0x2780  }
0x7: {  	s24 =	simm.s32 $0x4;
	s25 =	simm.s32 $0x0;
	[smem:$0x7FF] =	sst s3  }
0x8: {  	s6 =	smul.u32 $0x9C40, s1;
	s7 =	sand.u32 $0x1, s4;
	s4 =	sadd.s32 $0x79800, s5  }
0x9: {  	s9 =	sadd.s32 $0x4000, s5;
	s30 =	sshll.u32 s1, $0x6;
	s31 =	sshll.u32 s1, $0x4  }
0xa: {  	_ =	strace $0x8000004A;
	s8 =	smul.u32 $0x9C400, s7;
	s11 =	sshll.u32 s7, $0x4  }
0xb: {  	s7 =	ssub.s32 $0x2, s7;
	s10 =	sshrl.u32 s6, $0x3;
	s13 =	sor.u32 s1, s11  }
0xc: {  	s28 =	sshrl.u32 s7, $0x1;
	s16 =	sadd.s32 s6, s2;
	s8 =	sadd.s32 s6, s8  }
0xd: {  	s12 =	smul.u32 $0x2700, s13;
	s10 =	sadd.s32 s10, s5;
	s15 =	ssub.s32 s7, s28  }
0xe: {  	s7 =	sor.u32 $0x1C05, s30;
	p0 =	sgt.u32 s13, $0x3;
	s13 =	sshrl.u32 s16, $0x3  }
.Ltmp0:
0xf: {  	s16 =	simm.s32 $0x80;
	s8 =	sshrl.u32 s8, $0x3;
	(pc) =	sbr.rel .LBB2_1-.Ltmp0, $4  }
0x10: {  	s14 =	sadd.s32 s8, s5;
	s5 =	sadd.s32 $0x8D200, s10;
	s29 =	sshrl.u32 s12, $0x3  }
0x11: {  	s10 =	sadd.s32 s31, s9;
	s12 =	smax.u32 s15, $0x1;
	s15 =	simm.s32 $0x2700  }
0x12: {  	s6 =	sadd.s32 s9, s29;
	s9 =	sadd.s32 $0x9C00, s10;
	s10 =	sadd.s32 $0x13840, s10  }
0x13: {  	s11 =	sadd.s32 $0xA0C00, s14;
	s14 =	simm.s32 $0x5;
	s8 =	sadd.s32 $0x9C40, s6  }
.LBB2_4:
0x14: {  	[spmem:s2] =	stream.indirect.scatter.add.f32 [tilespmem:s19], [sflag:$0x4], $0x40, s29, s16, $0xb8;
	[tilespmem:$0x12B40] =	vst v63  }
0x15: {  	_ =	swait.ge [sflag:s24], $0x2000  }
0x16: {  	s26 =	simm.s32 @!p0 $0x80;
	[sflag:s24] =	ssyncset.done $0x0  }
0x17: {  	s28 =	simm.s32 @!p0 $0x4E00;
	s29 =	simm.s32 @!p0 $0x4F00;
	[sflag:s24] =	ssyncadd.s32 $0xFFFFE000  }
0x18: {  	[tilespmem:s29], [sflag:$0x5] =	stream.indirect.gather @!p0 [hbm4b:s4+s26], $0x40, s28, s26, $0xb8;
	[tilespmem:$0x12B40] =	vst v63  }
0x19: {  	s28 =	simm.s32 @!p0 $0x5  }
0x1a: {  	_ =	swait.ge @!p0 [sflag:s28], $0x2000  }
0x1b: {  	[sflag:s28] =	ssyncset.done @!p0 $0x0  }
0x1c: {  	s30 =	simm.s32 @!p0 $0x4E80;
	[sflag:s28] =	ssyncadd.s32 @!p0 $0xFFFFE000  }
0x1d: {  	[spmem:s2] =	stream.indirect.scatter.add.f32 @!p0 [tilespmem:s29], [sflag:$0x5], $0x40, s30, s26, $0xb8;
	[tilespmem:$0x12B40] =	vst v63  }
0x1e: {  	_ =	swait.ge @!p0 [sflag:s28], $0x2000  }
0x1f: {  	s25 =	sadd.s32 $0x1, s25;
	[sflag:s28] =	ssyncset.done @!p0 $0x0  }
0x20: {  	p1 =	sne.s32 s25, s12;
	[sflag:s28] =	ssyncadd.s32 @!p0 $0xFFFFE000  }
.Ltmp1:
0x21: {  	[bflag:$0x0] =	sbarrier.arrive $0xFFFF;
	(pc) =	sbr.rel @!p1 .LBB2_5-.Ltmp1, $4  }
0x22: {  	[hbm:s11], [sflag:s7] =	dma.local [spmem:s13], $0x1388  }
0x23: {  	_ =	swait.ge [sflag:s14], $0x1388  }
0x24: {  	[sflag:s14] =	ssyncset.done $0x0  }
0x25: {  	[sflag:s14] =	ssyncadd.s32 $0xFFFFEC78  }
.LBB2_1:
0x26: {  	[spmem:s13], [sflag:s7] =	dma.local [hbm:s5], $0x1388  }
0x27: {  	_ =	swait.ge [sflag:s14], $0x1388  }
0x28: {  	[sflag:s14] =	ssyncset.done $0x0  }
0x29: {  	[sflag:s14] =	ssyncadd.s32 $0xFFFFEC78  }
0x2a: {  	[tilespmem:s3], [sflag:$0x5] =	stream.linear.gather [hbm4b:s6+s3], $0x2700, $0x38;
	[tilespmem:$0x12B40] =	vst v63  }
0x2b: {  	_ =	swait.ge [sflag:s14], $0x2700  }
0x2c: {  	[sflag:s14] =	ssyncset.done $0x0  }
0x2d: {  	[sflag:s14] =	ssyncadd.s32 $0xFFFFD900  }
0x2e: {  	[tilespmem:s15], [sflag:$0x5] =	stream.linear.gather [hbm4b:s8+s3], $0x2700, $0x38;
	[tilespmem:$0x12B40] =	vst v63  }
0x2f: {  	_ =	swait.ge [sflag:s14], $0x2700  }
0x30: {  	[sflag:s14] =	ssyncset.done $0x0  }
0x31: {  	s26 =	simm.s32 @!p0 $0x0;
	s28 =	simm.s32 @!p0 $0x4E00;
	[sflag:s14] =	ssyncadd.s32 $0xFFFFD900  }
0x32: {  	[tilespmem:s28], [sflag:$0x5] =	stream.linear.gather @!p0 [hbm4b:s9+s26], $0x80, $0x38;
	[tilespmem:$0x12B40] =	vst v63  }
0x33: {  	s28 =	simm.s32 @!p0 $0x5  }
0x34: {  	_ =	swait.ge @!p0 [sflag:s28], $0x80  }
0x35: {  	[sflag:s28] =	ssyncset.done @!p0 $0x0  }
0x36: {  	s29 =	simm.s32 @!p0 $0x4E80;
	[sflag:s28] =	ssyncadd.s32 @!p0 $0xFFFFFF80  }
0x37: {  	[tilespmem:s29], [sflag:$0x5] =	stream.linear.gather @!p0 [hbm4b:s10+s26], $0x80, $0x38;
	[tilespmem:$0x12B40] =	vst v63  }
0x38: {  	_ =	swait.ge @!p0 [sflag:s28], $0x80  }
0x39: {  	[sflag:s28] =	ssyncset.done @!p0 $0x0  }
0x3a: {  	[sflag:s28] =	ssyncadd.s32 @!p0 $0xFFFFFF80  }
0x3b: {  	[tilespmem:s17], [sflag:$0x1] =	stream.indirect.gather [hbm4b:s4+s16], $0x40, s3, s16, $0xb8;
	[tilespmem:$0x12B40] =	vst v63  }
0x3c: {  	[bflag:$0x0] =	sbarrier.arrive $0xFFFF  }
0x3d: {  	_ =	swait.ge [sflag:s18], $0x2000  }
0x3e: {  	[sflag:s18] =	ssyncset.done $0x0  }
0x3f: {  	[sflag:s18] =	ssyncadd.s32 $0xFFFFE000  }
0x40: {  	[tilespmem:s19], [sflag:$0x2] =	stream.indirect.gather [hbm4b:s4+s16], $0x40, s16, s16, $0xb8;
	[tilespmem:$0x12B40] =	vst v63  }
0x41: {  	_ = 	snop  }
0x42: {  	[spmem:s2] =	stream.indirect.scatter.add.f32 [tilespmem:s17], [sflag:$0x3], $0x40, s15, s16, $0xb8;
	[tilespmem:$0x12B40] =	vst v63  }
0x43: {  	_ =	swait.ge [sflag:s20], $0x2000  }
0x44: {  	[sflag:s20] =	ssyncset.done $0x0  }
0x45: {  	[sflag:s20] =	ssyncadd.s32 $0xFFFFE000  }
0x46: {  	_ =	swait.ge [sflag:s21], $0x2000  }
0x47: {  	[sflag:s21] =	ssyncset.done $0x0  }
0x48: {  	[sflag:s21] =	ssyncadd.s32 $0xFFFFE000  }
0x49: {  	[tilespmem:s17], [sflag:$0x1] =	stream.indirect.gather [hbm4b:s4+s16], $0x40, s22, s16, $0xb8;
	[tilespmem:$0x12B40] =	vst v63  }
0x4a: {  	s26 =	simm.s32 $0xFFFF6C00  }
0x4b: {  	[spmem:s2] =	stream.indirect.scatter.add.f32 [tilespmem:s19], [sflag:$0x4], $0x40, s23, s16, $0xb8;
	[tilespmem:$0x12B40] =	vst v63  }
.LBB2_2:
0x4c: {  	_ =	swait.ge [sflag:s18], $0x2000  }
0x4d: {  	[sflag:s18] =	ssyncset.done $0x0  }
0x4e: {  	[sflag:s18] =	ssyncadd.s32 $0xFFFFE000  }
0x4f: {  	_ =	swait.ge [sflag:s24], $0x2000  }
0x50: {  	s28 =	sshra.s32 s26, $0x2;
	[sflag:s24] =	ssyncset.done $0x0  }
0x51: {  	s29 =	sadd.s32 $0x2680, s28;
	[sflag:s24] =	ssyncadd.s32 $0xFFFFE000  }
0x52: {  	[tilespmem:s19], [sflag:$0x2] =	stream.indirect.gather [hbm4b:s4+s16], $0x40, s29, s16, $0xb8;
	[tilespmem:$0x12B40] =	vst v63  }
0x53: {  	s29 =	sadd.s32 $0x4D00, s28  }
0x54: {  	[spmem:s2] =	stream.indirect.scatter.add.f32 [tilespmem:s17], [sflag:$0x3], $0x40, s29, s16, $0xb8;
	[tilespmem:$0x12B40] =	vst v63  }
0x55: {  	p1 =	seq.s32 s26, $0x0;
	_ =	swait.ge [sflag:s20], $0x2000  }
.Ltmp2:
0x56: {  	[sflag:s20] =	ssyncset.done $0x0;
	(pc) =	sbr.rel @p1 .LBB2_4-.Ltmp2, $4  }
0x57: {  	[sflag:s20] =	ssyncadd.s32 $0xFFFFE000  }
0x58: {  	_ =	swait.ge [sflag:s21], $0x2000  }
0x59: {  	[sflag:s21] =	ssyncset.done $0x0  }
0x5a: {  	s29 =	sadd.s32 $0x4D80, s28;
	[sflag:s21] =	ssyncadd.s32 $0xFFFFE000  }
.Ltmp3:
0x5b: {  	(pc) =	sbr.rel .LBB2_2-.Ltmp3, $4  }
0x5c: {  	s28 =	sadd.s32 $0x2700, s28  }
0x5d: {  	[tilespmem:s17], [sflag:$0x1] =	stream.indirect.gather [hbm4b:s4+s16], $0x40, s28, s16, $0xb8;
	[tilespmem:$0x12B40] =	vst v63  }
0x5e: {  	s26 =	sadd.s32 $0x400, s26  }
0x5f: {  	[spmem:s2] =	stream.indirect.scatter.add.f32 [tilespmem:s19], [sflag:$0x4], $0x40, s29, s16, $0xb8;
	[tilespmem:$0x12B40] =	vst v63  }
.LBB2_5:
0x60: {  	_ =	sfence.sel $0x180000  }
0x61: {  	[bflag:$0x0] =	sbarrier.arrive $0xFFFF  }
0x62: {  	p0 =	sne.s32 s1, $0x0;
	_ =	strace $0x9000004A  }
0x63: {  	s0 =	sadd.s32 @!p0 $0x100000, s0;
	[bflag:$0x2] =	sbarrier.arrive $0xFFFF  }
0x64: {  	[sflag:s0] =	ssyncadd.tile.s32 @!p0 $0x1;
	_ =	shalt  }
.Lfunc_end2:
_tile_overlayer_lowered:
.L_overlay_start_2:
0x65: {  	(tag) =	ssettag $0x2  }
0x66: {  	s0 =	rddreg [dreg:$0x0];
	s2 =	stileid.u32  }
0x67: {  	s1 =	rddreg [dreg:$0x1];
	p0 =	sne.s32 s2, $0x0  }
0x68: {  	s3 =	rddreg [dreg:$0x2];
	[bflag:$0x3] =	sbarrier.arrive $0xFFFF;
	s2 =	simm.s32 @!p0 $0x1C05  }
0x69: {  	[timem:s3], [sflag:s2] =	dma.local @!p0 [hbm:s0], s1  }
0x6a: {  	s0 =	simm.s32 @!p0 $0x5  }
0x6b: {  	_ =	swait.ge @!p0 [sflag:s0], s1  }
0x6c: {  	s1 =	ssub.s32 @!p0 $0x0, s1;
	[sflag:s0] =	ssyncset.done @!p0 $0x0  }
0x6d: {  	[sflag:s0] =	ssyncadd.s32 @!p0 s1  }
0x6e: {  	[bflag:$0x3] =	sbarrier.arrive $0xFFFF  }
0x6f: {  	_ =	shalt  }

// kernel: kernel.13.cloned.1.call-start
scs
__scs_entry_jumppad:
0x0: {  	(pc) =	sbr.rel $0x88, $3  }
0x1: {  	(tag) =	ssettag $0x0;
	lr =	simm.s32 $0x1  }
0x2: {  	[smem:$0x3F94] =	sst lr;
	_ =	strace $0xD0000000  }
0x3: {  	_ = 	snop  }
0x4: {  	_ = 	snop  }
0x5: {  	_ = 	snop  }
0x6: {  	_ = 	snop  }
0x7: {  	_ = 	snop  }
__scs_overlays_trampoline_lowered:
0x8: {  	[smem:$0x3FA3] =	sst s0  }
0x9: {  	[smem:$0x3FA4] =	sst s1  }
0xa: {  	[smem:$0x3FA5] =	sst s2  }
0xb: {  	[smem:$0x3FA6] =	sst s3  }
0xc: {  	[smem:$0x3FA7] =	sst s4  }
0xd: {  	[smem:$0x3FA8] =	sst s5  }
0xe: {  	[smem:$0x3FA9] =	sst s6  }
0xf: {  	[smem:$0x3FAA] =	sst s7  }
0x10: {  	[smem:$0x3FAB] =	sst s8  }
0x11: {  	[smem:$0x3FAC] =	sst s9;
	s0 =	simm.s32 @!p0 $0x0  }
0x12: {  	s1 =	sld [smem:$0x3F92];
	s0 =	simm.s32 @p0 $0x1  }
0x13: {  	[smem:$0x3FAD] =	sst s0;
	s0 =	simm.s32 @!p1 $0x0  }
0x14: {  	s2 =	sld [smem:$0x3F91];
	s0 =	simm.s32 @p1 $0x1  }
0x15: {  	[smem:$0x3FAE] =	sst s0;
	s0 =	simm.s32 @!p2 $0x0  }
0x16: {  	s3 =	sld [smem:$0x3FDB];
	s0 =	simm.s32 @p2 $0x1  }
0x17: {  	s4 =	simm.s32 $0x1BF5;
	[smem:$0x3FB0] =	sst s0  }
0x18: {  	s0 =	sld [smem:$0x3F93];
	_ =	swait.ge [sflag:s4], $0x0  }
0x19: {  	s7 =	sld [smem:$0x3F94]  }
0x1a: {  	s8 =	sadd.s32 $0xFFFFE003, lr  }
0x1b: {  	s9 =	sadd.s32 $0xFFFFFEF7, lr;
	s5 =	simm.s32 $0xFFFFFFFF;
	p2 =	slt.u32 s8, $0xFFFFF086  }
0x1c: {  	p1 =	slt.u32 s9, $0xF7A;
	s5 =	simm.s32 @!p2 $0x0  }
0x1d: {  	s5 =	simm.s32 @p1 $0x1;
	p0 =	seq.s32 s7, s2  }
0x1e: {  	s7 =	smul.u32 @!p0 $0xF7A, s2;
	p2 =	seq.s32 @!p0 s5, $0x0  }
0x1f: {  	s9 =	smul.u32 $0xF7A, s1;
	s8 =	simm.s32 @!p0 $0x1BF5;
	p2 =	por !p2, p0  }
0x20: {  	[sflag:s8] =	ssyncset.s32 @!p0 $0xFFFFF086;
	s6 =	sadd.s32 @!p0 s3, s7;
	s7 =	simm.s32 @!p0 $0x108  }
0x21: {  	s3 =	sadd.s32 s3, s9;
	s6 =	sadd.s32 @!p0 $0x88, s6;
	s7 =	simm.s32 @p2 $0x1082  }
0x22: {  	[simem:s7], [sflag:s8] =	dma.local @!p0 [hbm:s6], $0xF7A  }
0x23: {  	s9 =	sor.u32 $0xD0000000, s2;
	s6 =	simm.s32 $0x108;
	_ =	swait.ge @!p0 [sflag:s8], $0x0  }
0x24: {  	s3 =	sadd.s32 $0x88, s3;
	s6 =	simm.s32 @!p1 $0x1082;
	[sflag:s4] =	ssyncset.s32 $0xFFFFF086  }
0x25: {  	[simem:s6], [sflag:s4] =	dma.local [hbm:s3], $0xF7A  }
0x26: {  	[smem:$0x3F94] =	sst s1;
	(tag) =	ssettag s2;
	_ =	strace s9  }
0x27: {  	s1 =	sld [smem:$0x3FA4]  }
0x28: {  	s2 =	sld [smem:$0x3FA5]  }
0x29: {  	s4 =	sld [smem:$0x3FA7]  }
0x2a: {  	p0 =	seq.s32 s5, $0x0;
	s5 =	sld [smem:$0x3FA8]  }
0x2b: {  	s6 =	sld [smem:$0x3FA9]  }
0x2c: {  	s7 =	sld [smem:$0x3FAA]  }
0x2d: {  	s3 =	simm.s32 $0x108;
	s8 =	sld [smem:$0x3FAB]  }
0x2e: {  	s3 =	simm.s32 @!p0 $0x1082;
	s9 =	sld [smem:$0x3FAC]  }
0x2f: {  	lr =	sadd.s32 s0, s3;
	s0 =	sld [smem:$0x3FA3]  }
0x30: {  	s3 =	sld [smem:$0x3FA6]  }
0x31: {  	[smem:$0x3FAF] =	sst s10  }
0x32: {  	s10 =	sld [smem:$0x3FAD];
	_ =	sdelay $0x3  }
0x33: {  	p0 =	seq.s32 s10, $0x1;
	s10 =	sld [smem:$0x3FAF];
	_ =	sdelay $0x3  }
0x34: {  	[smem:$0x3FAF] =	sst s10  }
0x35: {  	s10 =	sld [smem:$0x3FAE];
	_ =	sdelay $0x3  }
0x36: {  	p1 =	seq.s32 s10, $0x1;
	s10 =	sld [smem:$0x3FAF];
	_ =	sdelay $0x3  }
0x37: {  	[smem:$0x3FAF] =	sst s10  }
0x38: {  	s10 =	sld [smem:$0x3FB0]  }
0x39: {  	_ = 	snop;
	(pc) =	sbr.ind lr, $3  }
0x3a: {  	_ = 	snop  }
0x3b: {  	_ = 	snop  }
0x3c: {  	p2 =	seq.s32 s10, $0x1;
	s10 =	sld [smem:$0x3FAF]  }
0x3d: {  	_ =	shalt  }
0x3e: {  	_ =	shalt  }
0x3f: {  	_ =	shalt  }
0x40: {  	_ =	shalt  }
0x41: {  	_ =	shalt  }
0x42: {  	_ =	shalt  }
0x43: {  	_ =	shalt  }
0x44: {  	_ =	shalt  }
0x45: {  	_ =	shalt  }
0x46: {  	_ =	shalt  }
0x47: {  	_ =	shalt  }
0x48: {  	_ =	shalt  }
0x49: {  	_ =	shalt  }
0x4a: {  	_ =	shalt  }
0x4b: {  	_ =	shalt  }
0x4c: {  	_ =	shalt  }
0x4d: {  	_ =	shalt  }
0x4e: {  	_ =	shalt  }
0x4f: {  	_ =	shalt  }
0x50: {  	_ =	shalt  }
0x51: {  	_ =	shalt  }
0x52: {  	_ =	shalt  }
0x53: {  	_ =	shalt  }
0x54: {  	_ =	shalt  }
0x55: {  	_ =	shalt  }
0x56: {  	_ =	shalt  }
0x57: {  	_ =	shalt  }
0x58: {  	_ =	shalt  }
0x59: {  	_ =	shalt  }
0x5a: {  	_ =	shalt  }
0x5b: {  	_ =	shalt  }
0x5c: {  	_ =	shalt  }
0x5d: {  	_ =	shalt  }
0x5e: {  	_ =	shalt  }
0x5f: {  	_ =	shalt  }
0x60: {  	_ =	shalt  }
0x61: {  	_ =	shalt  }
0x62: {  	_ =	shalt  }
0x63: {  	_ =	shalt  }
0x64: {  	_ =	shalt  }
0x65: {  	_ =	shalt  }
0x66: {  	_ =	shalt  }
0x67: {  	_ =	shalt  }
0x68: {  	_ =	shalt  }
0x69: {  	_ =	shalt  }
0x6a: {  	_ =	shalt  }
0x6b: {  	_ =	shalt  }
0x6c: {  	_ =	shalt  }
0x6d: {  	_ =	shalt  }
0x6e: {  	_ =	shalt  }
0x6f: {  	_ =	shalt  }
0x70: {  	_ =	shalt  }
0x71: {  	_ =	shalt  }
0x72: {  	_ =	shalt  }
0x73: {  	_ =	shalt  }
0x74: {  	_ =	shalt  }
0x75: {  	_ =	shalt  }
0x76: {  	_ =	shalt  }
0x77: {  	_ =	shalt  }
0x78: {  	_ =	shalt  }
0x79: {  	_ =	shalt  }
0x7a: {  	_ =	shalt  }
0x7b: {  	_ =	shalt  }
0x7c: {  	_ =	shalt  }
0x7d: {  	_ =	shalt  }
0x7e: {  	_ =	shalt  }
0x7f: {  	_ =	shalt  }
0x80: {  	_ =	shalt  }
0x81: {  	_ =	shalt  }
0x82: {  	_ =	shalt  }
0x83: {  	_ =	shalt  }
0x84: {  	_ =	shalt  }
0x85: {  	_ =	shalt  }
0x86: {  	_ =	shalt  }
0x87: {  	_ =	shalt  }
.Lfunc_end0:
.L_simem_size_0:
called_computation.1_lowered:
.L_overlay_start_0:
0x88: {  	s2 =	sld [smem:$0x3FD9]  }
0x89: {  	s3 =	sld [smem:$0x3FFE];
	_ =	sdelay $0x1  }
0x8a: {  	s1 =	srdreg.scid  }
0x8b: {  	s0 =	sand.u32 $0x1, s1  }
0x8c: {  	s16 =	sshll.u32 s0, $0xA;
	s2 =	sadd.s32 s3, s2  }
0x8d: {  	s2 =	sadd.s32 s2, s16  }
0x8e: {  	[smem:$0x3FBB] =	sst s2  }
0x8f: {  	_ = 	snop  }
0x90: {  	(tm) =	ssettm $0x1  }
0x91: {  	s17 =	sld [smem:$0x3FFB];
	_ =	sdelay $0x3  }
0x92: {  	_ =	strace s17  }
0x93: {  	s2 =	sld [smem:$0x3FFC];
	_ =	sdelay $0x3  }
0x94: {  	_ =	strace s2  }
0x95: {  	s2 =	sld [smem:$0x3FFD];
	_ =	sdelay $0x3  }
0x96: {  	_ =	strace s2  }
0x97: {  	_ =	strace $0x8FFFFFFF  }
0x98: {  	s18 =	sld [smem:$0x3FDB];
	_ =	sdelay $0x1  }
0x99: {  	s19 =	simm.s32 $_scs_section_size  }
0x9a: {  	s4 =	simm.s32 $_size__tile_overlayer_lowered;
	s5 =	simm.s32 $_tile_overlayer_lowered  }
0x9b: {  	s22 =	simm.s32 $0x1BFF;
	s21 =	sshll.u32 s5, $0x1;
	s2 =	sadd.s32 s19, s18  }
0x9c: {  	s6 =	simm.s32 $0x0;
	s20 =	sshll.u32 s4, $0x1;
	s4 =	sadd.s32 s21, s2  }
0x9d: {  	[timem:s6], [sflag:s22] =	dma.local [hbm:s4], s20  }
0x9e: {  	_ =	swait.ge [sflag:s22], s20  }
0x9f: {  	s3 =	ssub.s32 $0x0, s20;
	[sflag:s22] =	ssyncset.done $0x0  }
0xa0: {  	[sflag:s22] =	ssyncadd.s32 s3;
	_ =	sdelay $0x1  }
0xa1: {  	s23 =	simm.s32 $0x1B8B  }
0xa2: {  	_ =	swait.ge [sflag:s23], $0x1  }
0xa3: {  	[sflag:s23] =	ssyncset.done $0x0  }
0xa4: {  	s25 =	simm.s32 $0x1B8E;
	s24 =	sld [smem:$0x3FFE];
	[sflag:s23] =	ssyncadd.s32 $0xFFFFFFFF  }
0xa5: {  	s26 =	simm.s32 $execute0_lowered;
	[smem:$0x3FD2] =	sst s25  }
0xa6: {  	s4 =	sshll.u32 s26, $0x1;
	_ =	strace $0x80000046;
	[dreg:$0x1] =	wrdreg $0xFFFFFFFF  }
0xa7: {  	s28 =	simm.s32 $_size_execute0_lowered;
	s2 =	sadd.s32 s2, s4;
	[dreg:$0x0] =	wrdreg $0x0  }
0xa8: {  	s4 =	sshll.u32 s28, $0x1;
	[dreg:$0x2] =	wrdreg s2  }
0xa9: {  	[dreg:$0x3] =	wrdreg s4  }
0xaa: {  	[dreg:$0x4] =	wrdreg $0xC0  }
0xab: {  	_ =	task [dreg:s6], $0x5FFFF  }
0xac: {  	[dreg:$0x1] =	wrdreg $0xFFFFFFFF  }
0xad: {  	[dreg:$0x0] =	wrdreg $0x60  }
0xae: {  	[dreg:$0x2] =	wrdreg s24  }
0xaf: {  	[dreg:$0x3] =	wrdreg $0x9F000  }
0xb0: {  	[dreg:$0x4] =	wrdreg $0xA  }
0xb1: {  	_ =	task.clear_ibuf [dreg:s6], $0x5FFFF;
	_ =	strace $0x90000046  }
0xb2: {  	s29 =	simm.s32 $0xA;
	_ =	strace $0x80000048  }
0xb3: {  	_ =	swait.ge [sflag:s29], $0x1  }
0xb4: {  	[sflag:s29] =	ssyncadd.s32 $0xFFFFFFFF  }
0xb5: {  	_ =	strace $0x90000048  }
0xb6: {  	_ =	sfence  }
0xb7: {  	s30 =	sld [smem:$0x0];
	_ =	sdelay $0x2  }
0xb8: {  	s31 =	sshll.u32 s1, $0xD;
	s1 =	sshrl.u32 s1, $0x2  }
0xb9: {  	s3 =	sand.u32 $0x4000, s31;
	s1 =	sadd.s32 s1, s30  }
0xba: {  	s0 =	sor.u32 s3, s0;
	s1 =	sshll.u32 s1, $0x11  }
0xbb: {  	s0 =	sor.u32 s1, s0  }
0xbc: {  	s0 =	sadd.s32 $0x8F2B, s0  }
0xbd: {  	[sflag:s0] =	ssyncadd.remote.s32 $0x1  }
0xbe: {  	_ =	sfence.sel $0xFFFF  }
0xbf: {  	[dreg:$0x0] =	wrdreg $0xFFFFFFFF;
	(pc) =	sbr.abs _section_cstart, $3  }
0xc0: {  	[dreg:$0x1] =	wrdreg $0xFFFFFFFF  }
0xc1: {  	_ =	task.clear_ibuf [dreg:s6], $0x2FFFF;
	_ =	strace $0x9FFFFFFF  }
0xc2: {  	(tm) =	ssettm $0x7FFFFFFF  }
0xc3: {  	_ =	shalt  }
tec
execute0_lowered:
.L_overlay_start_1:
0x0: {  	(tag) =	ssettag $0x1  }
0x1: {  	s5 =	rddreg [dreg:$0x0]  }
0x2: {  	s2 =	rddreg [dreg:$0x1]  }
0x3: {  	s0 =	rddreg [dreg:$0x2];
	s3 =	simm.s32 $0x0  }
0x4: {  	s1 =	stileid.u32;
	s4 =	srdreg.scid;
	s17 =	simm.s32 $0x4F00  }
0x5: {  	s18 =	simm.s32 $0x1;
	s19 =	simm.s32 $0x7700;
	s20 =	simm.s32 $0x2  }
0x6: {  	s21 =	simm.s32 $0x3;
	s22 =	simm.s32 $0x100;
	s23 =	simm.s32 $0x2780  }
0x7: {  	s24 =	simm.s32 $0x4;
	s25 =	simm.s32 $0x0;
	[smem:$0x7FF] =	sst s3  }
0x8: {  	s6 =	smul.u32 $0xC350, s1;
	s7 =	sand.u32 $0x1, s4;
	s4 =	sadd.s32 $0x17A00, s5  }
0x9: {  	s9 =	sadd.s32 $0x4000, s5;
	s30 =	sshll.u32 s1, $0x6;
	s31 =	sshll.u32 s1, $0x4  }
0xa: {  	_ =	strace $0x80000047;
	s8 =	smul.u32 $0xC3500, s7;
	s11 =	sshll.u32 s7, $0x4  }
0xb: {  	s7 =	ssub.s32 $0x2, s7;
	s10 =	sshrl.u32 s6, $0x3;
	s13 =	sor.u32 s1, s11  }
0xc: {  	s28 =	sshrl.u32 s7, $0x1;
	s16 =	sadd.s32 s6, s2;
	s8 =	sadd.s32 s6, s8  }
0xd: {  	s12 =	smul.u32 $0x2700, s13;
	s10 =	sadd.s32 s10, s5;
	s15 =	ssub.s32 s7, s28  }
0xe: {  	s7 =	sor.u32 $0x1C05, s30;
	p0 =	sgt.u32 s13, $0x3;
	s13 =	sshrl.u32 s16, $0x3  }
.Ltmp0:
0xf: {  	s16 =	simm.s32 $0x80;
	s8 =	sshrl.u32 s8, $0x3;
	(pc) =	sbr.rel .LBB2_1-.Ltmp0, $4  }
0x10: {  	s14 =	sadd.s32 s8, s5;
	s5 =	sadd.s32 $0x30200, s10;
	s29 =	sshrl.u32 s12, $0x3  }
0x11: {  	s10 =	sadd.s32 s31, s9;
	s12 =	smax.u32 s15, $0x1;
	s15 =	simm.s32 $0x2700  }
0x12: {  	s6 =	sadd.s32 s9, s29;
	s9 =	sadd.s32 $0x9C00, s10;
	s10 =	sadd.s32 $0x13840, s10  }
0x13: {  	s11 =	sadd.s32 $0x48A00, s14;
	s14 =	simm.s32 $0x5;
	s8 =	sadd.s32 $0x9C40, s6  }
.LBB2_4:
0x14: {  	[spmem:s2] =	stream.indirect.scatter.add.f32 [tilespmem:s19], [sflag:$0x4], $0x50, s29, s16, $0xb8;
	[tilespmem:$0x16250] =	vst v63  }
0x15: {  	_ =	swait.ge [sflag:s24], $0x2800  }
0x16: {  	s26 =	simm.s32 @!p0 $0x80;
	[sflag:s24] =	ssyncset.done $0x0  }
0x17: {  	s28 =	simm.s32 @!p0 $0x4E00;
	s29 =	simm.s32 @!p0 $0x4F00;
	[sflag:s24] =	ssyncadd.s32 $0xFFFFD800  }
0x18: {  	[tilespmem:s29], [sflag:$0x5] =	stream.indirect.gather @!p0 [hbm4b:s4+s26], $0x50, s28, s26, $0xb8;
	[tilespmem:$0x16250] =	vst v63  }
0x19: {  	s28 =	simm.s32 @!p0 $0x5  }
0x1a: {  	_ =	swait.ge @!p0 [sflag:s28], $0x2800  }
0x1b: {  	[sflag:s28] =	ssyncset.done @!p0 $0x0  }
0x1c: {  	s30 =	simm.s32 @!p0 $0x4E80;
	[sflag:s28] =	ssyncadd.s32 @!p0 $0xFFFFD800  }
0x1d: {  	[spmem:s2] =	stream.indirect.scatter.add.f32 @!p0 [tilespmem:s29], [sflag:$0x5], $0x50, s30, s26, $0xb8;
	[tilespmem:$0x16250] =	vst v63  }
0x1e: {  	_ =	swait.ge @!p0 [sflag:s28], $0x2800  }
0x1f: {  	s25 =	sadd.s32 $0x1, s25;
	[sflag:s28] =	ssyncset.done @!p0 $0x0  }
0x20: {  	p1 =	sne.s32 s25, s12;
	[sflag:s28] =	ssyncadd.s32 @!p0 $0xFFFFD800  }
.Ltmp1:
0x21: {  	[bflag:$0x0] =	sbarrier.arrive $0xFFFF;
	(pc) =	sbr.rel @!p1 .LBB2_5-.Ltmp1, $4  }
0x22: {  	[hbm:s11], [sflag:s7] =	dma.local [spmem:s13], $0x186A  }
0x23: {  	_ =	swait.ge [sflag:s14], $0x186A  }
0x24: {  	[sflag:s14] =	ssyncset.done $0x0  }
0x25: {  	[sflag:s14] =	ssyncadd.s32 $0xFFFFE796  }
.LBB2_1:
0x26: {  	[spmem:s13], [sflag:s7] =	dma.local [hbm:s5], $0x186A  }
0x27: {  	_ =	swait.ge [sflag:s14], $0x186A  }
0x28: {  	[sflag:s14] =	ssyncset.done $0x0  }
0x29: {  	[sflag:s14] =	ssyncadd.s32 $0xFFFFE796  }
0x2a: {  	[tilespmem:s3], [sflag:$0x5] =	stream.linear.gather [hbm4b:s6+s3], $0x2700, $0x38;
	[tilespmem:$0x16250] =	vst v63  }
0x2b: {  	_ =	swait.ge [sflag:s14], $0x2700  }
0x2c: {  	[sflag:s14] =	ssyncset.done $0x0  }
0x2d: {  	[sflag:s14] =	ssyncadd.s32 $0xFFFFD900  }
0x2e: {  	[tilespmem:s15], [sflag:$0x5] =	stream.linear.gather [hbm4b:s8+s3], $0x2700, $0x38;
	[tilespmem:$0x16250] =	vst v63  }
0x2f: {  	_ =	swait.ge [sflag:s14], $0x2700  }
0x30: {  	[sflag:s14] =	ssyncset.done $0x0  }
0x31: {  	s26 =	simm.s32 @!p0 $0x0;
	s28 =	simm.s32 @!p0 $0x4E00;
	[sflag:s14] =	ssyncadd.s32 $0xFFFFD900  }
0x32: {  	[tilespmem:s28], [sflag:$0x5] =	stream.linear.gather @!p0 [hbm4b:s9+s26], $0x80, $0x38;
	[tilespmem:$0x16250] =	vst v63  }
0x33: {  	s28 =	simm.s32 @!p0 $0x5  }
0x34: {  	_ =	swait.ge @!p0 [sflag:s28], $0x80  }
0x35: {  	[sflag:s28] =	ssyncset.done @!p0 $0x0  }
0x36: {  	s29 =	simm.s32 @!p0 $0x4E80;
	[sflag:s28] =	ssyncadd.s32 @!p0 $0xFFFFFF80  }
0x37: {  	[tilespmem:s29], [sflag:$0x5] =	stream.linear.gather @!p0 [hbm4b:s10+s26], $0x80, $0x38;
	[tilespmem:$0x16250] =	vst v63  }
0x38: {  	_ =	swait.ge @!p0 [sflag:s28], $0x80  }
0x39: {  	[sflag:s28] =	ssyncset.done @!p0 $0x0  }
0x3a: {  	[sflag:s28] =	ssyncadd.s32 @!p0 $0xFFFFFF80  }
0x3b: {  	[tilespmem:s17], [sflag:$0x1] =	stream.indirect.gather [hbm4b:s4+s16], $0x50, s3, s16, $0xb8;
	[tilespmem:$0x16250] =	vst v63  }
0x3c: {  	[bflag:$0x0] =	sbarrier.arrive $0xFFFF  }
0x3d: {  	_ =	swait.ge [sflag:s18], $0x2800  }
0x3e: {  	[sflag:s18] =	ssyncset.done $0x0  }
0x3f: {  	[sflag:s18] =	ssyncadd.s32 $0xFFFFD800  }
0x40: {  	[tilespmem:s19], [sflag:$0x2] =	stream.indirect.gather [hbm4b:s4+s16], $0x50, s16, s16, $0xb8;
	[tilespmem:$0x16250] =	vst v63  }
0x41: {  	_ = 	snop  }
0x42: {  	[spmem:s2] =	stream.indirect.scatter.add.f32 [tilespmem:s17], [sflag:$0x3], $0x50, s15, s16, $0xb8;
	[tilespmem:$0x16250] =	vst v63  }
0x43: {  	_ =	swait.ge [sflag:s20], $0x2800  }
0x44: {  	[sflag:s20] =	ssyncset.done $0x0  }
0x45: {  	[sflag:s20] =	ssyncadd.s32 $0xFFFFD800  }
0x46: {  	_ =	swait.ge [sflag:s21], $0x2800  }
0x47: {  	[sflag:s21] =	ssyncset.done $0x0  }
0x48: {  	[sflag:s21] =	ssyncadd.s32 $0xFFFFD800  }
0x49: {  	[tilespmem:s17], [sflag:$0x1] =	stream.indirect.gather [hbm4b:s4+s16], $0x50, s22, s16, $0xb8;
	[tilespmem:$0x16250] =	vst v63  }
0x4a: {  	s26 =	simm.s32 $0xFFFF6C00  }
0x4b: {  	[spmem:s2] =	stream.indirect.scatter.add.f32 [tilespmem:s19], [sflag:$0x4], $0x50, s23, s16, $0xb8;
	[tilespmem:$0x16250] =	vst v63  }
.LBB2_2:
0x4c: {  	_ =	swait.ge [sflag:s18], $0x2800  }
0x4d: {  	[sflag:s18] =	ssyncset.done $0x0  }
0x4e: {  	[sflag:s18] =	ssyncadd.s32 $0xFFFFD800  }
0x4f: {  	_ =	swait.ge [sflag:s24], $0x2800  }
0x50: {  	s28 =	sshra.s32 s26, $0x2;
	[sflag:s24] =	ssyncset.done $0x0  }
0x51: {  	s29 =	sadd.s32 $0x2680, s28;
	[sflag:s24] =	ssyncadd.s32 $0xFFFFD800  }
0x52: {  	[tilespmem:s19], [sflag:$0x2] =	stream.indirect.gather [hbm4b:s4+s16], $0x50, s29, s16, $0xb8;
	[tilespmem:$0x16250] =	vst v63  }
0x53: {  	s29 =	sadd.s32 $0x4D00, s28  }
0x54: {  	[spmem:s2] =	stream.indirect.scatter.add.f32 [tilespmem:s17], [sflag:$0x3], $0x50, s29, s16, $0xb8;
	[tilespmem:$0x16250] =	vst v63  }
0x55: {  	p1 =	seq.s32 s26, $0x0;
	_ =	swait.ge [sflag:s20], $0x2800  }
.Ltmp2:
0x56: {  	[sflag:s20] =	ssyncset.done $0x0;
	(pc) =	sbr.rel @p1 .LBB2_4-.Ltmp2, $4  }
0x57: {  	[sflag:s20] =	ssyncadd.s32 $0xFFFFD800  }
0x58: {  	_ =	swait.ge [sflag:s21], $0x2800  }
0x59: {  	[sflag:s21] =	ssyncset.done $0x0  }
0x5a: {  	s29 =	sadd.s32 $0x4D80, s28;
	[sflag:s21] =	ssyncadd.s32 $0xFFFFD800  }
.Ltmp3:
0x5b: {  	(pc) =	sbr.rel .LBB2_2-.Ltmp3, $4  }
0x5c: {  	s28 =	sadd.s32 $0x2700, s28  }
0x5d: {  	[tilespmem:s17], [sflag:$0x1] =	stream.indirect.gather [hbm4b:s4+s16], $0x50, s28, s16, $0xb8;
	[tilespmem:$0x16250] =	vst v63  }
0x5e: {  	s26 =	sadd.s32 $0x400, s26  }
0x5f: {  	[spmem:s2] =	stream.indirect.scatter.add.f32 [tilespmem:s19], [sflag:$0x4], $0x50, s29, s16, $0xb8;
	[tilespmem:$0x16250] =	vst v63  }
.LBB2_5:
0x60: {  	_ =	sfence.sel $0x180000  }
0x61: {  	[bflag:$0x0] =	sbarrier.arrive $0xFFFF  }
0x62: {  	p0 =	sne.s32 s1, $0x0;
	_ =	strace $0x90000047  }
0x63: {  	s0 =	sadd.s32 @!p0 $0x100000, s0;
	[bflag:$0x2] =	sbarrier.arrive $0xFFFF  }
0x64: {  	[sflag:s0] =	ssyncadd.tile.s32 @!p0 $0x1;
	_ =	shalt  }
.Lfunc_end2:
_tile_overlayer_lowered:
.L_overlay_start_2:
0x65: {  	(tag) =	ssettag $0x2  }
0x66: {  	s0 =	rddreg [dreg:$0x0];
	s2 =	stileid.u32  }
0x67: {  	s1 =	rddreg [dreg:$0x1];
	p0 =	sne.s32 s2, $0x0  }
0x68: {  	s3 =	rddreg [dreg:$0x2];
	[bflag:$0x3] =	sbarrier.arrive $0xFFFF;
	s2 =	simm.s32 @!p0 $0x1C05  }
0x69: {  	[timem:s3], [sflag:s2] =	dma.local @!p0 [hbm:s0], s1  }
0x6a: {  	s0 =	simm.s32 @!p0 $0x5  }
0x6b: {  	_ =	swait.ge @!p0 [sflag:s0], s1  }
0x6c: {  	s1 =	ssub.s32 @!p0 $0x0, s1;
	[sflag:s0] =	ssyncset.done @!p0 $0x0  }
0x6d: {  	[sflag:s0] =	ssyncadd.s32 @!p0 s1  }
0x6e: {  	[bflag:$0x3] =	sbarrier.arrive $0xFFFF  }
0x6f: {  	_ =	shalt  }

// kernel: kernel.16.cloned.1.call-start
scs
__scs_entry_jumppad:
0x0: {  	(pc) =	sbr.rel $0x88, $3  }
0x1: {  	(tag) =	ssettag $0x0;
	lr =	simm.s32 $0x1  }
0x2: {  	[smem:$0x3F94] =	sst lr;
	_ =	strace $0xD0000000  }
0x3: {  	_ = 	snop  }
0x4: {  	_ = 	snop  }
0x5: {  	_ = 	snop  }
0x6: {  	_ = 	snop  }
0x7: {  	_ = 	snop  }
__scs_overlays_trampoline_lowered:
0x8: {  	[smem:$0x3FA3] =	sst s0  }
0x9: {  	[smem:$0x3FA4] =	sst s1  }
0xa: {  	[smem:$0x3FA5] =	sst s2  }
0xb: {  	[smem:$0x3FA6] =	sst s3  }
0xc: {  	[smem:$0x3FA7] =	sst s4  }
0xd: {  	[smem:$0x3FA8] =	sst s5  }
0xe: {  	[smem:$0x3FA9] =	sst s6  }
0xf: {  	[smem:$0x3FAA] =	sst s7  }
0x10: {  	[smem:$0x3FAB] =	sst s8  }
0x11: {  	[smem:$0x3FAC] =	sst s9;
	s0 =	simm.s32 @!p0 $0x0  }
0x12: {  	s1 =	sld [smem:$0x3F92];
	s0 =	simm.s32 @p0 $0x1  }
0x13: {  	[smem:$0x3FAD] =	sst s0;
	s0 =	simm.s32 @!p1 $0x0  }
0x14: {  	s2 =	sld [smem:$0x3F91];
	s0 =	simm.s32 @p1 $0x1  }
0x15: {  	[smem:$0x3FAE] =	sst s0;
	s0 =	simm.s32 @!p2 $0x0  }
0x16: {  	s3 =	sld [smem:$0x3FDB];
	s0 =	simm.s32 @p2 $0x1  }
0x17: {  	s4 =	simm.s32 $0x1BF5;
	[smem:$0x3FB0] =	sst s0  }
0x18: {  	s0 =	sld [smem:$0x3F93];
	_ =	swait.ge [sflag:s4], $0x0  }
0x19: {  	s7 =	sld [smem:$0x3F94]  }
0x1a: {  	s8 =	sadd.s32 $0xFFFFE003, lr  }
0x1b: {  	s9 =	sadd.s32 $0xFFFFFEF7, lr;
	s5 =	simm.s32 $0xFFFFFFFF;
	p2 =	slt.u32 s8, $0xFFFFF086  }
0x1c: {  	p1 =	slt.u32 s9, $0xF7A;
	s5 =	simm.s32 @!p2 $0x0  }
0x1d: {  	s5 =	simm.s32 @p1 $0x1;
	p0 =	seq.s32 s7, s2  }
0x1e: {  	s7 =	smul.u32 @!p0 $0xF7A, s2;
	p2 =	seq.s32 @!p0 s5, $0x0  }
0x1f: {  	s9 =	smul.u32 $0xF7A, s1;
	s8 =	simm.s32 @!p0 $0x1BF5;
	p2 =	por !p2, p0  }
0x20: {  	[sflag:s8] =	ssyncset.s32 @!p0 $0xFFFFF086;
	s6 =	sadd.s32 @!p0 s3, s7;
	s7 =	simm.s32 @!p0 $0x108  }
0x21: {  	s3 =	sadd.s32 s3, s9;
	s6 =	sadd.s32 @!p0 $0x88, s6;
	s7 =	simm.s32 @p2 $0x1082  }
0x22: {  	[simem:s7], [sflag:s8] =	dma.local @!p0 [hbm:s6], $0xF7A  }
0x23: {  	s9 =	sor.u32 $0xD0000000, s2;
	s6 =	simm.s32 $0x108;
	_ =	swait.ge @!p0 [sflag:s8], $0x0  }
0x24: {  	s3 =	sadd.s32 $0x88, s3;
	s6 =	simm.s32 @!p1 $0x1082;
	[sflag:s4] =	ssyncset.s32 $0xFFFFF086  }
0x25: {  	[simem:s6], [sflag:s4] =	dma.local [hbm:s3], $0xF7A  }
0x26: {  	[smem:$0x3F94] =	sst s1;
	(tag) =	ssettag s2;
	_ =	strace s9  }
0x27: {  	s1 =	sld [smem:$0x3FA4]  }
0x28: {  	s2 =	sld [smem:$0x3FA5]  }
0x29: {  	s4 =	sld [smem:$0x3FA7]  }
0x2a: {  	p0 =	seq.s32 s5, $0x0;
	s5 =	sld [smem:$0x3FA8]  }
0x2b: {  	s6 =	sld [smem:$0x3FA9]  }
0x2c: {  	s7 =	sld [smem:$0x3FAA]  }
0x2d: {  	s3 =	simm.s32 $0x108;
	s8 =	sld [smem:$0x3FAB]  }
0x2e: {  	s3 =	simm.s32 @!p0 $0x1082;
	s9 =	sld [smem:$0x3FAC]  }
0x2f: {  	lr =	sadd.s32 s0, s3;
	s0 =	sld [smem:$0x3FA3]  }
0x30: {  	s3 =	sld [smem:$0x3FA6]  }
0x31: {  	[smem:$0x3FAF] =	sst s10  }
0x32: {  	s10 =	sld [smem:$0x3FAD];
	_ =	sdelay $0x3  }
0x33: {  	p0 =	seq.s32 s10, $0x1;
	s10 =	sld [smem:$0x3FAF];
	_ =	sdelay $0x3  }
0x34: {  	[smem:$0x3FAF] =	sst s10  }
0x35: {  	s10 =	sld [smem:$0x3FAE];
	_ =	sdelay $0x3  }
0x36: {  	p1 =	seq.s32 s10, $0x1;
	s10 =	sld [smem:$0x3FAF];
	_ =	sdelay $0x3  }
0x37: {  	[smem:$0x3FAF] =	sst s10  }
0x38: {  	s10 =	sld [smem:$0x3FB0]  }
0x39: {  	_ = 	snop;
	(pc) =	sbr.ind lr, $3  }
0x3a: {  	_ = 	snop  }
0x3b: {  	_ = 	snop  }
0x3c: {  	p2 =	seq.s32 s10, $0x1;
	s10 =	sld [smem:$0x3FAF]  }
0x3d: {  	_ =	shalt  }
0x3e: {  	_ =	shalt  }
0x3f: {  	_ =	shalt  }
0x40: {  	_ =	shalt  }
0x41: {  	_ =	shalt  }
0x42: {  	_ =	shalt  }
0x43: {  	_ =	shalt  }
0x44: {  	_ =	shalt  }
0x45: {  	_ =	shalt  }
0x46: {  	_ =	shalt  }
0x47: {  	_ =	shalt  }
0x48: {  	_ =	shalt  }
0x49: {  	_ =	shalt  }
0x4a: {  	_ =	shalt  }
0x4b: {  	_ =	shalt  }
0x4c: {  	_ =	shalt  }
0x4d: {  	_ =	shalt  }
0x4e: {  	_ =	shalt  }
0x4f: {  	_ =	shalt  }
0x50: {  	_ =	shalt  }
0x51: {  	_ =	shalt  }
0x52: {  	_ =	shalt  }
0x53: {  	_ =	shalt  }
0x54: {  	_ =	shalt  }
0x55: {  	_ =	shalt  }
0x56: {  	_ =	shalt  }
0x57: {  	_ =	shalt  }
0x58: {  	_ =	shalt  }
0x59: {  	_ =	shalt  }
0x5a: {  	_ =	shalt  }
0x5b: {  	_ =	shalt  }
0x5c: {  	_ =	shalt  }
0x5d: {  	_ =	shalt  }
0x5e: {  	_ =	shalt  }
0x5f: {  	_ =	shalt  }
0x60: {  	_ =	shalt  }
0x61: {  	_ =	shalt  }
0x62: {  	_ =	shalt  }
0x63: {  	_ =	shalt  }
0x64: {  	_ =	shalt  }
0x65: {  	_ =	shalt  }
0x66: {  	_ =	shalt  }
0x67: {  	_ =	shalt  }
0x68: {  	_ =	shalt  }
0x69: {  	_ =	shalt  }
0x6a: {  	_ =	shalt  }
0x6b: {  	_ =	shalt  }
0x6c: {  	_ =	shalt  }
0x6d: {  	_ =	shalt  }
0x6e: {  	_ =	shalt  }
0x6f: {  	_ =	shalt  }
0x70: {  	_ =	shalt  }
0x71: {  	_ =	shalt  }
0x72: {  	_ =	shalt  }
0x73: {  	_ =	shalt  }
0x74: {  	_ =	shalt  }
0x75: {  	_ =	shalt  }
0x76: {  	_ =	shalt  }
0x77: {  	_ =	shalt  }
0x78: {  	_ =	shalt  }
0x79: {  	_ =	shalt  }
0x7a: {  	_ =	shalt  }
0x7b: {  	_ =	shalt  }
0x7c: {  	_ =	shalt  }
0x7d: {  	_ =	shalt  }
0x7e: {  	_ =	shalt  }
0x7f: {  	_ =	shalt  }
0x80: {  	_ =	shalt  }
0x81: {  	_ =	shalt  }
0x82: {  	_ =	shalt  }
0x83: {  	_ =	shalt  }
0x84: {  	_ =	shalt  }
0x85: {  	_ =	shalt  }
0x86: {  	_ =	shalt  }
0x87: {  	_ =	shalt  }
.Lfunc_end0:
.L_simem_size_0:
called_computation.2_lowered:
.L_overlay_start_0:
0x88: {  	s2 =	sld [smem:$0x3FD9]  }
0x89: {  	s3 =	sld [smem:$0x3FFE];
	_ =	sdelay $0x1  }
0x8a: {  	s1 =	srdreg.scid  }
0x8b: {  	s0 =	sand.u32 $0x1, s1  }
0x8c: {  	s16 =	sshll.u32 s0, $0xA;
	s2 =	sadd.s32 s3, s2  }
0x8d: {  	s2 =	sadd.s32 s2, s16  }
0x8e: {  	[smem:$0x3FBB] =	sst s2  }
0x8f: {  	_ = 	snop  }
0x90: {  	(tm) =	ssettm $0x1  }
0x91: {  	s17 =	sld [smem:$0x3FFB];
	_ =	sdelay $0x3  }
0x92: {  	_ =	strace s17  }
0x93: {  	s2 =	sld [smem:$0x3FFC];
	_ =	sdelay $0x3  }
0x94: {  	_ =	strace s2  }
0x95: {  	s2 =	sld [smem:$0x3FFD];
	_ =	sdelay $0x3  }
0x96: {  	_ =	strace s2  }
0x97: {  	_ =	strace $0x8FFFFFFF  }
0x98: {  	s18 =	sld [smem:$0x3FDB];
	_ =	sdelay $0x1  }
0x99: {  	s19 =	simm.s32 $_scs_section_size  }
0x9a: {  	s4 =	simm.s32 $_size__tile_overlayer_lowered;
	s5 =	simm.s32 $_tile_overlayer_lowered  }
0x9b: {  	s22 =	simm.s32 $0x1BFF;
	s21 =	sshll.u32 s5, $0x1;
	s2 =	sadd.s32 s19, s18  }
0x9c: {  	s6 =	simm.s32 $0x0;
	s20 =	sshll.u32 s4, $0x1;
	s4 =	sadd.s32 s21, s2  }
0x9d: {  	[timem:s6], [sflag:s22] =	dma.local [hbm:s4], s20  }
0x9e: {  	_ =	swait.ge [sflag:s22], s20  }
0x9f: {  	s3 =	ssub.s32 $0x0, s20;
	[sflag:s22] =	ssyncset.done $0x0  }
0xa0: {  	[sflag:s22] =	ssyncadd.s32 s3;
	_ =	sdelay $0x1  }
0xa1: {  	s23 =	simm.s32 $0x1B8B  }
0xa2: {  	_ =	swait.ge [sflag:s23], $0x1  }
0xa3: {  	[sflag:s23] =	ssyncset.done $0x0  }
0xa4: {  	s25 =	simm.s32 $0x1B8E;
	s24 =	sld [smem:$0x3FFE];
	[sflag:s23] =	ssyncadd.s32 $0xFFFFFFFF  }
0xa5: {  	s26 =	simm.s32 $execute0_lowered;
	[smem:$0x3FD2] =	sst s25  }
0xa6: {  	s4 =	sshll.u32 s26, $0x1;
	_ =	strace $0x8000004C;
	[dreg:$0x1] =	wrdreg $0xFFFFFFFF  }
0xa7: {  	s28 =	simm.s32 $_size_execute0_lowered;
	s2 =	sadd.s32 s2, s4;
	[dreg:$0x0] =	wrdreg $0x0  }
0xa8: {  	s4 =	sshll.u32 s28, $0x1;
	[dreg:$0x2] =	wrdreg s2  }
0xa9: {  	[dreg:$0x3] =	wrdreg s4  }
0xaa: {  	[dreg:$0x4] =	wrdreg $0xC0  }
0xab: {  	_ =	task [dreg:s6], $0x5FFFF  }
0xac: {  	[dreg:$0x1] =	wrdreg $0xFFFFFFFF  }
0xad: {  	[dreg:$0x0] =	wrdreg $0x60  }
0xae: {  	[dreg:$0x2] =	wrdreg s24  }
0xaf: {  	[dreg:$0x3] =	wrdreg $0x5F000  }
0xb0: {  	[dreg:$0x4] =	wrdreg $0x9  }
0xb1: {  	_ =	task.clear_ibuf [dreg:s6], $0x5FFFF;
	_ =	strace $0x9000004C  }
0xb2: {  	s29 =	simm.s32 $0x9;
	_ =	strace $0x8000004E  }
0xb3: {  	_ =	swait.ge [sflag:s29], $0x1  }
0xb4: {  	[sflag:s29] =	ssyncadd.s32 $0xFFFFFFFF  }
0xb5: {  	_ =	strace $0x9000004E  }
0xb6: {  	_ =	sfence  }
0xb7: {  	s30 =	sld [smem:$0x0];
	_ =	sdelay $0x2  }
0xb8: {  	s31 =	sshll.u32 s1, $0xD;
	s1 =	sshrl.u32 s1, $0x2  }
0xb9: {  	s3 =	sand.u32 $0x4000, s31;
	s1 =	sadd.s32 s1, s30  }
0xba: {  	s0 =	sor.u32 s3, s0;
	s1 =	sshll.u32 s1, $0x11  }
0xbb: {  	s0 =	sor.u32 s1, s0  }
0xbc: {  	s0 =	sadd.s32 $0x8F2B, s0  }
0xbd: {  	[sflag:s0] =	ssyncadd.remote.s32 $0x1  }
0xbe: {  	_ =	sfence.sel $0xFFFF  }
0xbf: {  	[dreg:$0x0] =	wrdreg $0xFFFFFFFF;
	(pc) =	sbr.abs _section_cstart, $3  }
0xc0: {  	[dreg:$0x1] =	wrdreg $0xFFFFFFFF  }
0xc1: {  	_ =	task.clear_ibuf [dreg:s6], $0x2FFFF;
	_ =	strace $0x9FFFFFFF  }
0xc2: {  	(tm) =	ssettm $0x7FFFFFFF  }
0xc3: {  	_ =	shalt  }
tec
execute0_lowered:
.L_overlay_start_1:
0x0: {  	(tag) =	ssettag $0x1  }
0x1: {  	s5 =	rddreg [dreg:$0x0]  }
0x2: {  	s2 =	rddreg [dreg:$0x1]  }
0x3: {  	s0 =	rddreg [dreg:$0x2];
	s3 =	simm.s32 $0x0  }
0x4: {  	s1 =	stileid.u32;
	s4 =	srdreg.scid;
	s17 =	simm.s32 $0x4F00  }
0x5: {  	s18 =	simm.s32 $0x1;
	s19 =	simm.s32 $0x5700;
	s20 =	simm.s32 $0x2  }
0x6: {  	s21 =	simm.s32 $0x3;
	s22 =	simm.s32 $0x100;
	s23 =	simm.s32 $0x2780  }
0x7: {  	s24 =	simm.s32 $0x4;
	s25 =	simm.s32 $0x0;
	[smem:$0x7FF] =	sst s3  }
0x8: {  	s6 =	smul.u32 $0x2710, s1;
	s7 =	sand.u32 $0x1, s4;
	s4 =	sadd.s32 $0x65E00, s5  }
0x9: {  	s9 =	sadd.s32 $0x4000, s5;
	s30 =	sshll.u32 s1, $0x6;
	s31 =	sshll.u32 s1, $0x4  }
0xa: {  	_ =	strace $0x8000004D;
	s8 =	smul.u32 $0x27100, s7;
	s11 =	sshll.u32 s7, $0x4  }
0xb: {  	s7 =	ssub.s32 $0x2, s7;
	s10 =	sshrl.u32 s6, $0x3;
	s13 =	sor.u32 s1, s11  }
0xc: {  	s28 =	sshrl.u32 s7, $0x1;
	s16 =	sadd.s32 s6, s2;
	s8 =	sadd.s32 s6, s8  }
0xd: {  	s12 =	smul.u32 $0x2700, s13;
	s10 =	sadd.s32 s10, s5;
	s15 =	ssub.s32 s7, s28  }
0xe: {  	s7 =	sor.u32 $0x1C05, s30;
	p0 =	sgt.u32 s13, $0x3;
	s13 =	sshrl.u32 s16, $0x3  }
.Ltmp0:
0xf: {  	s16 =	simm.s32 $0x80;
	s8 =	sshrl.u32 s8, $0x3;
	(pc) =	sbr.rel .LBB2_1-.Ltmp0, $4  }
0x10: {  	s14 =	sadd.s32 s8, s5;
	s5 =	sadd.s32 $0x6AE00, s10;
	s29 =	sshrl.u32 s12, $0x3  }
0x11: {  	s10 =	sadd.s32 s31, s9;
	s12 =	smax.u32 s15, $0x1;
	s15 =	simm.s32 $0x2700  }
0x12: {  	s6 =	sadd.s32 s9, s29;
	s9 =	sadd.s32 $0x9C00, s10;
	s10 =	sadd.s32 $0x13840, s10  }
0x13: {  	s11 =	sadd.s32 $0x6FE00, s14;
	s14 =	simm.s32 $0x5;
	s8 =	sadd.s32 $0x9C40, s6  }
.LBB2_4:
0x14: {  	[spmem:s2] =	stream.indirect.scatter.add.f32 [tilespmem:s19], [sflag:$0x4], $0x10, s29, s16, $0xb8;
	[tilespmem:$0x8610] =	vst v63  }
0x15: {  	_ =	swait.ge [sflag:s24], $0x800  }
0x16: {  	s26 =	simm.s32 @!p0 $0x80;
	[sflag:s24] =	ssyncset.done $0x0  }
0x17: {  	s28 =	simm.s32 @!p0 $0x4E00;
	s29 =	simm.s32 @!p0 $0x4F00;
	[sflag:s24] =	ssyncadd.s32 $0xFFFFF800  }
0x18: {  	[tilespmem:s29], [sflag:$0x5] =	stream.indirect.gather @!p0 [hbm4b:s4+s26], $0x10, s28, s26, $0xb8;
	[tilespmem:$0x8610] =	vst v63  }
0x19: {  	s28 =	simm.s32 @!p0 $0x5  }
0x1a: {  	_ =	swait.ge @!p0 [sflag:s28], $0x800  }
0x1b: {  	[sflag:s28] =	ssyncset.done @!p0 $0x0  }
0x1c: {  	s30 =	simm.s32 @!p0 $0x4E80;
	[sflag:s28] =	ssyncadd.s32 @!p0 $0xFFFFF800  }
0x1d: {  	[spmem:s2] =	stream.indirect.scatter.add.f32 @!p0 [tilespmem:s29], [sflag:$0x5], $0x10, s30, s26, $0xb8;
	[tilespmem:$0x8610] =	vst v63  }
0x1e: {  	_ =	swait.ge @!p0 [sflag:s28], $0x800  }
0x1f: {  	s25 =	sadd.s32 $0x1, s25;
	[sflag:s28] =	ssyncset.done @!p0 $0x0  }
0x20: {  	p1 =	sne.s32 s25, s12;
	[sflag:s28] =	ssyncadd.s32 @!p0 $0xFFFFF800  }
.Ltmp1:
0x21: {  	[bflag:$0x0] =	sbarrier.arrive $0xFFFF;
	(pc) =	sbr.rel @!p1 .LBB2_5-.Ltmp1, $4  }
0x22: {  	[hbm:s11], [sflag:s7] =	dma.local [spmem:s13], $0x4E2  }
0x23: {  	_ =	swait.ge [sflag:s14], $0x4E2  }
0x24: {  	[sflag:s14] =	ssyncset.done $0x0  }
0x25: {  	[sflag:s14] =	ssyncadd.s32 $0xFFFFFB1E  }
.LBB2_1:
0x26: {  	[spmem:s13], [sflag:s7] =	dma.local [hbm:s5], $0x4E2  }
0x27: {  	_ =	swait.ge [sflag:s14], $0x4E2  }
0x28: {  	[sflag:s14] =	ssyncset.done $0x0  }
0x29: {  	[sflag:s14] =	ssyncadd.s32 $0xFFFFFB1E  }
0x2a: {  	[tilespmem:s3], [sflag:$0x5] =	stream.linear.gather [hbm4b:s6+s3], $0x2700, $0x38;
	[tilespmem:$0x8610] =	vst v63  }
0x2b: {  	_ =	swait.ge [sflag:s14], $0x2700  }
0x2c: {  	[sflag:s14] =	ssyncset.done $0x0  }
0x2d: {  	[sflag:s14] =	ssyncadd.s32 $0xFFFFD900  }
0x2e: {  	[tilespmem:s15], [sflag:$0x5] =	stream.linear.gather [hbm4b:s8+s3], $0x2700, $0x38;
	[tilespmem:$0x8610] =	vst v63  }
0x2f: {  	_ =	swait.ge [sflag:s14], $0x2700  }
0x30: {  	[sflag:s14] =	ssyncset.done $0x0  }
0x31: {  	s26 =	simm.s32 @!p0 $0x0;
	s28 =	simm.s32 @!p0 $0x4E00;
	[sflag:s14] =	ssyncadd.s32 $0xFFFFD900  }
0x32: {  	[tilespmem:s28], [sflag:$0x5] =	stream.linear.gather @!p0 [hbm4b:s9+s26], $0x80, $0x38;
	[tilespmem:$0x8610] =	vst v63  }
0x33: {  	s28 =	simm.s32 @!p0 $0x5  }
0x34: {  	_ =	swait.ge @!p0 [sflag:s28], $0x80  }
0x35: {  	[sflag:s28] =	ssyncset.done @!p0 $0x0  }
0x36: {  	s29 =	simm.s32 @!p0 $0x4E80;
	[sflag:s28] =	ssyncadd.s32 @!p0 $0xFFFFFF80  }
0x37: {  	[tilespmem:s29], [sflag:$0x5] =	stream.linear.gather @!p0 [hbm4b:s10+s26], $0x80, $0x38;
	[tilespmem:$0x8610] =	vst v63  }
0x38: {  	_ =	swait.ge @!p0 [sflag:s28], $0x80  }
0x39: {  	[sflag:s28] =	ssyncset.done @!p0 $0x0  }
0x3a: {  	[sflag:s28] =	ssyncadd.s32 @!p0 $0xFFFFFF80  }
0x3b: {  	[tilespmem:s17], [sflag:$0x1] =	stream.indirect.gather [hbm4b:s4+s16], $0x10, s3, s16, $0xb8;
	[tilespmem:$0x8610] =	vst v63  }
0x3c: {  	[bflag:$0x0] =	sbarrier.arrive $0xFFFF  }
0x3d: {  	_ =	swait.ge [sflag:s18], $0x800  }
0x3e: {  	[sflag:s18] =	ssyncset.done $0x0  }
0x3f: {  	[sflag:s18] =	ssyncadd.s32 $0xFFFFF800  }
0x40: {  	[tilespmem:s19], [sflag:$0x2] =	stream.indirect.gather [hbm4b:s4+s16], $0x10, s16, s16, $0xb8;
	[tilespmem:$0x8610] =	vst v63  }
0x41: {  	_ = 	snop  }
0x42: {  	[spmem:s2] =	stream.indirect.scatter.add.f32 [tilespmem:s17], [sflag:$0x3], $0x10, s15, s16, $0xb8;
	[tilespmem:$0x8610] =	vst v63  }
0x43: {  	_ =	swait.ge [sflag:s20], $0x800  }
0x44: {  	[sflag:s20] =	ssyncset.done $0x0  }
0x45: {  	[sflag:s20] =	ssyncadd.s32 $0xFFFFF800  }
0x46: {  	_ =	swait.ge [sflag:s21], $0x800  }
0x47: {  	[sflag:s21] =	ssyncset.done $0x0  }
0x48: {  	[sflag:s21] =	ssyncadd.s32 $0xFFFFF800  }
0x49: {  	[tilespmem:s17], [sflag:$0x1] =	stream.indirect.gather [hbm4b:s4+s16], $0x10, s22, s16, $0xb8;
	[tilespmem:$0x8610] =	vst v63  }
0x4a: {  	s26 =	simm.s32 $0xFFFF6C00  }
0x4b: {  	[spmem:s2] =	stream.indirect.scatter.add.f32 [tilespmem:s19], [sflag:$0x4], $0x10, s23, s16, $0xb8;
	[tilespmem:$0x8610] =	vst v63  }
.LBB2_2:
0x4c: {  	_ =	swait.ge [sflag:s18], $0x800  }
0x4d: {  	[sflag:s18] =	ssyncset.done $0x0  }
0x4e: {  	[sflag:s18] =	ssyncadd.s32 $0xFFFFF800  }
0x4f: {  	_ =	swait.ge [sflag:s24], $0x800  }
0x50: {  	s28 =	sshra.s32 s26, $0x2;
	[sflag:s24] =	ssyncset.done $0x0  }
0x51: {  	s29 =	sadd.s32 $0x2680, s28;
	[sflag:s24] =	ssyncadd.s32 $0xFFFFF800  }
0x52: {  	[tilespmem:s19], [sflag:$0x2] =	stream.indirect.gather [hbm4b:s4+s16], $0x10, s29, s16, $0xb8;
	[tilespmem:$0x8610] =	vst v63  }
0x53: {  	s29 =	sadd.s32 $0x4D00, s28  }
0x54: {  	[spmem:s2] =	stream.indirect.scatter.add.f32 [tilespmem:s17], [sflag:$0x3], $0x10, s29, s16, $0xb8;
	[tilespmem:$0x8610] =	vst v63  }
0x55: {  	p1 =	seq.s32 s26, $0x0;
	_ =	swait.ge [sflag:s20], $0x800  }
.Ltmp2:
0x56: {  	[sflag:s20] =	ssyncset.done $0x0;
	(pc) =	sbr.rel @p1 .LBB2_4-.Ltmp2, $4  }
0x57: {  	[sflag:s20] =	ssyncadd.s32 $0xFFFFF800  }
0x58: {  	_ =	swait.ge [sflag:s21], $0x800  }
0x59: {  	[sflag:s21] =	ssyncset.done $0x0  }
0x5a: {  	s29 =	sadd.s32 $0x4D80, s28;
	[sflag:s21] =	ssyncadd.s32 $0xFFFFF800  }
.Ltmp3:
0x5b: {  	(pc) =	sbr.rel .LBB2_2-.Ltmp3, $4  }
0x5c: {  	s28 =	sadd.s32 $0x2700, s28  }
0x5d: {  	[tilespmem:s17], [sflag:$0x1] =	stream.indirect.gather [hbm4b:s4+s16], $0x10, s28, s16, $0xb8;
	[tilespmem:$0x8610] =	vst v63  }
0x5e: {  	s26 =	sadd.s32 $0x400, s26  }
0x5f: {  	[spmem:s2] =	stream.indirect.scatter.add.f32 [tilespmem:s19], [sflag:$0x4], $0x10, s29, s16, $0xb8;
	[tilespmem:$0x8610] =	vst v63  }
.LBB2_5:
0x60: {  	_ =	sfence.sel $0x180000  }
0x61: {  	[bflag:$0x0] =	sbarrier.arrive $0xFFFF  }
0x62: {  	p0 =	sne.s32 s1, $0x0;
	_ =	strace $0x9000004D  }
0x63: {  	s0 =	sadd.s32 @!p0 $0x100000, s0;
	[bflag:$0x2] =	sbarrier.arrive $0xFFFF  }
0x64: {  	[sflag:s0] =	ssyncadd.tile.s32 @!p0 $0x1;
	_ =	shalt  }
.Lfunc_end2:
_tile_overlayer_lowered:
.L_overlay_start_2:
0x65: {  	(tag) =	ssettag $0x2  }
0x66: {  	s0 =	rddreg [dreg:$0x0];
	s2 =	stileid.u32  }
0x67: {  	s1 =	rddreg [dreg:$0x1];
	p0 =	sne.s32 s2, $0x0  }
0x68: {  	s3 =	rddreg [dreg:$0x2];
	[bflag:$0x3] =	sbarrier.arrive $0xFFFF;
	s2 =	simm.s32 @!p0 $0x1C05  }
0x69: {  	[timem:s3], [sflag:s2] =	dma.local @!p0 [hbm:s0], s1  }
0x6a: {  	s0 =	simm.s32 @!p0 $0x5  }
0x6b: {  	_ =	swait.ge @!p0 [sflag:s0], s1  }
0x6c: {  	s1 =	ssub.s32 @!p0 $0x0, s1;
	[sflag:s0] =	ssyncset.done @!p0 $0x0  }
0x6d: {  	[sflag:s0] =	ssyncadd.s32 @!p0 s1  }
0x6e: {  	[bflag:$0x3] =	sbarrier.arrive $0xFFFF  }
0x6f: {  	_ =	shalt  }

// kernel: kernel.19.cloned.1.call-start
scs
__scs_entry_jumppad:
0x0: {  	(pc) =	sbr.rel $0x88, $3  }
0x1: {  	(tag) =	ssettag $0x0;
	lr =	simm.s32 $0x1  }
0x2: {  	[smem:$0x3F94] =	sst lr;
	_ =	strace $0xD0000000  }
0x3: {  	_ = 	snop  }
0x4: {  	_ = 	snop  }
0x5: {  	_ = 	snop  }
0x6: {  	_ = 	snop  }
0x7: {  	_ = 	snop  }
__scs_overlays_trampoline_lowered:
0x8: {  	[smem:$0x3FA3] =	sst s0  }
0x9: {  	[smem:$0x3FA4] =	sst s1  }
0xa: {  	[smem:$0x3FA5] =	sst s2  }
0xb: {  	[smem:$0x3FA6] =	sst s3  }
0xc: {  	[smem:$0x3FA7] =	sst s4  }
0xd: {  	[smem:$0x3FA8] =	sst s5  }
0xe: {  	[smem:$0x3FA9] =	sst s6  }
0xf: {  	[smem:$0x3FAA] =	sst s7  }
0x10: {  	[smem:$0x3FAB] =	sst s8  }
0x11: {  	[smem:$0x3FAC] =	sst s9;
	s0 =	simm.s32 @!p0 $0x0  }
0x12: {  	s1 =	sld [smem:$0x3F92];
	s0 =	simm.s32 @p0 $0x1  }
0x13: {  	[smem:$0x3FAD] =	sst s0;
	s0 =	simm.s32 @!p1 $0x0  }
0x14: {  	s2 =	sld [smem:$0x3F91];
	s0 =	simm.s32 @p1 $0x1  }
0x15: {  	[smem:$0x3FAE] =	sst s0;
	s0 =	simm.s32 @!p2 $0x0  }
0x16: {  	s3 =	sld [smem:$0x3FDB];
	s0 =	simm.s32 @p2 $0x1  }
0x17: {  	s4 =	simm.s32 $0x1BF5;
	[smem:$0x3FB0] =	sst s0  }
0x18: {  	s0 =	sld [smem:$0x3F93];
	_ =	swait.ge [sflag:s4], $0x0  }
0x19: {  	s7 =	sld [smem:$0x3F94]  }
0x1a: {  	s8 =	sadd.s32 $0xFFFFE003, lr  }
0x1b: {  	s9 =	sadd.s32 $0xFFFFFEF7, lr;
	s5 =	simm.s32 $0xFFFFFFFF;
	p2 =	slt.u32 s8, $0xFFFFF086  }
0x1c: {  	p1 =	slt.u32 s9, $0xF7A;
	s5 =	simm.s32 @!p2 $0x0  }
0x1d: {  	s5 =	simm.s32 @p1 $0x1;
	p0 =	seq.s32 s7, s2  }
0x1e: {  	s7 =	smul.u32 @!p0 $0xF7A, s2;
	p2 =	seq.s32 @!p0 s5, $0x0  }
0x1f: {  	s9 =	smul.u32 $0xF7A, s1;
	s8 =	simm.s32 @!p0 $0x1BF5;
	p2 =	por !p2, p0  }
0x20: {  	[sflag:s8] =	ssyncset.s32 @!p0 $0xFFFFF086;
	s6 =	sadd.s32 @!p0 s3, s7;
	s7 =	simm.s32 @!p0 $0x108  }
0x21: {  	s3 =	sadd.s32 s3, s9;
	s6 =	sadd.s32 @!p0 $0x88, s6;
	s7 =	simm.s32 @p2 $0x1082  }
0x22: {  	[simem:s7], [sflag:s8] =	dma.local @!p0 [hbm:s6], $0xF7A  }
0x23: {  	s9 =	sor.u32 $0xD0000000, s2;
	s6 =	simm.s32 $0x108;
	_ =	swait.ge @!p0 [sflag:s8], $0x0  }
0x24: {  	s3 =	sadd.s32 $0x88, s3;
	s6 =	simm.s32 @!p1 $0x1082;
	[sflag:s4] =	ssyncset.s32 $0xFFFFF086  }
0x25: {  	[simem:s6], [sflag:s4] =	dma.local [hbm:s3], $0xF7A  }
0x26: {  	[smem:$0x3F94] =	sst s1;
	(tag) =	ssettag s2;
	_ =	strace s9  }
0x27: {  	s1 =	sld [smem:$0x3FA4]  }
0x28: {  	s2 =	sld [smem:$0x3FA5]  }
0x29: {  	s4 =	sld [smem:$0x3FA7]  }
0x2a: {  	p0 =	seq.s32 s5, $0x0;
	s5 =	sld [smem:$0x3FA8]  }
0x2b: {  	s6 =	sld [smem:$0x3FA9]  }
0x2c: {  	s7 =	sld [smem:$0x3FAA]  }
0x2d: {  	s3 =	simm.s32 $0x108;
	s8 =	sld [smem:$0x3FAB]  }
0x2e: {  	s3 =	simm.s32 @!p0 $0x1082;
	s9 =	sld [smem:$0x3FAC]  }
0x2f: {  	lr =	sadd.s32 s0, s3;
	s0 =	sld [smem:$0x3FA3]  }
0x30: {  	s3 =	sld [smem:$0x3FA6]  }
0x31: {  	[smem:$0x3FAF] =	sst s10  }
0x32: {  	s10 =	sld [smem:$0x3FAD];
	_ =	sdelay $0x3  }
0x33: {  	p0 =	seq.s32 s10, $0x1;
	s10 =	sld [smem:$0x3FAF];
	_ =	sdelay $0x3  }
0x34: {  	[smem:$0x3FAF] =	sst s10  }
0x35: {  	s10 =	sld [smem:$0x3FAE];
	_ =	sdelay $0x3  }
0x36: {  	p1 =	seq.s32 s10, $0x1;
	s10 =	sld [smem:$0x3FAF];
	_ =	sdelay $0x3  }
0x37: {  	[smem:$0x3FAF] =	sst s10  }
0x38: {  	s10 =	sld [smem:$0x3FB0]  }
0x39: {  	_ = 	snop;
	(pc) =	sbr.ind lr, $3  }
0x3a: {  	_ = 	snop  }
0x3b: {  	_ = 	snop  }
0x3c: {  	p2 =	seq.s32 s10, $0x1;
	s10 =	sld [smem:$0x3FAF]  }
0x3d: {  	_ =	shalt  }
0x3e: {  	_ =	shalt  }
0x3f: {  	_ =	shalt  }
0x40: {  	_ =	shalt  }
0x41: {  	_ =	shalt  }
0x42: {  	_ =	shalt  }
0x43: {  	_ =	shalt  }
0x44: {  	_ =	shalt  }
0x45: {  	_ =	shalt  }
0x46: {  	_ =	shalt  }
0x47: {  	_ =	shalt  }
0x48: {  	_ =	shalt  }
0x49: {  	_ =	shalt  }
0x4a: {  	_ =	shalt  }
0x4b: {  	_ =	shalt  }
0x4c: {  	_ =	shalt  }
0x4d: {  	_ =	shalt  }
0x4e: {  	_ =	shalt  }
0x4f: {  	_ =	shalt  }
0x50: {  	_ =	shalt  }
0x51: {  	_ =	shalt  }
0x52: {  	_ =	shalt  }
0x53: {  	_ =	shalt  }
0x54: {  	_ =	shalt  }
0x55: {  	_ =	shalt  }
0x56: {  	_ =	shalt  }
0x57: {  	_ =	shalt  }
0x58: {  	_ =	shalt  }
0x59: {  	_ =	shalt  }
0x5a: {  	_ =	shalt  }
0x5b: {  	_ =	shalt  }
0x5c: {  	_ =	shalt  }
0x5d: {  	_ =	shalt  }
0x5e: {  	_ =	shalt  }
0x5f: {  	_ =	shalt  }
0x60: {  	_ =	shalt  }
0x61: {  	_ =	shalt  }
0x62: {  	_ =	shalt  }
0x63: {  	_ =	shalt  }
0x64: {  	_ =	shalt  }
0x65: {  	_ =	shalt  }
0x66: {  	_ =	shalt  }
0x67: {  	_ =	shalt  }
0x68: {  	_ =	shalt  }
0x69: {  	_ =	shalt  }
0x6a: {  	_ =	shalt  }
0x6b: {  	_ =	shalt  }
0x6c: {  	_ =	shalt  }
0x6d: {  	_ =	shalt  }
0x6e: {  	_ =	shalt  }
0x6f: {  	_ =	shalt  }
0x70: {  	_ =	shalt  }
0x71: {  	_ =	shalt  }
0x72: {  	_ =	shalt  }
0x73: {  	_ =	shalt  }
0x74: {  	_ =	shalt  }
0x75: {  	_ =	shalt  }
0x76: {  	_ =	shalt  }
0x77: {  	_ =	shalt  }
0x78: {  	_ =	shalt  }
0x79: {  	_ =	shalt  }
0x7a: {  	_ =	shalt  }
0x7b: {  	_ =	shalt  }
0x7c: {  	_ =	shalt  }
0x7d: {  	_ =	shalt  }
0x7e: {  	_ =	shalt  }
0x7f: {  	_ =	shalt  }
0x80: {  	_ =	shalt  }
0x81: {  	_ =	shalt  }
0x82: {  	_ =	shalt  }
0x83: {  	_ =	shalt  }
0x84: {  	_ =	shalt  }
0x85: {  	_ =	shalt  }
0x86: {  	_ =	shalt  }
0x87: {  	_ =	shalt  }
.Lfunc_end0:
.L_simem_size_0:
called_computation.3_lowered:
.L_overlay_start_0:
0x88: {  	s2 =	sld [smem:$0x3FD9]  }
0x89: {  	s3 =	sld [smem:$0x3FFE];
	_ =	sdelay $0x1  }
0x8a: {  	s1 =	srdreg.scid  }
0x8b: {  	s0 =	sand.u32 $0x1, s1  }
0x8c: {  	s16 =	sshll.u32 s0, $0xA;
	s2 =	sadd.s32 s3, s2  }
0x8d: {  	s2 =	sadd.s32 s2, s16  }
0x8e: {  	[smem:$0x3FBB] =	sst s2  }
0x8f: {  	_ = 	snop  }
0x90: {  	(tm) =	ssettm $0x1  }
0x91: {  	s17 =	sld [smem:$0x3FFB];
	_ =	sdelay $0x3  }
0x92: {  	_ =	strace s17  }
0x93: {  	s2 =	sld [smem:$0x3FFC];
	_ =	sdelay $0x3  }
0x94: {  	_ =	strace s2  }
0x95: {  	s2 =	sld [smem:$0x3FFD];
	_ =	sdelay $0x3  }
0x96: {  	_ =	strace s2  }
0x97: {  	_ =	strace $0x8FFFFFFF  }
0x98: {  	s18 =	sld [smem:$0x3FDB];
	_ =	sdelay $0x1  }
0x99: {  	s19 =	simm.s32 $_scs_section_size  }
0x9a: {  	s4 =	simm.s32 $_size__tile_overlayer_lowered;
	s5 =	simm.s32 $_tile_overlayer_lowered  }
0x9b: {  	s22 =	simm.s32 $0x1BFF;
	s21 =	sshll.u32 s5, $0x1;
	s2 =	sadd.s32 s19, s18  }
0x9c: {  	s6 =	simm.s32 $0x0;
	s20 =	sshll.u32 s4, $0x1;
	s4 =	sadd.s32 s21, s2  }
0x9d: {  	[timem:s6], [sflag:s22] =	dma.local [hbm:s4], s20  }
0x9e: {  	_ =	swait.ge [sflag:s22], s20  }
0x9f: {  	s3 =	ssub.s32 $0x0, s20;
	[sflag:s22] =	ssyncset.done $0x0  }
0xa0: {  	[sflag:s22] =	ssyncadd.s32 s3;
	_ =	sdelay $0x1  }
0xa1: {  	s23 =	simm.s32 $0x1B8B  }
0xa2: {  	_ =	swait.ge [sflag:s23], $0x1  }
0xa3: {  	[sflag:s23] =	ssyncset.done $0x0  }
0xa4: {  	s25 =	simm.s32 $0x1B8E;
	s24 =	sld [smem:$0x3FFE];
	[sflag:s23] =	ssyncadd.s32 $0xFFFFFFFF  }
0xa5: {  	s26 =	simm.s32 $execute0_lowered;
	[smem:$0x3FD2] =	sst s25  }
0xa6: {  	s4 =	sshll.u32 s26, $0x1;
	_ =	strace $0x8000004F;
	[dreg:$0x1] =	wrdreg $0xFFFFFFFF  }
0xa7: {  	s28 =	simm.s32 $_size_execute0_lowered;
	s2 =	sadd.s32 s2, s4;
	[dreg:$0x0] =	wrdreg $0x0  }
0xa8: {  	s4 =	sshll.u32 s28, $0x1;
	[dreg:$0x2] =	wrdreg s2  }
0xa9: {  	[dreg:$0x3] =	wrdreg s4  }
0xaa: {  	[dreg:$0x4] =	wrdreg $0xC0  }
0xab: {  	_ =	task [dreg:s6], $0x5FFFF  }
0xac: {  	[dreg:$0x1] =	wrdreg $0xFFFFFFFF  }
0xad: {  	[dreg:$0x0] =	wrdreg $0x60  }
0xae: {  	[dreg:$0x2] =	wrdreg s24  }
0xaf: {  	[dreg:$0x3] =	wrdreg $0x5F000  }
0xb0: {  	[dreg:$0x4] =	wrdreg $0x9  }
0xb1: {  	_ =	task.clear_ibuf [dreg:s6], $0x5FFFF;
	_ =	strace $0x9000004F  }
0xb2: {  	s29 =	simm.s32 $0x9;
	_ =	strace $0x80000051  }
0xb3: {  	_ =	swait.ge [sflag:s29], $0x1  }
0xb4: {  	[sflag:s29] =	ssyncadd.s32 $0xFFFFFFFF  }
0xb5: {  	_ =	strace $0x90000051  }
0xb6: {  	_ =	sfence  }
0xb7: {  	s30 =	sld [smem:$0x0];
	_ =	sdelay $0x2  }
0xb8: {  	s31 =	sshll.u32 s1, $0xD;
	s1 =	sshrl.u32 s1, $0x2  }
0xb9: {  	s3 =	sand.u32 $0x4000, s31;
	s1 =	sadd.s32 s1, s30  }
0xba: {  	s0 =	sor.u32 s3, s0;
	s1 =	sshll.u32 s1, $0x11  }
0xbb: {  	s0 =	sor.u32 s1, s0  }
0xbc: {  	s0 =	sadd.s32 $0x8F2B, s0  }
0xbd: {  	[sflag:s0] =	ssyncadd.remote.s32 $0x1  }
0xbe: {  	_ =	sfence.sel $0xFFFF  }
0xbf: {  	[dreg:$0x0] =	wrdreg $0xFFFFFFFF;
	(pc) =	sbr.abs _section_cstart, $3  }
0xc0: {  	[dreg:$0x1] =	wrdreg $0xFFFFFFFF  }
0xc1: {  	_ =	task.clear_ibuf [dreg:s6], $0x2FFFF;
	_ =	strace $0x9FFFFFFF  }
0xc2: {  	(tm) =	ssettm $0x7FFFFFFF  }
0xc3: {  	_ =	shalt  }
tec
execute0_lowered:
.L_overlay_start_1:
0x0: {  	(tag) =	ssettag $0x1  }
0x1: {  	s5 =	rddreg [dreg:$0x0]  }
0x2: {  	s2 =	rddreg [dreg:$0x1]  }
0x3: {  	s0 =	rddreg [dreg:$0x2];
	s3 =	simm.s32 $0x0  }
0x4: {  	s1 =	stileid.u32;
	s4 =	srdreg.scid;
	s17 =	simm.s32 $0x4F00  }
0x5: {  	s18 =	simm.s32 $0x1;
	s19 =	simm.s32 $0x5700;
	s20 =	simm.s32 $0x2  }
0x6: {  	s21 =	simm.s32 $0x3;
	s22 =	simm.s32 $0x100;
	s23 =	simm.s32 $0x2780  }
0x7: {  	s24 =	simm.s32 $0x4;
	s25 =	simm.s32 $0x0;
	[smem:$0x7FF] =	sst s3  }
0x8: {  	s6 =	smul.u32 $0x2710, s1;
	s7 =	sand.u32 $0x1, s4;
	s4 =	sadd.s32 $0x65E00, s5  }
0x9: {  	s9 =	sadd.s32 $0x4000, s5;
	s30 =	sshll.u32 s1, $0x6;
	s31 =	sshll.u32 s1, $0x4  }
0xa: {  	_ =	strace $0x80000050;
	s8 =	smul.u32 $0x27100, s7;
	s11 =	sshll.u32 s7, $0x4  }
0xb: {  	s7 =	ssub.s32 $0x2, s7;
	s10 =	sshrl.u32 s6, $0x3;
	s13 =	sor.u32 s1, s11  }
0xc: {  	s28 =	sshrl.u32 s7, $0x1;
	s16 =	sadd.s32 s6, s2;
	s8 =	sadd.s32 s6, s8  }
0xd: {  	s12 =	smul.u32 $0x2700, s13;
	s10 =	sadd.s32 s10, s5;
	s15 =	ssub.s32 s7, s28  }
0xe: {  	s7 =	sor.u32 $0x1C05, s30;
	p0 =	sgt.u32 s13, $0x3;
	s13 =	sshrl.u32 s16, $0x3  }
.Ltmp0:
0xf: {  	s16 =	simm.s32 $0x80;
	s8 =	sshrl.u32 s8, $0x3;
	(pc) =	sbr.rel .LBB2_1-.Ltmp0, $4  }
0x10: {  	s14 =	sadd.s32 s8, s5;
	s5 =	sadd.s32 $0x6AE00, s10;
	s29 =	sshrl.u32 s12, $0x3  }
0x11: {  	s10 =	sadd.s32 s31, s9;
	s12 =	smax.u32 s15, $0x1;
	s15 =	simm.s32 $0x2700  }
0x12: {  	s6 =	sadd.s32 s9, s29;
	s9 =	sadd.s32 $0x9C00, s10;
	s10 =	sadd.s32 $0x13840, s10  }
0x13: {  	s11 =	sadd.s32 $0x6FE00, s14;
	s14 =	simm.s32 $0x5;
	s8 =	sadd.s32 $0x9C40, s6  }
.LBB2_4:
0x14: {  	[spmem:s2] =	stream.indirect.scatter.add.f32 [tilespmem:s19], [sflag:$0x4], $0x10, s29, s16, $0xb8;
	[tilespmem:$0x8610] =	vst v63  }
0x15: {  	_ =	swait.ge [sflag:s24], $0x800  }
0x16: {  	s26 =	simm.s32 @!p0 $0x80;
	[sflag:s24] =	ssyncset.done $0x0  }
0x17: {  	s28 =	simm.s32 @!p0 $0x4E00;
	s29 =	simm.s32 @!p0 $0x4F00;
	[sflag:s24] =	ssyncadd.s32 $0xFFFFF800  }
0x18: {  	[tilespmem:s29], [sflag:$0x5] =	stream.indirect.gather @!p0 [hbm4b:s4+s26], $0x10, s28, s26, $0xb8;
	[tilespmem:$0x8610] =	vst v63  }
0x19: {  	s28 =	simm.s32 @!p0 $0x5  }
0x1a: {  	_ =	swait.ge @!p0 [sflag:s28], $0x800  }
0x1b: {  	[sflag:s28] =	ssyncset.done @!p0 $0x0  }
0x1c: {  	s30 =	simm.s32 @!p0 $0x4E80;
	[sflag:s28] =	ssyncadd.s32 @!p0 $0xFFFFF800  }
0x1d: {  	[spmem:s2] =	stream.indirect.scatter.add.f32 @!p0 [tilespmem:s29], [sflag:$0x5], $0x10, s30, s26, $0xb8;
	[tilespmem:$0x8610] =	vst v63  }
0x1e: {  	_ =	swait.ge @!p0 [sflag:s28], $0x800  }
0x1f: {  	s25 =	sadd.s32 $0x1, s25;
	[sflag:s28] =	ssyncset.done @!p0 $0x0  }
0x20: {  	p1 =	sne.s32 s25, s12;
	[sflag:s28] =	ssyncadd.s32 @!p0 $0xFFFFF800  }
.Ltmp1:
0x21: {  	[bflag:$0x0] =	sbarrier.arrive $0xFFFF;
	(pc) =	sbr.rel @!p1 .LBB2_5-.Ltmp1, $4  }
0x22: {  	[hbm:s11], [sflag:s7] =	dma.local [spmem:s13], $0x4E2  }
0x23: {  	_ =	swait.ge [sflag:s14], $0x4E2  }
0x24: {  	[sflag:s14] =	ssyncset.done $0x0  }
0x25: {  	[sflag:s14] =	ssyncadd.s32 $0xFFFFFB1E  }
.LBB2_1:
0x26: {  	[spmem:s13], [sflag:s7] =	dma.local [hbm:s5], $0x4E2  }
0x27: {  	_ =	swait.ge [sflag:s14], $0x4E2  }
0x28: {  	[sflag:s14] =	ssyncset.done $0x0  }
0x29: {  	[sflag:s14] =	ssyncadd.s32 $0xFFFFFB1E  }
0x2a: {  	[tilespmem:s3], [sflag:$0x5] =	stream.linear.gather [hbm4b:s6+s3], $0x2700, $0x38;
	[tilespmem:$0x8610] =	vst v63  }
0x2b: {  	_ =	swait.ge [sflag:s14], $0x2700  }
0x2c: {  	[sflag:s14] =	ssyncset.done $0x0  }
0x2d: {  	[sflag:s14] =	ssyncadd.s32 $0xFFFFD900  }
0x2e: {  	[tilespmem:s15], [sflag:$0x5] =	stream.linear.gather [hbm4b:s8+s3], $0x2700, $0x38;
	[tilespmem:$0x8610] =	vst v63  }
0x2f: {  	_ =	swait.ge [sflag:s14], $0x2700  }
0x30: {  	[sflag:s14] =	ssyncset.done $0x0  }
0x31: {  	s26 =	simm.s32 @!p0 $0x0;
	s28 =	simm.s32 @!p0 $0x4E00;
	[sflag:s14] =	ssyncadd.s32 $0xFFFFD900  }
0x32: {  	[tilespmem:s28], [sflag:$0x5] =	stream.linear.gather @!p0 [hbm4b:s9+s26], $0x80, $0x38;
	[tilespmem:$0x8610] =	vst v63  }
0x33: {  	s28 =	simm.s32 @!p0 $0x5  }
0x34: {  	_ =	swait.ge @!p0 [sflag:s28], $0x80  }
0x35: {  	[sflag:s28] =	ssyncset.done @!p0 $0x0  }
0x36: {  	s29 =	simm.s32 @!p0 $0x4E80;
	[sflag:s28] =	ssyncadd.s32 @!p0 $0xFFFFFF80  }
0x37: {  	[tilespmem:s29], [sflag:$0x5] =	stream.linear.gather @!p0 [hbm4b:s10+s26], $0x80, $0x38;
	[tilespmem:$0x8610] =	vst v63  }
0x38: {  	_ =	swait.ge @!p0 [sflag:s28], $0x80  }
0x39: {  	[sflag:s28] =	ssyncset.done @!p0 $0x0  }
0x3a: {  	[sflag:s28] =	ssyncadd.s32 @!p0 $0xFFFFFF80  }
0x3b: {  	[tilespmem:s17], [sflag:$0x1] =	stream.indirect.gather [hbm4b:s4+s16], $0x10, s3, s16, $0xb8;
	[tilespmem:$0x8610] =	vst v63  }
0x3c: {  	[bflag:$0x0] =	sbarrier.arrive $0xFFFF  }
0x3d: {  	_ =	swait.ge [sflag:s18], $0x800  }
0x3e: {  	[sflag:s18] =	ssyncset.done $0x0  }
0x3f: {  	[sflag:s18] =	ssyncadd.s32 $0xFFFFF800  }
0x40: {  	[tilespmem:s19], [sflag:$0x2] =	stream.indirect.gather [hbm4b:s4+s16], $0x10, s16, s16, $0xb8;
	[tilespmem:$0x8610] =	vst v63  }
0x41: {  	_ = 	snop  }
0x42: {  	[spmem:s2] =	stream.indirect.scatter.add.f32 [tilespmem:s17], [sflag:$0x3], $0x10, s15, s16, $0xb8;
	[tilespmem:$0x8610] =	vst v63  }
0x43: {  	_ =	swait.ge [sflag:s20], $0x800  }
0x44: {  	[sflag:s20] =	ssyncset.done $0x0  }
0x45: {  	[sflag:s20] =	ssyncadd.s32 $0xFFFFF800  }
0x46: {  	_ =	swait.ge [sflag:s21], $0x800  }
0x47: {  	[sflag:s21] =	ssyncset.done $0x0  }
0x48: {  	[sflag:s21] =	ssyncadd.s32 $0xFFFFF800  }
0x49: {  	[tilespmem:s17], [sflag:$0x1] =	stream.indirect.gather [hbm4b:s4+s16], $0x10, s22, s16, $0xb8;
	[tilespmem:$0x8610] =	vst v63  }
0x4a: {  	s26 =	simm.s32 $0xFFFF6C00  }
0x4b: {  	[spmem:s2] =	stream.indirect.scatter.add.f32 [tilespmem:s19], [sflag:$0x4], $0x10, s23, s16, $0xb8;
	[tilespmem:$0x8610] =	vst v63  }
.LBB2_2:
0x4c: {  	_ =	swait.ge [sflag:s18], $0x800  }
0x4d: {  	[sflag:s18] =	ssyncset.done $0x0  }
0x4e: {  	[sflag:s18] =	ssyncadd.s32 $0xFFFFF800  }
0x4f: {  	_ =	swait.ge [sflag:s24], $0x800  }
0x50: {  	s28 =	sshra.s32 s26, $0x2;
	[sflag:s24] =	ssyncset.done $0x0  }
0x51: {  	s29 =	sadd.s32 $0x2680, s28;
	[sflag:s24] =	ssyncadd.s32 $0xFFFFF800  }
0x52: {  	[tilespmem:s19], [sflag:$0x2] =	stream.indirect.gather [hbm4b:s4+s16], $0x10, s29, s16, $0xb8;
	[tilespmem:$0x8610] =	vst v63  }
0x53: {  	s29 =	sadd.s32 $0x4D00, s28  }
0x54: {  	[spmem:s2] =	stream.indirect.scatter.add.f32 [tilespmem:s17], [sflag:$0x3], $0x10, s29, s16, $0xb8;
	[tilespmem:$0x8610] =	vst v63  }
0x55: {  	p1 =	seq.s32 s26, $0x0;
	_ =	swait.ge [sflag:s20], $0x800  }
.Ltmp2:
0x56: {  	[sflag:s20] =	ssyncset.done $0x0;
	(pc) =	sbr.rel @p1 .LBB2_4-.Ltmp2, $4  }
0x57: {  	[sflag:s20] =	ssyncadd.s32 $0xFFFFF800  }
0x58: {  	_ =	swait.ge [sflag:s21], $0x800  }
0x59: {  	[sflag:s21] =	ssyncset.done $0x0  }
0x5a: {  	s29 =	sadd.s32 $0x4D80, s28;
	[sflag:s21] =	ssyncadd.s32 $0xFFFFF800  }
.Ltmp3:
0x5b: {  	(pc) =	sbr.rel .LBB2_2-.Ltmp3, $4  }
0x5c: {  	s28 =	sadd.s32 $0x2700, s28  }
0x5d: {  	[tilespmem:s17], [sflag:$0x1] =	stream.indirect.gather [hbm4b:s4+s16], $0x10, s28, s16, $0xb8;
	[tilespmem:$0x8610] =	vst v63  }
0x5e: {  	s26 =	sadd.s32 $0x400, s26  }
0x5f: {  	[spmem:s2] =	stream.indirect.scatter.add.f32 [tilespmem:s19], [sflag:$0x4], $0x10, s29, s16, $0xb8;
	[tilespmem:$0x8610] =	vst v63  }
.LBB2_5:
0x60: {  	_ =	sfence.sel $0x180000  }
0x61: {  	[bflag:$0x0] =	sbarrier.arrive $0xFFFF  }
0x62: {  	p0 =	sne.s32 s1, $0x0;
	_ =	strace $0x90000050  }
0x63: {  	s0 =	sadd.s32 @!p0 $0x100000, s0;
	[bflag:$0x2] =	sbarrier.arrive $0xFFFF  }
0x64: {  	[sflag:s0] =	ssyncadd.tile.s32 @!p0 $0x1;
	_ =	shalt  }
.Lfunc_end2:
_tile_overlayer_lowered:
.L_overlay_start_2:
0x65: {  	(tag) =	ssettag $0x2  }
0x66: {  	s0 =	rddreg [dreg:$0x0];
	s2 =	stileid.u32  }
0x67: {  	s1 =	rddreg [dreg:$0x1];
	p0 =	sne.s32 s2, $0x0  }
0x68: {  	s3 =	rddreg [dreg:$0x2];
	[bflag:$0x3] =	sbarrier.arrive $0xFFFF;
	s2 =	simm.s32 @!p0 $0x1C05  }
0x69: {  	[timem:s3], [sflag:s2] =	dma.local @!p0 [hbm:s0], s1  }
0x6a: {  	s0 =	simm.s32 @!p0 $0x5  }
0x6b: {  	_ =	swait.ge @!p0 [sflag:s0], s1  }
0x6c: {  	s1 =	ssub.s32 @!p0 $0x0, s1;
	[sflag:s0] =	ssyncset.done @!p0 $0x0  }
0x6d: {  	[sflag:s0] =	ssyncadd.s32 @!p0 s1  }
0x6e: {  	[bflag:$0x3] =	sbarrier.arrive $0xFFFF  }
0x6f: {  	_ =	shalt  }

</sc_bundles>
